<compile_context>
chip_gen: v7x
topology: tpu7x:2x2x1
jax: 0.10.2.dev20260603
libtpu: 0.0.44.dev20260713+nightly
codegen_flags: <defaults>
</compile_context>

<pallas_src>
import functools

import jax
import jax.numpy as jnp
from jax import lax
from jax.experimental import pallas as pl
from jax.experimental.pallas import tpu as pltpu
from jax.experimental.pallas import tpu_sc as plsc

NC = 2
NS = 16
NW = NC * NS
K_EDGE = 96


def _mesh():
  return plsc.VectorSubcoreMesh(
      core_axis_name="c", subcore_axis_name="s", num_cores=NC,
      num_subcores=NS)


def _deg_body(npt0, npt1, n_pad, dst_i, ones, zeros16, out, dst_v, ones_v,
              acc):
  cid = lax.axis_index("c")
  sid = lax.axis_index("s")
  nloc = jnp.where(cid == 0, npt0, npt1)
  start = jnp.where(cid == 0, sid * npt0, NS * npt0 + sid * npt1)
  rpt = n_pad // NS
  sl = pl.ds(sid * rpt, rpt)
  pltpu.sync_copy(dst_i.at[pl.ds(start, npt0)], dst_v)
  pltpu.sync_copy(ones, ones_v)
  pltpu.sync_copy(zeros16.at[sl], acc.at[sl])
  plsc.subcore_barrier()

  @pl.loop(0, nloc)
  def _(j):
    pltpu.sync_copy(ones_v, acc.at[dst_v.at[j]], add=True)

  plsc.subcore_barrier()
  pltpu.sync_copy(acc.at[sl], out.at[cid].at[sl])


def _make_deg(npt0, npt1, n_pad):
  return pl.kernel(
      functools.partial(_deg_body, npt0, npt1, n_pad),
      out_type=jax.ShapeDtypeStruct((NC, n_pad, 16), jnp.float32),
      mesh=_mesh(),
      compiler_params=pltpu.CompilerParams(use_tc_tiling_on_sc=False),
      scratch_types=[
          pltpu.VMEM((npt0, K_EDGE), jnp.int32),
          pltpu.VMEM((K_EDGE, 16), jnp.float32),
          pltpu.VMEM_SHARED((n_pad, 16), jnp.float32),
      ],
  )


def _agg_body(npt0, npt1, n_pad, d, nbuf, table, src_i, dst_i, zeros, out,
              *scratch):
  src_v, dst_v = scratch[0], scratch[1]
  rows = list(scratch[2:2 + nbuf])
  sems = list(scratch[2 + nbuf:2 + 2 * nbuf])
  acc = scratch[-1]
  cid = lax.axis_index("c")
  sid = lax.axis_index("s")
  nloc = jnp.where(cid == 0, npt0, npt1)
  start = jnp.where(cid == 0, sid * npt0, NS * npt0 + sid * npt1)
  rpt = n_pad // NS
  sl = pl.ds(sid * rpt, rpt)
  pltpu.sync_copy(src_i.at[pl.ds(start, npt0)], src_v)
  pltpu.sync_copy(dst_i.at[pl.ds(start, npt0)], dst_v)
  pltpu.sync_copy(zeros.at[sl], acc.at[sl])
  plsc.subcore_barrier()

  for c in range(nbuf - 1):
    pltpu.async_copy(table.at[src_v.at[c]], rows[c], sems[c])

  @pl.loop(0, nloc // nbuf)
  def _(i):
    for b in range(nbuf):
      j = nbuf * i + b
      jnext = jnp.minimum(j + nbuf - 1, nloc - 1)
      bn = (b - 1) % nbuf
      pltpu.make_async_copy(table.at[src_v.at[j]], rows[b], sems[b]).wait()
      pltpu.async_copy(table.at[src_v.at[jnext]], rows[bn], sems[bn])
      pltpu.sync_copy(rows[b], acc.at[dst_v.at[j]], add=True)

  for c in range(nbuf - 1):
    pltpu.make_async_copy(table.at[src_v.at[0]], rows[c], sems[c]).wait()
  plsc.subcore_barrier()
  pltpu.sync_copy(acc.at[sl], out.at[cid].at[sl])


def _make_agg(npt0, npt1, n_pad, d, nbuf):
  return pl.kernel(
      functools.partial(_agg_body, npt0, npt1, n_pad, d, nbuf),
      out_type=jax.ShapeDtypeStruct((NC, n_pad, d), jnp.float32),
      mesh=_mesh(),
      compiler_params=pltpu.CompilerParams(use_tc_tiling_on_sc=False),
      scratch_types=[
          pltpu.VMEM((npt0, K_EDGE), jnp.int32),
          pltpu.VMEM((npt0, K_EDGE), jnp.int32),
      ] + [pltpu.VMEM((K_EDGE, d), jnp.float32) for _ in range(nbuf)] + [
          pltpu.SemaphoreType.DMA for _ in range(nbuf)] + [
          pltpu.VMEM_SHARED((n_pad, d), jnp.float32),
      ],
  )


def _s_block(degp, n, r0):
  dsum = degp[0, :, 0:1] + degp[1, :, 0:1]
  s = jnp.where(dsum > 0, lax.rsqrt(jnp.maximum(dsum, 1e-12)), 0.0)
  rows = r0 + lax.broadcasted_iota(jnp.int32, s.shape, 0)
  return jnp.where(rows < n, s, 0.0)


def _lin_first_body(n, r, x_ref, w_ref, degp_ref, o_ref):
  i = pl.program_id(0)
  s = _s_block(degp_ref[...], n, i * r)
  o_ref[...] = s * jnp.dot(x_ref[...], w_ref[...],
                           preferred_element_type=jnp.float32)


def _lin_mid_body(n, r, p_ref, b_ref, w_ref, degp_ref, o_ref):
  i = pl.program_id(0)
  s = _s_block(degp_ref[...], n, i * r)
  z = s * (p_ref[0] + p_ref[1]) + b_ref[...]
  a = jnp.maximum(z, 0.0)
  o_ref[...] = s * jnp.dot(a, w_ref[...], preferred_element_type=jnp.float32)


def _final_body(n, r, nvalid, p_ref, b_ref, degp_ref, o_ref):
  i = pl.program_id(0)
  s = _s_block(degp_ref[...], n, i * r)
  z = s * (p_ref[0] + p_ref[1]) + b_ref[...]
  col = lax.broadcasted_iota(jnp.int32, z.shape, 1)
  valid = col < nvalid
  zm = jnp.where(valid, z, -jnp.inf)
  m = jnp.max(zm, axis=1, keepdims=True)
  e = jnp.where(valid, jnp.exp(zm - m), 0.0)
  lse = jnp.log(jnp.sum(e, axis=1, keepdims=True))
  o_ref[...] = z - m - lse


_R = 512


def _tc_first(n, n_pad, din, dout):
  grid = n_pad // _R
  return pl.pallas_call(
      functools.partial(_lin_first_body, n, _R),
      grid=(grid,),
      in_specs=[
          pl.BlockSpec((_R, din), lambda i: (i, 0)),
          pl.BlockSpec((din, dout), lambda i: (0, 0)),
          pl.BlockSpec((NC, _R, 16), lambda i: (0, i, 0)),
      ],
      out_specs=pl.BlockSpec((_R, dout), lambda i: (i, 0)),
      out_shape=jax.ShapeDtypeStruct((n_pad, dout), jnp.float32),
  )


def _tc_mid(n, n_pad, din, dout):
  grid = n_pad // _R
  return pl.pallas_call(
      functools.partial(_lin_mid_body, n, _R),
      grid=(grid,),
      in_specs=[
          pl.BlockSpec((NC, _R, din), lambda i: (0, i, 0)),
          pl.BlockSpec((1, din), lambda i: (0, 0)),
          pl.BlockSpec((din, dout), lambda i: (0, 0)),
          pl.BlockSpec((NC, _R, 16), lambda i: (0, i, 0)),
      ],
      out_specs=pl.BlockSpec((_R, dout), lambda i: (i, 0)),
      out_shape=jax.ShapeDtypeStruct((n_pad, dout), jnp.float32),
  )


def _tc_final(n, n_pad, d, nvalid):
  grid = n_pad // _R
  return pl.pallas_call(
      functools.partial(_final_body, n, _R, nvalid),
      grid=(grid,),
      in_specs=[
          pl.BlockSpec((NC, _R, d), lambda i: (0, i, 0)),
          pl.BlockSpec((1, d), lambda i: (0, 0)),
          pl.BlockSpec((NC, _R, 16), lambda i: (0, i, 0)),
      ],
      out_specs=pl.BlockSpec((_R, d), lambda i: (i, 0)),
      out_shape=jax.ShapeDtypeStruct((n_pad, d), jnp.float32),
  )


def kernel(x, edge_index, W1, b1, W2, b2, W3, b3):
  n, in_dim = x.shape
  e = edge_index.shape[1]
  h1 = W1.shape[1]
  h2 = W2.shape[1]
  dout = W3.shape[1]
  dout_p = ((dout + 15) // 16) * 16

  n_pad = ((n + _R - 1) // _R) * _R
  e_tot = e + n
  tot = (e_tot + NS * K_EDGE - 1) // (NS * K_EDGE)
  npt0 = min((int(tot * 0.58) + 3) // 4 * 4, 124)
  npt1 = (tot - npt0 + 3) // 4 * 4
  nrows = NS * (npt0 + npt1) + (npt0 - npt1)
  e_pad = nrows * K_EDGE

  loop = jnp.arange(n, dtype=jnp.int32)
  pad = jnp.full((e_pad - e_tot,), n, dtype=jnp.int32)
  src_i = jnp.concatenate(
      [edge_index[0].astype(jnp.int32), loop, pad]).reshape(nrows, K_EDGE)
  dst_i = jnp.concatenate(
      [edge_index[1].astype(jnp.int32), loop, pad]).reshape(nrows, K_EDGE)

  x_pad = jnp.pad(x, ((0, n_pad - n), (0, 0)))
  w3p = jnp.pad(W3, ((0, 0), (0, dout_p - dout)))
  b1r = b1.reshape(1, h1)
  b2r = b2.reshape(1, h2)
  b3r = jnp.pad(b3, (0, dout_p - dout)).reshape(1, dout_p)

  ones16 = jnp.ones((K_EDGE, 16), jnp.float32)
  zeros16 = jnp.zeros((n_pad, 16), jnp.float32)

  degp = _make_deg(npt0, npt1, n_pad)(dst_i, ones16, zeros16)

  t1 = _tc_first(n, n_pad, in_dim, h1)(x_pad, W1, degp)
  t1, sa, da, za = lax.optimization_barrier(
      (t1, src_i, dst_i, jnp.zeros((n_pad, h1), jnp.float32)))
  p1 = _make_agg(npt0, npt1, n_pad, h1, 2)(t1, sa, da, za)
  t2 = _tc_mid(n, n_pad, h1, h2)(p1, b1r, W2, degp)
  t2, sa, da, za = lax.optimization_barrier(
      (t2, src_i, dst_i, jnp.zeros((n_pad, h2), jnp.float32)))
  p2 = _make_agg(npt0, npt1, n_pad, h2, 4)(t2, sa, da, za)
  t3 = _tc_mid(n, n_pad, h2, dout_p)(p2, b2r, w3p, degp)
  t3, sa, da, za = lax.optimization_barrier(
      (t3, src_i, dst_i, jnp.zeros((n_pad, dout_p), jnp.float32)))
  p3 = _make_agg(npt0, npt1, n_pad, dout_p, 4)(t3, sa, da, za)
  o = _tc_final(n, n_pad, dout_p, dout)(p3, b3r, degp)
  return o[:n, :dout]

# --- scband reference (transcript-rebuilt; emitter-appended) ---
"""Pipeline reference for scband-vanila-gcn-6004364280506 (READ-ONLY COPY).

The authoritative reference and input builder live on the scoring server;
editing this copy changes nothing except your own understanding.
"""

import jax, jax.numpy as jnp
import numpy as np

N = 10000
E = 320000
IN_DIM, H1, H2, OUT = 128, 128, 64, 40


def setup_inputs(seed: int = 0) -> dict:
    key = jax.random.key(seed)
    ks = jax.random.split(key, 9)
    x = jax.random.normal(ks[0], (N, IN_DIM), dtype=jnp.float32)
    edge_index = jax.random.randint(ks[1], (2, E), 0, N)
    W1 = jax.random.normal(ks[2], (IN_DIM, H1), dtype=jnp.float32) * 0.05
    b1 = jnp.zeros((H1,), dtype=jnp.float32)
    W2 = jax.random.normal(ks[3], (H1, H2), dtype=jnp.float32) * 0.05
    b2 = jnp.zeros((H2,), dtype=jnp.float32)
    W3 = jax.random.normal(ks[4], (H2, OUT), dtype=jnp.float32) * 0.05
    b3 = jnp.zeros((OUT,), dtype=jnp.float32)
    return {"x": x, "edge_index": edge_index, "W1": W1, "b1": b1, "W2": W2, "b2": b2, "W3": W3, "b3": b3}


def _gcn_conv(x, src, dst, deg_inv_sqrt, W, b):
    # x' = D^{-1/2} (A + I) D^{-1/2} X W + b  (Kipf & Welling GCNConv, self-loops already in src/dst)
    h = x @ W
    norm = deg_inv_sqrt[src] * deg_inv_sqrt[dst]
    msgs = jnp.take(h, src, axis=0) * norm[:, None]
    out = jnp.zeros((x.shape[0], W.shape[1]), dtype=h.dtype).at[dst].add(msgs)
    return out + b


def reference(x, edge_index, W1, b1, W2, b2, W3, b3):
    n = x.shape[0]
    loop = jnp.arange(n, dtype=edge_index.dtype)
    src = jnp.concatenate([edge_index[0], loop])
    dst = jnp.concatenate([edge_index[1], loop])
    deg = jnp.zeros((n,), dtype=jnp.float32).at[dst].add(1.0)
    deg_inv_sqrt = jnp.where(deg > 0, jax.lax.rsqrt(jnp.maximum(deg, 1e-12)), 0.0)
    h = _gcn_conv(x, src, dst, deg_inv_sqrt, W1, b1)
    h = jax.nn.relu(h)
    # dropout is identity in eval mode
    h = _gcn_conv(h, src, dst, deg_inv_sqrt, W2, b2)
    h = jax.nn.relu(h)
    h = _gcn_conv(h, src, dst, deg_inv_sqrt, W3, b3)
    return jax.nn.log_softmax(h, axis=1)

if __name__ == "__main__":
    import jax
    _d = setup_inputs()
    print(jax.jit(kernel)(*tuple(_d.values())))

</pallas_src>

<mosaic_0001>
#map = affine_map<(d0, d1) -> (0, 0)>
#map1 = affine_map<(d0, d1) -> (0, 0, 0)>
module attributes {stable_mosaic.version = 14 : i64} {
  func.func @_agg_body(%arg0: i32, %arg1: i32, %arg2: memref<10240x48xf32, #tpu.memory_space<hbm>>, %arg3: memref<3488x96xi32, #tpu.memory_space<hbm>>, %arg4: memref<3488x96xi32, #tpu.memory_space<hbm>>, %arg5: memref<10240x48xf32, #tpu.memory_space<hbm>>, %arg6: memref<2x10240x48xf32, #tpu.memory_space<hbm>>, %arg7: memref<124x96xi32, #tpu.memory_space<vmem>>, %arg8: memref<124x96xi32, #tpu.memory_space<vmem>>, %arg9: memref<96x48xf32, #tpu.memory_space<vmem>>, %arg10: memref<96x48xf32, #tpu.memory_space<vmem>>, %arg11: memref<96x48xf32, #tpu.memory_space<vmem>>, %arg12: memref<96x48xf32, #tpu.memory_space<vmem>>, %arg13: memref<!tpu.dma_semaphore, #tpu.memory_space<semaphore_mem>>, %arg14: memref<!tpu.dma_semaphore, #tpu.memory_space<semaphore_mem>>, %arg15: memref<!tpu.dma_semaphore, #tpu.memory_space<semaphore_mem>>, %arg16: memref<!tpu.dma_semaphore, #tpu.memory_space<semaphore_mem>>, %arg17: memref<10240x48xf32, #tpu.memory_space<vmem_shared>>) attributes {dimension_semantics = [#tpu.dimension_semantics<core_parallel>, #tpu.dimension_semantics<subcore_parallel>], iteration_bounds = array<i64: 2, 16>, scalar_prefetch = 0 : i64, scratch_operands = 11 : i64, tpu.core_type = #tpu.core_type<sc_vector_subcore>, window_params = [{transform_indices = #map}, {transform_indices = #map}, {transform_indices = #map}, {transform_indices = #map}, {transform_indices = #map1}]} {
    %eq3A = arith.constant 0 : i32
    %eq3A_0 = arith.cmpi eq, %arg0, %eq3A : i32
    %jit3A = arith.constant 124 : i32
    %jit3A_1 = arith.constant 92 : i32
    %select_n3A = arith.select %eq3A_0, %jit3A, %jit3A_1 : i32
    %eq3A_2 = arith.constant 0 : i32
    %eq3A_3 = arith.cmpi eq, %arg0, %eq3A_2 : i32
    %mul3A = arith.constant 124 : i32
    %mul3A_4 = arith.muli %arg1, %mul3A : i32
    %mul3A_5 = arith.constant 92 : i32
    %mul3A_6 = arith.muli %arg1, %mul3A_5 : i32
    %add3A = arith.constant 1984 : i32
    %add3A_7 = arith.addi %add3A, %mul3A_6 : i32
    %select_n3A_8 = arith.select %eq3A_3, %mul3A_4, %add3A_7 : i32
    %mul3A_9 = arith.constant 640 : i32
    %mul3A_10 = arith.muli %arg1, %mul3A_9 : i32
    "tpu.region"() ({
      %run_scoped3A = tpu.sem_alloc : memref<!tpu.dma_semaphore, #tpu.memory_space<semaphore_mem>>
      %dma_start3A_88 = arith.constant 0 : i32
      %dma_start3A_89 = tpu.memref_slice %arg3[%select_n3A_8, %dma_start3A_88] : memref<3488x96xi32, #tpu.memory_space<hbm>> -> memref<124x96xi32, #tpu.memory_space<hbm>>
      %dma_start3A_90 = arith.constant 0 : i32
      %dma_start3A_91 = tpu.memref_slice %arg3[%select_n3A_8, %dma_start3A_90] : memref<3488x96xi32, #tpu.memory_space<hbm>> -> memref<124x96xi32, #tpu.memory_space<hbm>>
      tpu.enqueue_dma source(%dma_start3A_91 : memref<124x96xi32, #tpu.memory_space<hbm>>) target(%arg7 : memref<124x96xi32, #tpu.memory_space<vmem>>) target_semaphore(%run_scoped3A : memref<!tpu.dma_semaphore, #tpu.memory_space<semaphore_mem>>)
      %dma_wait3A_92 = arith.constant 0 : i32
      %dma_wait3A_93 = tpu.memref_slice %arg3[%select_n3A_8, %dma_wait3A_92] : memref<3488x96xi32, #tpu.memory_space<hbm>> -> memref<124x96xi32, #tpu.memory_space<hbm>>
      %dma_wait3A_94 = arith.constant 0 : i32
      %dma_wait3A_95 = tpu.memref_slice %arg3[%select_n3A_8, %dma_wait3A_94] : memref<3488x96xi32, #tpu.memory_space<hbm>> -> memref<124x96xi32, #tpu.memory_space<hbm>>
      tpu.wait_dma2 semaphore(%run_scoped3A : memref<!tpu.dma_semaphore, #tpu.memory_space<semaphore_mem>>) src(%dma_wait3A_95 : memref<124x96xi32, #tpu.memory_space<hbm>>) dst(%arg7 : memref<124x96xi32, #tpu.memory_space<vmem>>)
      tpu.yield
    }) : () -> ()
    "tpu.region"() ({
      %run_scoped3A = tpu.sem_alloc : memref<!tpu.dma_semaphore, #tpu.memory_space<semaphore_mem>>
      %dma_start3A_88 = arith.constant 0 : i32
      %dma_start3A_89 = tpu.memref_slice %arg4[%select_n3A_8, %dma_start3A_88] : memref<3488x96xi32, #tpu.memory_space<hbm>> -> memref<124x96xi32, #tpu.memory_space<hbm>>
      %dma_start3A_90 = arith.constant 0 : i32
      %dma_start3A_91 = tpu.memref_slice %arg4[%select_n3A_8, %dma_start3A_90] : memref<3488x96xi32, #tpu.memory_space<hbm>> -> memref<124x96xi32, #tpu.memory_space<hbm>>
      tpu.enqueue_dma source(%dma_start3A_91 : memref<124x96xi32, #tpu.memory_space<hbm>>) target(%arg8 : memref<124x96xi32, #tpu.memory_space<vmem>>) target_semaphore(%run_scoped3A : memref<!tpu.dma_semaphore, #tpu.memory_space<semaphore_mem>>)
      %dma_wait3A_92 = arith.constant 0 : i32
      %dma_wait3A_93 = tpu.memref_slice %arg4[%select_n3A_8, %dma_wait3A_92] : memref<3488x96xi32, #tpu.memory_space<hbm>> -> memref<124x96xi32, #tpu.memory_space<hbm>>
      %dma_wait3A_94 = arith.constant 0 : i32
      %dma_wait3A_95 = tpu.memref_slice %arg4[%select_n3A_8, %dma_wait3A_94] : memref<3488x96xi32, #tpu.memory_space<hbm>> -> memref<124x96xi32, #tpu.memory_space<hbm>>
      tpu.wait_dma2 semaphore(%run_scoped3A : memref<!tpu.dma_semaphore, #tpu.memory_space<semaphore_mem>>) src(%dma_wait3A_95 : memref<124x96xi32, #tpu.memory_space<hbm>>) dst(%arg8 : memref<124x96xi32, #tpu.memory_space<vmem>>)
      tpu.yield
    }) : () -> ()
    "tpu.region"() ({
      %run_scoped3A = tpu.sem_alloc : memref<!tpu.dma_semaphore, #tpu.memory_space<semaphore_mem>>
      %dma_start3A_88 = arith.constant 0 : i32
      %dma_start3A_89 = tpu.memref_slice %arg17[%mul3A_10, %dma_start3A_88] : memref<10240x48xf32, #tpu.memory_space<vmem_shared>> -> memref<640x48xf32, #tpu.memory_space<vmem_shared>>
      %dma_start3A_90 = arith.constant 0 : i32
      %dma_start3A_91 = tpu.memref_slice %arg5[%mul3A_10, %dma_start3A_90] : memref<10240x48xf32, #tpu.memory_space<hbm>> -> memref<640x48xf32, #tpu.memory_space<hbm>>
      tpu.enqueue_dma source(%dma_start3A_91 : memref<640x48xf32, #tpu.memory_space<hbm>>) target(%dma_start3A_89 : memref<640x48xf32, #tpu.memory_space<vmem_shared>>) target_semaphore(%run_scoped3A : memref<!tpu.dma_semaphore, #tpu.memory_space<semaphore_mem>>)
      %dma_wait3A_92 = arith.constant 0 : i32
      %dma_wait3A_93 = tpu.memref_slice %arg17[%mul3A_10, %dma_wait3A_92] : memref<10240x48xf32, #tpu.memory_space<vmem_shared>> -> memref<640x48xf32, #tpu.memory_space<vmem_shared>>
      %dma_wait3A_94 = arith.constant 0 : i32
      %dma_wait3A_95 = tpu.memref_slice %arg5[%mul3A_10, %dma_wait3A_94] : memref<10240x48xf32, #tpu.memory_space<hbm>> -> memref<640x48xf32, #tpu.memory_space<hbm>>
      tpu.wait_dma2 semaphore(%run_scoped3A : memref<!tpu.dma_semaphore, #tpu.memory_space<semaphore_mem>>) src(%dma_wait3A_95 : memref<640x48xf32, #tpu.memory_space<hbm>>) dst(%dma_wait3A_93 : memref<640x48xf32, #tpu.memory_space<vmem_shared>>)
      tpu.yield
    }) : () -> ()
    %barrier3A = arith.constant 0 : index
    tpu.barrier barrier_id(%barrier3A)
    %dma_start3A = arith.constant 0 : i32
    %dma_start3A_11 = arith.constant 0 : i32
    %dma_start3A_12 = tpu.memref_slice %arg7[%dma_start3A, %dma_start3A_11] : memref<124x96xi32, #tpu.memory_space<vmem>> -> memref<1x96xi32, #tpu.memory_space<vmem>>
    %dma_start3A_13 = tpu.memref_squeeze %dma_start3A_12 : memref<1x96xi32, #tpu.memory_space<vmem>> -> memref<96xi32, #tpu.memory_space<vmem>>
    %dma_start3A_14 = arith.constant 0 : i32
    %dma_start3A_15 = arith.constant 0 : i32
    %dma_start3A_16 = tpu.memref_slice %arg2[%dma_start3A_14, %dma_start3A_15] : memref<10240x48xf32, #tpu.memory_space<hbm>> -> memref<10240x48xf32, #tpu.memory_space<hbm>>
    tpu.enqueue_indirect_dma source(%dma_start3A_16 : memref<10240x48xf32, #tpu.memory_space<hbm>>) target(%arg9 : memref<96x48xf32, #tpu.memory_space<vmem>>) offsets(%dma_start3A_13 : memref<96xi32, #tpu.memory_space<vmem>>) semaphore(%arg13 : memref<!tpu.dma_semaphore, #tpu.memory_space<semaphore_mem>>)
    %dma_start3A_17 = arith.constant 1 : i32
    %dma_start3A_18 = arith.constant 0 : i32
    %dma_start3A_19 = tpu.memref_slice %arg7[%dma_start3A_17, %dma_start3A_18] : memref<124x96xi32, #tpu.memory_space<vmem>> -> memref<1x96xi32, #tpu.memory_space<vmem>>
    %dma_start3A_20 = tpu.memref_squeeze %dma_start3A_19 : memref<1x96xi32, #tpu.memory_space<vmem>> -> memref<96xi32, #tpu.memory_space<vmem>>
    %dma_start3A_21 = arith.constant 0 : i32
    %dma_start3A_22 = arith.constant 0 : i32
    %dma_start3A_23 = tpu.memref_slice %arg2[%dma_start3A_21, %dma_start3A_22] : memref<10240x48xf32, #tpu.memory_space<hbm>> -> memref<10240x48xf32, #tpu.memory_space<hbm>>
    tpu.enqueue_indirect_dma source(%dma_start3A_23 : memref<10240x48xf32, #tpu.memory_space<hbm>>) target(%arg10 : memref<96x48xf32, #tpu.memory_space<vmem>>) offsets(%dma_start3A_20 : memref<96xi32, #tpu.memory_space<vmem>>) semaphore(%arg14 : memref<!tpu.dma_semaphore, #tpu.memory_space<semaphore_mem>>)
    %dma_start3A_24 = arith.constant 2 : i32
    %dma_start3A_25 = arith.constant 0 : i32
    %dma_start3A_26 = tpu.memref_slice %arg7[%dma_start3A_24, %dma_start3A_25] : memref<124x96xi32, #tpu.memory_space<vmem>> -> memref<1x96xi32, #tpu.memory_space<vmem>>
    %dma_start3A_27 = tpu.memref_squeeze %dma_start3A_26 : memref<1x96xi32, #tpu.memory_space<vmem>> -> memref<96xi32, #tpu.memory_space<vmem>>
    %dma_start3A_28 = arith.constant 0 : i32
    %dma_start3A_29 = arith.constant 0 : i32
    %dma_start3A_30 = tpu.memref_slice %arg2[%dma_start3A_28, %dma_start3A_29] : memref<10240x48xf32, #tpu.memory_space<hbm>> -> memref<10240x48xf32, #tpu.memory_space<hbm>>
    tpu.enqueue_indirect_dma source(%dma_start3A_30 : memref<10240x48xf32, #tpu.memory_space<hbm>>) target(%arg11 : memref<96x48xf32, #tpu.memory_space<vmem>>) offsets(%dma_start3A_27 : memref<96xi32, #tpu.memory_space<vmem>>) semaphore(%arg15 : memref<!tpu.dma_semaphore, #tpu.memory_space<semaphore_mem>>)
    %jit3A_31 = arith.constant 4 : i32
    %div3A = arith.divsi %select_n3A, %jit3A_31 : i32
    %sign3A = arith.constant 0 : i32
    %sign3A_32 = arith.cmpi sgt, %select_n3A, %sign3A : i32
    %sign3A_33 = arith.extui %sign3A_32 : i1 to i32
    %sign3A_34 = arith.constant 0 : i32
    %sign3A_35 = arith.cmpi slt, %select_n3A, %sign3A_34 : i32
    %sign3A_36 = arith.extui %sign3A_35 : i1 to i32
    %sign3A_37 = arith.subi %sign3A_33, %sign3A_36 : i32
    %sign3A_38 = arith.constant 0 : i32
    %sign3A_39 = arith.cmpi sgt, %jit3A_31, %sign3A_38 : i32
    %sign3A_40 = arith.extui %sign3A_39 : i1 to i32
    %sign3A_41 = arith.constant 0 : i32
    %sign3A_42 = arith.cmpi slt, %jit3A_31, %sign3A_41 : i32
    %sign3A_43 = arith.extui %sign3A_42 : i1 to i32
    %sign3A_44 = arith.subi %sign3A_40, %sign3A_43 : i32
    %ne3A = arith.cmpi ne, %sign3A_37, %sign3A_44 : i32
    %rem3A = arith.remsi %select_n3A, %jit3A_31 : i32
    %ne3A_45 = arith.constant 0 : i32
    %ne3A_46 = arith.cmpi ne, %rem3A, %ne3A_45 : i32
    %and3A = arith.andi %ne3A, %ne3A_46 : i1
    %sub3A = arith.constant 1 : i32
    %sub3A_47 = arith.subi %div3A, %sub3A : i32
    %select_n3A_48 = arith.select %and3A, %sub3A_47, %div3A : i32
    %sub3A_49 = arith.constant 0 : i32
    %sub3A_50 = arith.subi %select_n3A_48, %sub3A_49 : i32
    %sub3A_51 = arith.constant 1 : i32
    %sub3A_52 = arith.constant 1 : i32
    %sub3A_53 = arith.subi %sub3A_51, %sub3A_52 : i32
    %add3A_54 = arith.addi %sub3A_50, %sub3A_53 : i32
    %div3A_55 = arith.constant 1 : i32
    %div3A_56 = arith.divsi %add3A_54, %div3A_55 : i32
    %while3A = arith.constant 1 : i32
    %while3A_57 = arith.constant 0 : i32
    %while3A_58 = arith.constant 0 : i32
    %while3A_59 = arith.subi %div3A_56, %while3A_58 : i32
    %while3A_60 = arith.addi %while3A_58, %while3A_59 : i32
    %while3A_61 = arith.constant 1 : i32
    %while3A_62 = arith.divsi %while3A_59, %while3A_61 : i32
    %while3A_63 = arith.muli %while3A_62, %while3A_61 : i32
    %while3A_64 = arith.addi %while3A_58, %while3A_63 : i32
    %while3A_65 = arith.constant 1 : i32
    scf.for %while3A_88 = %while3A_58 to %while3A_64 step %while3A_65  : i32 {
      %mul3A_89 = arith.muli %while3A_88, %while3A : i32
      %add3A_90 = arith.addi %while3A_57, %mul3A_89 : i32
      %mul3A_91 = arith.constant 4 : i32
      %mul3A_92 = arith.muli %mul3A_91, %add3A_90 : i32
      %add3A_93 = arith.constant 0 : i32
      %add3A_94 = arith.addi %mul3A_92, %add3A_93 : i32
      %add3A_95 = arith.constant 4 : i32
      %add3A_96 = arith.addi %add3A_94, %add3A_95 : i32
      %sub3A_97 = arith.constant 1 : i32
      %sub3A_98 = arith.subi %add3A_96, %sub3A_97 : i32
      %sub3A_99 = arith.constant 1 : i32
      %sub3A_100 = arith.subi %select_n3A, %sub3A_99 : i32
      %min3A = arith.minsi %sub3A_98, %sub3A_100 : i32
      %dma_wait3A_101 = arith.constant 0 : i32
      %dma_wait3A_102 = tpu.memref_slice %arg7[%add3A_94, %dma_wait3A_101] : memref<124x96xi32, #tpu.memory_space<vmem>> -> memref<1x96xi32, #tpu.memory_space<vmem>>
      %dma_wait3A_103 = tpu.memref_squeeze %dma_wait3A_102 : memref<1x96xi32, #tpu.memory_space<vmem>> -> memref<96xi32, #tpu.memory_space<vmem>>
      %dma_wait3A_104 = arith.constant 0 : i32
      %dma_wait3A_105 = arith.constant 0 : i32
      %dma_wait3A_106 = tpu.memref_slice %arg2[%dma_wait3A_104, %dma_wait3A_105] : memref<10240x48xf32, #tpu.memory_space<hbm>> -> memref<10240x48xf32, #tpu.memory_space<hbm>>
      tpu.wait_indirect_dma semaphore(%arg13 : memref<!tpu.dma_semaphore, #tpu.memory_space<semaphore_mem>>) src(%dma_wait3A_106 : memref<10240x48xf32, #tpu.memory_space<hbm>>) dst(%arg9 : memref<96x48xf32, #tpu.memory_space<vmem>>)
      %dma_start3A_107 = arith.constant 0 : i32
      %dma_start3A_108 = tpu.memref_slice %arg7[%min3A, %dma_start3A_107] : memref<124x96xi32, #tpu.memory_space<vmem>> -> memref<1x96xi32, #tpu.memory_space<vmem>>
      %dma_start3A_109 = tpu.memref_squeeze %dma_start3A_108 : memref<1x96xi32, #tpu.memory_space<vmem>> -> memref<96xi32, #tpu.memory_space<vmem>>
      %dma_start3A_110 = arith.constant 0 : i32
      %dma_start3A_111 = arith.constant 0 : i32
      %dma_start3A_112 = tpu.memref_slice %arg2[%dma_start3A_110, %dma_start3A_111] : memref<10240x48xf32, #tpu.memory_space<hbm>> -> memref<10240x48xf32, #tpu.memory_space<hbm>>
      tpu.enqueue_indirect_dma source(%dma_start3A_112 : memref<10240x48xf32, #tpu.memory_space<hbm>>) target(%arg12 : memref<96x48xf32, #tpu.memory_space<vmem>>) offsets(%dma_start3A_109 : memref<96xi32, #tpu.memory_space<vmem>>) semaphore(%arg16 : memref<!tpu.dma_semaphore, #tpu.memory_space<semaphore_mem>>)
      "tpu.region"() ({
        %run_scoped3A = tpu.sem_alloc : memref<!tpu.dma_semaphore, #tpu.memory_space<semaphore_mem>>
        %dma_start3A_182 = arith.constant 0 : i32
        %dma_start3A_183 = tpu.memref_slice %arg8[%add3A_94, %dma_start3A_182] : memref<124x96xi32, #tpu.memory_space<vmem>> -> memref<1x96xi32, #tpu.memory_space<vmem>>
        %dma_start3A_184 = tpu.memref_squeeze %dma_start3A_183 : memref<1x96xi32, #tpu.memory_space<vmem>> -> memref<96xi32, #tpu.memory_space<vmem>>
        %dma_start3A_185 = arith.constant 0 : i32
        %dma_start3A_186 = arith.constant 0 : i32
        %dma_start3A_187 = tpu.memref_slice %arg17[%dma_start3A_185, %dma_start3A_186] : memref<10240x48xf32, #tpu.memory_space<vmem_shared>> -> memref<10240x48xf32, #tpu.memory_space<vmem_shared>>
        tpu.enqueue_indirect_dma source(%arg9 : memref<96x48xf32, #tpu.memory_space<vmem>>) target(%dma_start3A_187 : memref<10240x48xf32, #tpu.memory_space<vmem_shared>>) offsets(%dma_start3A_184 : memref<96xi32, #tpu.memory_space<vmem>>) semaphore(%run_scoped3A : memref<!tpu.dma_semaphore, #tpu.memory_space<semaphore_mem>>) {add = true}
        %dma_wait3A_188 = arith.constant 0 : i32
        %dma_wait3A_189 = tpu.memref_slice %arg8[%add3A_94, %dma_wait3A_188] : memref<124x96xi32, #tpu.memory_space<vmem>> -> memref<1x96xi32, #tpu.memory_space<vmem>>
        %dma_wait3A_190 = tpu.memref_squeeze %dma_wait3A_189 : memref<1x96xi32, #tpu.memory_space<vmem>> -> memref<96xi32, #tpu.memory_space<vmem>>
        %dma_wait3A_191 = arith.constant 0 : i32
        %dma_wait3A_192 = arith.constant 0 : i32
        %dma_wait3A_193 = tpu.memref_slice %arg17[%dma_wait3A_191, %dma_wait3A_192] : memref<10240x48xf32, #tpu.memory_space<vmem_shared>> -> memref<10240x48xf32, #tpu.memory_space<vmem_shared>>
        tpu.wait_indirect_dma semaphore(%run_scoped3A : memref<!tpu.dma_semaphore, #tpu.memory_space<semaphore_mem>>) src(%arg9 : memref<96x48xf32, #tpu.memory_space<vmem>>) dst(%dma_wait3A_193 : memref<10240x48xf32, #tpu.memory_space<vmem_shared>>)
        tpu.yield
      }) : () -> ()
      %mul3A_113 = arith.constant 4 : i32
      %mul3A_114 = arith.muli %mul3A_113, %add3A_90 : i32
      %add3A_115 = arith.constant 1 : i32
      %add3A_116 = arith.addi %mul3A_114, %add3A_115 : i32
      %add3A_117 = arith.constant 4 : i32
      %add3A_118 = arith.addi %add3A_116, %add3A_117 : i32
      %sub3A_119 = arith.constant 1 : i32
      %sub3A_120 = arith.subi %add3A_118, %sub3A_119 : i32
      %sub3A_121 = arith.constant 1 : i32
      %sub3A_122 = arith.subi %select_n3A, %sub3A_121 : i32
      %min3A_123 = arith.minsi %sub3A_120, %sub3A_122 : i32
      %dma_wait3A_124 = arith.constant 0 : i32
      %dma_wait3A_125 = tpu.memref_slice %arg7[%add3A_116, %dma_wait3A_124] : memref<124x96xi32, #tpu.memory_space<vmem>> -> memref<1x96xi32, #tpu.memory_space<vmem>>
      %dma_wait3A_126 = tpu.memref_squeeze %dma_wait3A_125 : memref<1x96xi32, #tpu.memory_space<vmem>> -> memref<96xi32, #tpu.memory_space<vmem>>
      %dma_wait3A_127 = arith.constant 0 : i32
      %dma_wait3A_128 = arith.constant 0 : i32
      %dma_wait3A_129 = tpu.memref_slice %arg2[%dma_wait3A_127, %dma_wait3A_128] : memref<10240x48xf32, #tpu.memory_space<hbm>> -> memref<10240x48xf32, #tpu.memory_space<hbm>>
      tpu.wait_indirect_dma semaphore(%arg14 : memref<!tpu.dma_semaphore, #tpu.memory_space<semaphore_mem>>) src(%dma_wait3A_129 : memref<10240x48xf32, #tpu.memory_space<hbm>>) dst(%arg10 : memref<96x48xf32, #tpu.memory_space<vmem>>)
      %dma_start3A_130 = arith.constant 0 : i32
      %dma_start3A_131 = tpu.memref_slice %arg7[%min3A_123, %dma_start3A_130] : memref<124x96xi32, #tpu.memory_space<vmem>> -> memref<1x96xi32, #tpu.memory_space<vmem>>
      %dma_start3A_132 = tpu.memref_squeeze %dma_start3A_131 : memref<1x96xi32, #tpu.memory_space<vmem>> -> memref<96xi32, #tpu.memory_space<vmem>>
      %dma_start3A_133 = arith.constant 0 : i32
      %dma_start3A_134 = arith.constant 0 : i32
      %dma_start3A_135 = tpu.memref_slice %arg2[%dma_start3A_133, %dma_start3A_134] : memref<10240x48xf32, #tpu.memory_space<hbm>> -> memref<10240x48xf32, #tpu.memory_space<hbm>>
      tpu.enqueue_indirect_dma source(%dma_start3A_135 : memref<10240x48xf32, #tpu.memory_space<hbm>>) target(%arg9 : memref<96x48xf32, #tpu.memory_space<vmem>>) offsets(%dma_start3A_132 : memref<96xi32, #tpu.memory_space<vmem>>) semaphore(%arg13 : memref<!tpu.dma_semaphore, #tpu.memory_space<semaphore_mem>>)
      "tpu.region"() ({
        %run_scoped3A = tpu.sem_alloc : memref<!tpu.dma_semaphore, #tpu.memory_space<semaphore_mem>>
        %dma_start3A_182 = arith.constant 0 : i32
        %dma_start3A_183 = tpu.memref_slice %arg8[%add3A_116, %dma_start3A_182] : memref<124x96xi32, #tpu.memory_space<vmem>> -> memref<1x96xi32, #tpu.memory_space<vmem>>
        %dma_start3A_184 = tpu.memref_squeeze %dma_start3A_183 : memref<1x96xi32, #tpu.memory_space<vmem>> -> memref<96xi32, #tpu.memory_space<vmem>>
        %dma_start3A_185 = arith.constant 0 : i32
        %dma_start3A_186 = arith.constant 0 : i32
        %dma_start3A_187 = tpu.memref_slice %arg17[%dma_start3A_185, %dma_start3A_186] : memref<10240x48xf32, #tpu.memory_space<vmem_shared>> -> memref<10240x48xf32, #tpu.memory_space<vmem_shared>>
        tpu.enqueue_indirect_dma source(%arg10 : memref<96x48xf32, #tpu.memory_space<vmem>>) target(%dma_start3A_187 : memref<10240x48xf32, #tpu.memory_space<vmem_shared>>) offsets(%dma_start3A_184 : memref<96xi32, #tpu.memory_space<vmem>>) semaphore(%run_scoped3A : memref<!tpu.dma_semaphore, #tpu.memory_space<semaphore_mem>>) {add = true}
        %dma_wait3A_188 = arith.constant 0 : i32
        %dma_wait3A_189 = tpu.memref_slice %arg8[%add3A_116, %dma_wait3A_188] : memref<124x96xi32, #tpu.memory_space<vmem>> -> memref<1x96xi32, #tpu.memory_space<vmem>>
        %dma_wait3A_190 = tpu.memref_squeeze %dma_wait3A_189 : memref<1x96xi32, #tpu.memory_space<vmem>> -> memref<96xi32, #tpu.memory_space<vmem>>
        %dma_wait3A_191 = arith.constant 0 : i32
        %dma_wait3A_192 = arith.constant 0 : i32
        %dma_wait3A_193 = tpu.memref_slice %arg17[%dma_wait3A_191, %dma_wait3A_192] : memref<10240x48xf32, #tpu.memory_space<vmem_shared>> -> memref<10240x48xf32, #tpu.memory_space<vmem_shared>>
        tpu.wait_indirect_dma semaphore(%run_scoped3A : memref<!tpu.dma_semaphore, #tpu.memory_space<semaphore_mem>>) src(%arg10 : memref<96x48xf32, #tpu.memory_space<vmem>>) dst(%dma_wait3A_193 : memref<10240x48xf32, #tpu.memory_space<vmem_shared>>)
        tpu.yield
      }) : () -> ()
      %mul3A_136 = arith.constant 4 : i32
      %mul3A_137 = arith.muli %mul3A_136, %add3A_90 : i32
      %add3A_138 = arith.constant 2 : i32
      %add3A_139 = arith.addi %mul3A_137, %add3A_138 : i32
      %add3A_140 = arith.constant 4 : i32
      %add3A_141 = arith.addi %add3A_139, %add3A_140 : i32
      %sub3A_142 = arith.constant 1 : i32
      %sub3A_143 = arith.subi %add3A_141, %sub3A_142 : i32
      %sub3A_144 = arith.constant 1 : i32
      %sub3A_145 = arith.subi %select_n3A, %sub3A_144 : i32
      %min3A_146 = arith.minsi %sub3A_143, %sub3A_145 : i32
      %dma_wait3A_147 = arith.constant 0 : i32
      %dma_wait3A_148 = tpu.memref_slice %arg7[%add3A_139, %dma_wait3A_147] : memref<124x96xi32, #tpu.memory_space<vmem>> -> memref<1x96xi32, #tpu.memory_space<vmem>>
      %dma_wait3A_149 = tpu.memref_squeeze %dma_wait3A_148 : memref<1x96xi32, #tpu.memory_space<vmem>> -> memref<96xi32, #tpu.memory_space<vmem>>
      %dma_wait3A_150 = arith.constant 0 : i32
      %dma_wait3A_151 = arith.constant 0 : i32
      %dma_wait3A_152 = tpu.memref_slice %arg2[%dma_wait3A_150, %dma_wait3A_151] : memref<10240x48xf32, #tpu.memory_space<hbm>> -> memref<10240x48xf32, #tpu.memory_space<hbm>>
      tpu.wait_indirect_dma semaphore(%arg15 : memref<!tpu.dma_semaphore, #tpu.memory_space<semaphore_mem>>) src(%dma_wait3A_152 : memref<10240x48xf32, #tpu.memory_space<hbm>>) dst(%arg11 : memref<96x48xf32, #tpu.memory_space<vmem>>)
      %dma_start3A_153 = arith.constant 0 : i32
      %dma_start3A_154 = tpu.memref_slice %arg7[%min3A_146, %dma_start3A_153] : memref<124x96xi32, #tpu.memory_space<vmem>> -> memref<1x96xi32, #tpu.memory_space<vmem>>
      %dma_start3A_155 = tpu.memref_squeeze %dma_start3A_154 : memref<1x96xi32, #tpu.memory_space<vmem>> -> memref<96xi32, #tpu.memory_space<vmem>>
      %dma_start3A_156 = arith.constant 0 : i32
      %dma_start3A_157 = arith.constant 0 : i32
      %dma_start3A_158 = tpu.memref_slice %arg2[%dma_start3A_156, %dma_start3A_157] : memref<10240x48xf32, #tpu.memory_space<hbm>> -> memref<10240x48xf32, #tpu.memory_space<hbm>>
      tpu.enqueue_indirect_dma source(%dma_start3A_158 : memref<10240x48xf32, #tpu.memory_space<hbm>>) target(%arg10 : memref<96x48xf32, #tpu.memory_space<vmem>>) offsets(%dma_start3A_155 : memref<96xi32, #tpu.memory_space<vmem>>) semaphore(%arg14 : memref<!tpu.dma_semaphore, #tpu.memory_space<semaphore_mem>>)
      "tpu.region"() ({
        %run_scoped3A = tpu.sem_alloc : memref<!tpu.dma_semaphore, #tpu.memory_space<semaphore_mem>>
        %dma_start3A_182 = arith.constant 0 : i32
        %dma_start3A_183 = tpu.memref_slice %arg8[%add3A_139, %dma_start3A_182] : memref<124x96xi32, #tpu.memory_space<vmem>> -> memref<1x96xi32, #tpu.memory_space<vmem>>
        %dma_start3A_184 = tpu.memref_squeeze %dma_start3A_183 : memref<1x96xi32, #tpu.memory_space<vmem>> -> memref<96xi32, #tpu.memory_space<vmem>>
        %dma_start3A_185 = arith.constant 0 : i32
        %dma_start3A_186 = arith.constant 0 : i32
        %dma_start3A_187 = tpu.memref_slice %arg17[%dma_start3A_185, %dma_start3A_186] : memref<10240x48xf32, #tpu.memory_space<vmem_shared>> -> memref<10240x48xf32, #tpu.memory_space<vmem_shared>>
        tpu.enqueue_indirect_dma source(%arg11 : memref<96x48xf32, #tpu.memory_space<vmem>>) target(%dma_start3A_187 : memref<10240x48xf32, #tpu.memory_space<vmem_shared>>) offsets(%dma_start3A_184 : memref<96xi32, #tpu.memory_space<vmem>>) semaphore(%run_scoped3A : memref<!tpu.dma_semaphore, #tpu.memory_space<semaphore_mem>>) {add = true}
        %dma_wait3A_188 = arith.constant 0 : i32
        %dma_wait3A_189 = tpu.memref_slice %arg8[%add3A_139, %dma_wait3A_188] : memref<124x96xi32, #tpu.memory_space<vmem>> -> memref<1x96xi32, #tpu.memory_space<vmem>>
        %dma_wait3A_190 = tpu.memref_squeeze %dma_wait3A_189 : memref<1x96xi32, #tpu.memory_space<vmem>> -> memref<96xi32, #tpu.memory_space<vmem>>
        %dma_wait3A_191 = arith.constant 0 : i32
        %dma_wait3A_192 = arith.constant 0 : i32
        %dma_wait3A_193 = tpu.memref_slice %arg17[%dma_wait3A_191, %dma_wait3A_192] : memref<10240x48xf32, #tpu.memory_space<vmem_shared>> -> memref<10240x48xf32, #tpu.memory_space<vmem_shared>>
        tpu.wait_indirect_dma semaphore(%run_scoped3A : memref<!tpu.dma_semaphore, #tpu.memory_space<semaphore_mem>>) src(%arg11 : memref<96x48xf32, #tpu.memory_space<vmem>>) dst(%dma_wait3A_193 : memref<10240x48xf32, #tpu.memory_space<vmem_shared>>)
        tpu.yield
      }) : () -> ()
      %mul3A_159 = arith.constant 4 : i32
      %mul3A_160 = arith.muli %mul3A_159, %add3A_90 : i32
      %add3A_161 = arith.constant 3 : i32
      %add3A_162 = arith.addi %mul3A_160, %add3A_161 : i32
      %add3A_163 = arith.constant 4 : i32
      %add3A_164 = arith.addi %add3A_162, %add3A_163 : i32
      %sub3A_165 = arith.constant 1 : i32
      %sub3A_166 = arith.subi %add3A_164, %sub3A_165 : i32
      %sub3A_167 = arith.constant 1 : i32
      %sub3A_168 = arith.subi %select_n3A, %sub3A_167 : i32
      %min3A_169 = arith.minsi %sub3A_166, %sub3A_168 : i32
      %dma_wait3A_170 = arith.constant 0 : i32
      %dma_wait3A_171 = tpu.memref_slice %arg7[%add3A_162, %dma_wait3A_170] : memref<124x96xi32, #tpu.memory_space<vmem>> -> memref<1x96xi32, #tpu.memory_space<vmem>>
      %dma_wait3A_172 = tpu.memref_squeeze %dma_wait3A_171 : memref<1x96xi32, #tpu.memory_space<vmem>> -> memref<96xi32, #tpu.memory_space<vmem>>
      %dma_wait3A_173 = arith.constant 0 : i32
      %dma_wait3A_174 = arith.constant 0 : i32
      %dma_wait3A_175 = tpu.memref_slice %arg2[%dma_wait3A_173, %dma_wait3A_174] : memref<10240x48xf32, #tpu.memory_space<hbm>> -> memref<10240x48xf32, #tpu.memory_space<hbm>>
      tpu.wait_indirect_dma semaphore(%arg16 : memref<!tpu.dma_semaphore, #tpu.memory_space<semaphore_mem>>) src(%dma_wait3A_175 : memref<10240x48xf32, #tpu.memory_space<hbm>>) dst(%arg12 : memref<96x48xf32, #tpu.memory_space<vmem>>)
      %dma_start3A_176 = arith.constant 0 : i32
      %dma_start3A_177 = tpu.memref_slice %arg7[%min3A_169, %dma_start3A_176] : memref<124x96xi32, #tpu.memory_space<vmem>> -> memref<1x96xi32, #tpu.memory_space<vmem>>
      %dma_start3A_178 = tpu.memref_squeeze %dma_start3A_177 : memref<1x96xi32, #tpu.memory_space<vmem>> -> memref<96xi32, #tpu.memory_space<vmem>>
      %dma_start3A_179 = arith.constant 0 : i32
      %dma_start3A_180 = arith.constant 0 : i32
      %dma_start3A_181 = tpu.memref_slice %arg2[%dma_start3A_179, %dma_start3A_180] : memref<10240x48xf32, #tpu.memory_space<hbm>> -> memref<10240x48xf32, #tpu.memory_space<hbm>>
      tpu.enqueue_indirect_dma source(%dma_start3A_181 : memref<10240x48xf32, #tpu.memory_space<hbm>>) target(%arg11 : memref<96x48xf32, #tpu.memory_space<vmem>>) offsets(%dma_start3A_178 : memref<96xi32, #tpu.memory_space<vmem>>) semaphore(%arg15 : memref<!tpu.dma_semaphore, #tpu.memory_space<semaphore_mem>>)
      "tpu.region"() ({
        %run_scoped3A = tpu.sem_alloc : memref<!tpu.dma_semaphore, #tpu.memory_space<semaphore_mem>>
        %dma_start3A_182 = arith.constant 0 : i32
        %dma_start3A_183 = tpu.memref_slice %arg8[%add3A_162, %dma_start3A_182] : memref<124x96xi32, #tpu.memory_space<vmem>> -> memref<1x96xi32, #tpu.memory_space<vmem>>
        %dma_start3A_184 = tpu.memref_squeeze %dma_start3A_183 : memref<1x96xi32, #tpu.memory_space<vmem>> -> memref<96xi32, #tpu.memory_space<vmem>>
        %dma_start3A_185 = arith.constant 0 : i32
        %dma_start3A_186 = arith.constant 0 : i32
        %dma_start3A_187 = tpu.memref_slice %arg17[%dma_start3A_185, %dma_start3A_186] : memref<10240x48xf32, #tpu.memory_space<vmem_shared>> -> memref<10240x48xf32, #tpu.memory_space<vmem_shared>>
        tpu.enqueue_indirect_dma source(%arg12 : memref<96x48xf32, #tpu.memory_space<vmem>>) target(%dma_start3A_187 : memref<10240x48xf32, #tpu.memory_space<vmem_shared>>) offsets(%dma_start3A_184 : memref<96xi32, #tpu.memory_space<vmem>>) semaphore(%run_scoped3A : memref<!tpu.dma_semaphore, #tpu.memory_space<semaphore_mem>>) {add = true}
        %dma_wait3A_188 = arith.constant 0 : i32
        %dma_wait3A_189 = tpu.memref_slice %arg8[%add3A_162, %dma_wait3A_188] : memref<124x96xi32, #tpu.memory_space<vmem>> -> memref<1x96xi32, #tpu.memory_space<vmem>>
        %dma_wait3A_190 = tpu.memref_squeeze %dma_wait3A_189 : memref<1x96xi32, #tpu.memory_space<vmem>> -> memref<96xi32, #tpu.memory_space<vmem>>
        %dma_wait3A_191 = arith.constant 0 : i32
        %dma_wait3A_192 = arith.constant 0 : i32
        %dma_wait3A_193 = tpu.memref_slice %arg17[%dma_wait3A_191, %dma_wait3A_192] : memref<10240x48xf32, #tpu.memory_space<vmem_shared>> -> memref<10240x48xf32, #tpu.memory_space<vmem_shared>>
        tpu.wait_indirect_dma semaphore(%run_scoped3A : memref<!tpu.dma_semaphore, #tpu.memory_space<semaphore_mem>>) src(%arg12 : memref<96x48xf32, #tpu.memory_space<vmem>>) dst(%dma_wait3A_193 : memref<10240x48xf32, #tpu.memory_space<vmem_shared>>)
        tpu.yield
      }) : () -> ()
    }
    %while3A_66 = arith.constant 1 : i32
    scf.for %while3A_88 = %while3A_64 to %while3A_60 step %while3A_66  : i32 {
      %mul3A_89 = arith.muli %while3A_88, %while3A : i32
      %add3A_90 = arith.addi %while3A_57, %mul3A_89 : i32
      %mul3A_91 = arith.constant 4 : i32
      %mul3A_92 = arith.muli %mul3A_91, %add3A_90 : i32
      %add3A_93 = arith.constant 0 : i32
      %add3A_94 = arith.addi %mul3A_92, %add3A_93 : i32
      %add3A_95 = arith.constant 4 : i32
      %add3A_96 = arith.addi %add3A_94, %add3A_95 : i32
      %sub3A_97 = arith.constant 1 : i32
      %sub3A_98 = arith.subi %add3A_96, %sub3A_97 : i32
      %sub3A_99 = arith.constant 1 : i32
      %sub3A_100 = arith.subi %select_n3A, %sub3A_99 : i32
      %min3A = arith.minsi %sub3A_98, %sub3A_100 : i32
      %dma_wait3A_101 = arith.constant 0 : i32
      %dma_wait3A_102 = tpu.memref_slice %arg7[%add3A_94, %dma_wait3A_101] : memref<124x96xi32, #tpu.memory_space<vmem>> -> memref<1x96xi32, #tpu.memory_space<vmem>>
      %dma_wait3A_103 = tpu.memref_squeeze %dma_wait3A_102 : memref<1x96xi32, #tpu.memory_space<vmem>> -> memref<96xi32, #tpu.memory_space<vmem>>
      %dma_wait3A_104 = arith.constant 0 : i32
      %dma_wait3A_105 = arith.constant 0 : i32
      %dma_wait3A_106 = tpu.memref_slice %arg2[%dma_wait3A_104, %dma_wait3A_105] : memref<10240x48xf32, #tpu.memory_space<hbm>> -> memref<10240x48xf32, #tpu.memory_space<hbm>>
      tpu.wait_indirect_dma semaphore(%arg13 : memref<!tpu.dma_semaphore, #tpu.memory_space<semaphore_mem>>) src(%dma_wait3A_106 : memref<10240x48xf32, #tpu.memory_space<hbm>>) dst(%arg9 : memref<96x48xf32, #tpu.memory_space<vmem>>)
      %dma_start3A_107 = arith.constant 0 : i32
      %dma_start3A_108 = tpu.memref_slice %arg7[%min3A, %dma_start3A_107] : memref<124x96xi32, #tpu.memory_space<vmem>> -> memref<1x96xi32, #tpu.memory_space<vmem>>
      %dma_start3A_109 = tpu.memref_squeeze %dma_start3A_108 : memref<1x96xi32, #tpu.memory_space<vmem>> -> memref<96xi32, #tpu.memory_space<vmem>>
      %dma_start3A_110 = arith.constant 0 : i32
      %dma_start3A_111 = arith.constant 0 : i32
      %dma_start3A_112 = tpu.memref_slice %arg2[%dma_start3A_110, %dma_start3A_111] : memref<10240x48xf32, #tpu.memory_space<hbm>> -> memref<10240x48xf32, #tpu.memory_space<hbm>>
      tpu.enqueue_indirect_dma source(%dma_start3A_112 : memref<10240x48xf32, #tpu.memory_space<hbm>>) target(%arg12 : memref<96x48xf32, #tpu.memory_space<vmem>>) offsets(%dma_start3A_109 : memref<96xi32, #tpu.memory_space<vmem>>) semaphore(%arg16 : memref<!tpu.dma_semaphore, #tpu.memory_space<semaphore_mem>>)
      "tpu.region"() ({
        %run_scoped3A = tpu.sem_alloc : memref<!tpu.dma_semaphore, #tpu.memory_space<semaphore_mem>>
        %dma_start3A_182 = arith.constant 0 : i32
        %dma_start3A_183 = tpu.memref_slice %arg8[%add3A_94, %dma_start3A_182] : memref<124x96xi32, #tpu.memory_space<vmem>> -> memref<1x96xi32, #tpu.memory_space<vmem>>
        %dma_start3A_184 = tpu.memref_squeeze %dma_start3A_183 : memref<1x96xi32, #tpu.memory_space<vmem>> -> memref<96xi32, #tpu.memory_space<vmem>>
        %dma_start3A_185 = arith.constant 0 : i32
        %dma_start3A_186 = arith.constant 0 : i32
        %dma_start3A_187 = tpu.memref_slice %arg17[%dma_start3A_185, %dma_start3A_186] : memref<10240x48xf32, #tpu.memory_space<vmem_shared>> -> memref<10240x48xf32, #tpu.memory_space<vmem_shared>>
        tpu.enqueue_indirect_dma source(%arg9 : memref<96x48xf32, #tpu.memory_space<vmem>>) target(%dma_start3A_187 : memref<10240x48xf32, #tpu.memory_space<vmem_shared>>) offsets(%dma_start3A_184 : memref<96xi32, #tpu.memory_space<vmem>>) semaphore(%run_scoped3A : memref<!tpu.dma_semaphore, #tpu.memory_space<semaphore_mem>>) {add = true}
        %dma_wait3A_188 = arith.constant 0 : i32
        %dma_wait3A_189 = tpu.memref_slice %arg8[%add3A_94, %dma_wait3A_188] : memref<124x96xi32, #tpu.memory_space<vmem>> -> memref<1x96xi32, #tpu.memory_space<vmem>>
        %dma_wait3A_190 = tpu.memref_squeeze %dma_wait3A_189 : memref<1x96xi32, #tpu.memory_space<vmem>> -> memref<96xi32, #tpu.memory_space<vmem>>
        %dma_wait3A_191 = arith.constant 0 : i32
        %dma_wait3A_192 = arith.constant 0 : i32
        %dma_wait3A_193 = tpu.memref_slice %arg17[%dma_wait3A_191, %dma_wait3A_192] : memref<10240x48xf32, #tpu.memory_space<vmem_shared>> -> memref<10240x48xf32, #tpu.memory_space<vmem_shared>>
        tpu.wait_indirect_dma semaphore(%run_scoped3A : memref<!tpu.dma_semaphore, #tpu.memory_space<semaphore_mem>>) src(%arg9 : memref<96x48xf32, #tpu.memory_space<vmem>>) dst(%dma_wait3A_193 : memref<10240x48xf32, #tpu.memory_space<vmem_shared>>)
        tpu.yield
      }) : () -> ()
      %mul3A_113 = arith.constant 4 : i32
      %mul3A_114 = arith.muli %mul3A_113, %add3A_90 : i32
      %add3A_115 = arith.constant 1 : i32
      %add3A_116 = arith.addi %mul3A_114, %add3A_115 : i32
      %add3A_117 = arith.constant 4 : i32
      %add3A_118 = arith.addi %add3A_116, %add3A_117 : i32
      %sub3A_119 = arith.constant 1 : i32
      %sub3A_120 = arith.subi %add3A_118, %sub3A_119 : i32
      %sub3A_121 = arith.constant 1 : i32
      %sub3A_122 = arith.subi %select_n3A, %sub3A_121 : i32
      %min3A_123 = arith.minsi %sub3A_120, %sub3A_122 : i32
      %dma_wait3A_124 = arith.constant 0 : i32
      %dma_wait3A_125 = tpu.memref_slice %arg7[%add3A_116, %dma_wait3A_124] : memref<124x96xi32, #tpu.memory_space<vmem>> -> memref<1x96xi32, #tpu.memory_space<vmem>>
      %dma_wait3A_126 = tpu.memref_squeeze %dma_wait3A_125 : memref<1x96xi32, #tpu.memory_space<vmem>> -> memref<96xi32, #tpu.memory_space<vmem>>
      %dma_wait3A_127 = arith.constant 0 : i32
      %dma_wait3A_128 = arith.constant 0 : i32
      %dma_wait3A_129 = tpu.memref_slice %arg2[%dma_wait3A_127, %dma_wait3A_128] : memref<10240x48xf32, #tpu.memory_space<hbm>> -> memref<10240x48xf32, #tpu.memory_space<hbm>>
      tpu.wait_indirect_dma semaphore(%arg14 : memref<!tpu.dma_semaphore, #tpu.memory_space<semaphore_mem>>) src(%dma_wait3A_129 : memref<10240x48xf32, #tpu.memory_space<hbm>>) dst(%arg10 : memref<96x48xf32, #tpu.memory_space<vmem>>)
      %dma_start3A_130 = arith.constant 0 : i32
      %dma_start3A_131 = tpu.memref_slice %arg7[%min3A_123, %dma_start3A_130] : memref<124x96xi32, #tpu.memory_space<vmem>> -> memref<1x96xi32, #tpu.memory_space<vmem>>
      %dma_start3A_132 = tpu.memref_squeeze %dma_start3A_131 : memref<1x96xi32, #tpu.memory_space<vmem>> -> memref<96xi32, #tpu.memory_space<vmem>>
      %dma_start3A_133 = arith.constant 0 : i32
      %dma_start3A_134 = arith.constant 0 : i32
      %dma_start3A_135 = tpu.memref_slice %arg2[%dma_start3A_133, %dma_start3A_134] : memref<10240x48xf32, #tpu.memory_space<hbm>> -> memref<10240x48xf32, #tpu.memory_space<hbm>>
      tpu.enqueue_indirect_dma source(%dma_start3A_135 : memref<10240x48xf32, #tpu.memory_space<hbm>>) target(%arg9 : memref<96x48xf32, #tpu.memory_space<vmem>>) offsets(%dma_start3A_132 : memref<96xi32, #tpu.memory_space<vmem>>) semaphore(%arg13 : memref<!tpu.dma_semaphore, #tpu.memory_space<semaphore_mem>>)
      "tpu.region"() ({
        %run_scoped3A = tpu.sem_alloc : memref<!tpu.dma_semaphore, #tpu.memory_space<semaphore_mem>>
        %dma_start3A_182 = arith.constant 0 : i32
        %dma_start3A_183 = tpu.memref_slice %arg8[%add3A_116, %dma_start3A_182] : memref<124x96xi32, #tpu.memory_space<vmem>> -> memref<1x96xi32, #tpu.memory_space<vmem>>
        %dma_start3A_184 = tpu.memref_squeeze %dma_start3A_183 : memref<1x96xi32, #tpu.memory_space<vmem>> -> memref<96xi32, #tpu.memory_space<vmem>>
        %dma_start3A_185 = arith.constant 0 : i32
        %dma_start3A_186 = arith.constant 0 : i32
        %dma_start3A_187 = tpu.memref_slice %arg17[%dma_start3A_185, %dma_start3A_186] : memref<10240x48xf32, #tpu.memory_space<vmem_shared>> -> memref<10240x48xf32, #tpu.memory_space<vmem_shared>>
        tpu.enqueue_indirect_dma source(%arg10 : memref<96x48xf32, #tpu.memory_space<vmem>>) target(%dma_start3A_187 : memref<10240x48xf32, #tpu.memory_space<vmem_shared>>) offsets(%dma_start3A_184 : memref<96xi32, #tpu.memory_space<vmem>>) semaphore(%run_scoped3A : memref<!tpu.dma_semaphore, #tpu.memory_space<semaphore_mem>>) {add = true}
        %dma_wait3A_188 = arith.constant 0 : i32
        %dma_wait3A_189 = tpu.memref_slice %arg8[%add3A_116, %dma_wait3A_188] : memref<124x96xi32, #tpu.memory_space<vmem>> -> memref<1x96xi32, #tpu.memory_space<vmem>>
        %dma_wait3A_190 = tpu.memref_squeeze %dma_wait3A_189 : memref<1x96xi32, #tpu.memory_space<vmem>> -> memref<96xi32, #tpu.memory_space<vmem>>
        %dma_wait3A_191 = arith.constant 0 : i32
        %dma_wait3A_192 = arith.constant 0 : i32
        %dma_wait3A_193 = tpu.memref_slice %arg17[%dma_wait3A_191, %dma_wait3A_192] : memref<10240x48xf32, #tpu.memory_space<vmem_shared>> -> memref<10240x48xf32, #tpu.memory_space<vmem_shared>>
        tpu.wait_indirect_dma semaphore(%run_scoped3A : memref<!tpu.dma_semaphore, #tpu.memory_space<semaphore_mem>>) src(%arg10 : memref<96x48xf32, #tpu.memory_space<vmem>>) dst(%dma_wait3A_193 : memref<10240x48xf32, #tpu.memory_space<vmem_shared>>)
        tpu.yield
      }) : () -> ()
      %mul3A_136 = arith.constant 4 : i32
      %mul3A_137 = arith.muli %mul3A_136, %add3A_90 : i32
      %add3A_138 = arith.constant 2 : i32
      %add3A_139 = arith.addi %mul3A_137, %add3A_138 : i32
      %add3A_140 = arith.constant 4 : i32
      %add3A_141 = arith.addi %add3A_139, %add3A_140 : i32
      %sub3A_142 = arith.constant 1 : i32
      %sub3A_143 = arith.subi %add3A_141, %sub3A_142 : i32
      %sub3A_144 = arith.constant 1 : i32
      %sub3A_145 = arith.subi %select_n3A, %sub3A_144 : i32
      %min3A_146 = arith.minsi %sub3A_143, %sub3A_145 : i32
      %dma_wait3A_147 = arith.constant 0 : i32
      %dma_wait3A_148 = tpu.memref_slice %arg7[%add3A_139, %dma_wait3A_147] : memref<124x96xi32, #tpu.memory_space<vmem>> -> memref<1x96xi32, #tpu.memory_space<vmem>>
      %dma_wait3A_149 = tpu.memref_squeeze %dma_wait3A_148 : memref<1x96xi32, #tpu.memory_space<vmem>> -> memref<96xi32, #tpu.memory_space<vmem>>
      %dma_wait3A_150 = arith.constant 0 : i32
      %dma_wait3A_151 = arith.constant 0 : i32
      %dma_wait3A_152 = tpu.memref_slice %arg2[%dma_wait3A_150, %dma_wait3A_151] : memref<10240x48xf32, #tpu.memory_space<hbm>> -> memref<10240x48xf32, #tpu.memory_space<hbm>>
      tpu.wait_indirect_dma semaphore(%arg15 : memref<!tpu.dma_semaphore, #tpu.memory_space<semaphore_mem>>) src(%dma_wait3A_152 : memref<10240x48xf32, #tpu.memory_space<hbm>>) dst(%arg11 : memref<96x48xf32, #tpu.memory_space<vmem>>)
      %dma_start3A_153 = arith.constant 0 : i32
      %dma_start3A_154 = tpu.memref_slice %arg7[%min3A_146, %dma_start3A_153] : memref<124x96xi32, #tpu.memory_space<vmem>> -> memref<1x96xi32, #tpu.memory_space<vmem>>
      %dma_start3A_155 = tpu.memref_squeeze %dma_start3A_154 : memref<1x96xi32, #tpu.memory_space<vmem>> -> memref<96xi32, #tpu.memory_space<vmem>>
      %dma_start3A_156 = arith.constant 0 : i32
      %dma_start3A_157 = arith.constant 0 : i32
      %dma_start3A_158 = tpu.memref_slice %arg2[%dma_start3A_156, %dma_start3A_157] : memref<10240x48xf32, #tpu.memory_space<hbm>> -> memref<10240x48xf32, #tpu.memory_space<hbm>>
      tpu.enqueue_indirect_dma source(%dma_start3A_158 : memref<10240x48xf32, #tpu.memory_space<hbm>>) target(%arg10 : memref<96x48xf32, #tpu.memory_space<vmem>>) offsets(%dma_start3A_155 : memref<96xi32, #tpu.memory_space<vmem>>) semaphore(%arg14 : memref<!tpu.dma_semaphore, #tpu.memory_space<semaphore_mem>>)
      "tpu.region"() ({
        %run_scoped3A = tpu.sem_alloc : memref<!tpu.dma_semaphore, #tpu.memory_space<semaphore_mem>>
        %dma_start3A_182 = arith.constant 0 : i32
        %dma_start3A_183 = tpu.memref_slice %arg8[%add3A_139, %dma_start3A_182] : memref<124x96xi32, #tpu.memory_space<vmem>> -> memref<1x96xi32, #tpu.memory_space<vmem>>
        %dma_start3A_184 = tpu.memref_squeeze %dma_start3A_183 : memref<1x96xi32, #tpu.memory_space<vmem>> -> memref<96xi32, #tpu.memory_space<vmem>>
        %dma_start3A_185 = arith.constant 0 : i32
        %dma_start3A_186 = arith.constant 0 : i32
        %dma_start3A_187 = tpu.memref_slice %arg17[%dma_start3A_185, %dma_start3A_186] : memref<10240x48xf32, #tpu.memory_space<vmem_shared>> -> memref<10240x48xf32, #tpu.memory_space<vmem_shared>>
        tpu.enqueue_indirect_dma source(%arg11 : memref<96x48xf32, #tpu.memory_space<vmem>>) target(%dma_start3A_187 : memref<10240x48xf32, #tpu.memory_space<vmem_shared>>) offsets(%dma_start3A_184 : memref<96xi32, #tpu.memory_space<vmem>>) semaphore(%run_scoped3A : memref<!tpu.dma_semaphore, #tpu.memory_space<semaphore_mem>>) {add = true}
        %dma_wait3A_188 = arith.constant 0 : i32
        %dma_wait3A_189 = tpu.memref_slice %arg8[%add3A_139, %dma_wait3A_188] : memref<124x96xi32, #tpu.memory_space<vmem>> -> memref<1x96xi32, #tpu.memory_space<vmem>>
        %dma_wait3A_190 = tpu.memref_squeeze %dma_wait3A_189 : memref<1x96xi32, #tpu.memory_space<vmem>> -> memref<96xi32, #tpu.memory_space<vmem>>
        %dma_wait3A_191 = arith.constant 0 : i32
        %dma_wait3A_192 = arith.constant 0 : i32
        %dma_wait3A_193 = tpu.memref_slice %arg17[%dma_wait3A_191, %dma_wait3A_192] : memref<10240x48xf32, #tpu.memory_space<vmem_shared>> -> memref<10240x48xf32, #tpu.memory_space<vmem_shared>>
        tpu.wait_indirect_dma semaphore(%run_scoped3A : memref<!tpu.dma_semaphore, #tpu.memory_space<semaphore_mem>>) src(%arg11 : memref<96x48xf32, #tpu.memory_space<vmem>>) dst(%dma_wait3A_193 : memref<10240x48xf32, #tpu.memory_space<vmem_shared>>)
        tpu.yield
      }) : () -> ()
      %mul3A_159 = arith.constant 4 : i32
      %mul3A_160 = arith.muli %mul3A_159, %add3A_90 : i32
      %add3A_161 = arith.constant 3 : i32
      %add3A_162 = arith.addi %mul3A_160, %add3A_161 : i32
      %add3A_163 = arith.constant 4 : i32
      %add3A_164 = arith.addi %add3A_162, %add3A_163 : i32
      %sub3A_165 = arith.constant 1 : i32
      %sub3A_166 = arith.subi %add3A_164, %sub3A_165 : i32
      %sub3A_167 = arith.constant 1 : i32
      %sub3A_168 = arith.subi %select_n3A, %sub3A_167 : i32
      %min3A_169 = arith.minsi %sub3A_166, %sub3A_168 : i32
      %dma_wait3A_170 = arith.constant 0 : i32
      %dma_wait3A_171 = tpu.memref_slice %arg7[%add3A_162, %dma_wait3A_170] : memref<124x96xi32, #tpu.memory_space<vmem>> -> memref<1x96xi32, #tpu.memory_space<vmem>>
      %dma_wait3A_172 = tpu.memref_squeeze %dma_wait3A_171 : memref<1x96xi32, #tpu.memory_space<vmem>> -> memref<96xi32, #tpu.memory_space<vmem>>
      %dma_wait3A_173 = arith.constant 0 : i32
      %dma_wait3A_174 = arith.constant 0 : i32
      %dma_wait3A_175 = tpu.memref_slice %arg2[%dma_wait3A_173, %dma_wait3A_174] : memref<10240x48xf32, #tpu.memory_space<hbm>> -> memref<10240x48xf32, #tpu.memory_space<hbm>>
      tpu.wait_indirect_dma semaphore(%arg16 : memref<!tpu.dma_semaphore, #tpu.memory_space<semaphore_mem>>) src(%dma_wait3A_175 : memref<10240x48xf32, #tpu.memory_space<hbm>>) dst(%arg12 : memref<96x48xf32, #tpu.memory_space<vmem>>)
      %dma_start3A_176 = arith.constant 0 : i32
      %dma_start3A_177 = tpu.memref_slice %arg7[%min3A_169, %dma_start3A_176] : memref<124x96xi32, #tpu.memory_space<vmem>> -> memref<1x96xi32, #tpu.memory_space<vmem>>
      %dma_start3A_178 = tpu.memref_squeeze %dma_start3A_177 : memref<1x96xi32, #tpu.memory_space<vmem>> -> memref<96xi32, #tpu.memory_space<vmem>>
      %dma_start3A_179 = arith.constant 0 : i32
      %dma_start3A_180 = arith.constant 0 : i32
      %dma_start3A_181 = tpu.memref_slice %arg2[%dma_start3A_179, %dma_start3A_180] : memref<10240x48xf32, #tpu.memory_space<hbm>> -> memref<10240x48xf32, #tpu.memory_space<hbm>>
      tpu.enqueue_indirect_dma source(%dma_start3A_181 : memref<10240x48xf32, #tpu.memory_space<hbm>>) target(%arg11 : memref<96x48xf32, #tpu.memory_space<vmem>>) offsets(%dma_start3A_178 : memref<96xi32, #tpu.memory_space<vmem>>) semaphore(%arg15 : memref<!tpu.dma_semaphore, #tpu.memory_space<semaphore_mem>>)
      "tpu.region"() ({
        %run_scoped3A = tpu.sem_alloc : memref<!tpu.dma_semaphore, #tpu.memory_space<semaphore_mem>>
        %dma_start3A_182 = arith.constant 0 : i32
        %dma_start3A_183 = tpu.memref_slice %arg8[%add3A_162, %dma_start3A_182] : memref<124x96xi32, #tpu.memory_space<vmem>> -> memref<1x96xi32, #tpu.memory_space<vmem>>
        %dma_start3A_184 = tpu.memref_squeeze %dma_start3A_183 : memref<1x96xi32, #tpu.memory_space<vmem>> -> memref<96xi32, #tpu.memory_space<vmem>>
        %dma_start3A_185 = arith.constant 0 : i32
        %dma_start3A_186 = arith.constant 0 : i32
        %dma_start3A_187 = tpu.memref_slice %arg17[%dma_start3A_185, %dma_start3A_186] : memref<10240x48xf32, #tpu.memory_space<vmem_shared>> -> memref<10240x48xf32, #tpu.memory_space<vmem_shared>>
        tpu.enqueue_indirect_dma source(%arg12 : memref<96x48xf32, #tpu.memory_space<vmem>>) target(%dma_start3A_187 : memref<10240x48xf32, #tpu.memory_space<vmem_shared>>) offsets(%dma_start3A_184 : memref<96xi32, #tpu.memory_space<vmem>>) semaphore(%run_scoped3A : memref<!tpu.dma_semaphore, #tpu.memory_space<semaphore_mem>>) {add = true}
        %dma_wait3A_188 = arith.constant 0 : i32
        %dma_wait3A_189 = tpu.memref_slice %arg8[%add3A_162, %dma_wait3A_188] : memref<124x96xi32, #tpu.memory_space<vmem>> -> memref<1x96xi32, #tpu.memory_space<vmem>>
        %dma_wait3A_190 = tpu.memref_squeeze %dma_wait3A_189 : memref<1x96xi32, #tpu.memory_space<vmem>> -> memref<96xi32, #tpu.memory_space<vmem>>
        %dma_wait3A_191 = arith.constant 0 : i32
        %dma_wait3A_192 = arith.constant 0 : i32
        %dma_wait3A_193 = tpu.memref_slice %arg17[%dma_wait3A_191, %dma_wait3A_192] : memref<10240x48xf32, #tpu.memory_space<vmem_shared>> -> memref<10240x48xf32, #tpu.memory_space<vmem_shared>>
        tpu.wait_indirect_dma semaphore(%run_scoped3A : memref<!tpu.dma_semaphore, #tpu.memory_space<semaphore_mem>>) src(%arg12 : memref<96x48xf32, #tpu.memory_space<vmem>>) dst(%dma_wait3A_193 : memref<10240x48xf32, #tpu.memory_space<vmem_shared>>)
        tpu.yield
      }) : () -> ()
    }
    %dma_wait3A = arith.constant 0 : i32
    %dma_wait3A_67 = arith.constant 0 : i32
    %dma_wait3A_68 = tpu.memref_slice %arg7[%dma_wait3A, %dma_wait3A_67] : memref<124x96xi32, #tpu.memory_space<vmem>> -> memref<1x96xi32, #tpu.memory_space<vmem>>
    %dma_wait3A_69 = tpu.memref_squeeze %dma_wait3A_68 : memref<1x96xi32, #tpu.memory_space<vmem>> -> memref<96xi32, #tpu.memory_space<vmem>>
    %dma_wait3A_70 = arith.constant 0 : i32
    %dma_wait3A_71 = arith.constant 0 : i32
    %dma_wait3A_72 = tpu.memref_slice %arg2[%dma_wait3A_70, %dma_wait3A_71] : memref<10240x48xf32, #tpu.memory_space<hbm>> -> memref<10240x48xf32, #tpu.memory_space<hbm>>
    tpu.wait_indirect_dma semaphore(%arg13 : memref<!tpu.dma_semaphore, #tpu.memory_space<semaphore_mem>>) src(%dma_wait3A_72 : memref<10240x48xf32, #tpu.memory_space<hbm>>) dst(%arg9 : memref<96x48xf32, #tpu.memory_space<vmem>>)
    %dma_wait3A_73 = arith.constant 0 : i32
    %dma_wait3A_74 = arith.constant 0 : i32
    %dma_wait3A_75 = tpu.memref_slice %arg7[%dma_wait3A_73, %dma_wait3A_74] : memref<124x96xi32, #tpu.memory_space<vmem>> -> memref<1x96xi32, #tpu.memory_space<vmem>>
    %dma_wait3A_76 = tpu.memref_squeeze %dma_wait3A_75 : memref<1x96xi32, #tpu.memory_space<vmem>> -> memref<96xi32, #tpu.memory_space<vmem>>
    %dma_wait3A_77 = arith.constant 0 : i32
    %dma_wait3A_78 = arith.constant 0 : i32
    %dma_wait3A_79 = tpu.memref_slice %arg2[%dma_wait3A_77, %dma_wait3A_78] : memref<10240x48xf32, #tpu.memory_space<hbm>> -> memref<10240x48xf32, #tpu.memory_space<hbm>>
    tpu.wait_indirect_dma semaphore(%arg14 : memref<!tpu.dma_semaphore, #tpu.memory_space<semaphore_mem>>) src(%dma_wait3A_79 : memref<10240x48xf32, #tpu.memory_space<hbm>>) dst(%arg10 : memref<96x48xf32, #tpu.memory_space<vmem>>)
    %dma_wait3A_80 = arith.constant 0 : i32
    %dma_wait3A_81 = arith.constant 0 : i32
    %dma_wait3A_82 = tpu.memref_slice %arg7[%dma_wait3A_80, %dma_wait3A_81] : memref<124x96xi32, #tpu.memory_space<vmem>> -> memref<1x96xi32, #tpu.memory_space<vmem>>
    %dma_wait3A_83 = tpu.memref_squeeze %dma_wait3A_82 : memref<1x96xi32, #tpu.memory_space<vmem>> -> memref<96xi32, #tpu.memory_space<vmem>>
    %dma_wait3A_84 = arith.constant 0 : i32
    %dma_wait3A_85 = arith.constant 0 : i32
    %dma_wait3A_86 = tpu.memref_slice %arg2[%dma_wait3A_84, %dma_wait3A_85] : memref<10240x48xf32, #tpu.memory_space<hbm>> -> memref<10240x48xf32, #tpu.memory_space<hbm>>
    tpu.wait_indirect_dma semaphore(%arg15 : memref<!tpu.dma_semaphore, #tpu.memory_space<semaphore_mem>>) src(%dma_wait3A_86 : memref<10240x48xf32, #tpu.memory_space<hbm>>) dst(%arg11 : memref<96x48xf32, #tpu.memory_space<vmem>>)
    %barrier3A_87 = arith.constant 0 : index
    tpu.barrier barrier_id(%barrier3A_87)
    "tpu.region"() ({
      %run_scoped3A = tpu.sem_alloc : memref<!tpu.dma_semaphore, #tpu.memory_space<semaphore_mem>>
      %dma_start3A_88 = arith.constant 0 : i32
      %dma_start3A_89 = arith.constant 0 : i32
      %dma_start3A_90 = tpu.memref_slice %arg6[%arg0, %dma_start3A_88, %dma_start3A_89] : memref<2x10240x48xf32, #tpu.memory_space<hbm>> -> memref<1x10240x48xf32, #tpu.memory_space<hbm>>
      %dma_start3A_91 = tpu.memref_squeeze %dma_start3A_90 : memref<1x10240x48xf32, #tpu.memory_space<hbm>> -> memref<10240x48xf32, #tpu.memory_space<hbm>>
      %dma_start3A_92 = arith.constant 0 : i32
      %dma_start3A_93 = tpu.memref_slice %dma_start3A_91[%mul3A_10, %dma_start3A_92] : memref<10240x48xf32, #tpu.memory_space<hbm>> -> memref<640x48xf32, #tpu.memory_space<hbm>>
      %dma_start3A_94 = arith.constant 0 : i32
      %dma_start3A_95 = tpu.memref_slice %arg17[%mul3A_10, %dma_start3A_94] : memref<10240x48xf32, #tpu.memory_space<vmem_shared>> -> memref<640x48xf32, #tpu.memory_space<vmem_shared>>
      tpu.enqueue_dma source(%dma_start3A_95 : memref<640x48xf32, #tpu.memory_space<vmem_shared>>) target(%dma_start3A_93 : memref<640x48xf32, #tpu.memory_space<hbm>>) target_semaphore(%run_scoped3A : memref<!tpu.dma_semaphore, #tpu.memory_space<semaphore_mem>>)
      %dma_wait3A_96 = arith.constant 0 : i32
      %dma_wait3A_97 = arith.constant 0 : i32
      %dma_wait3A_98 = tpu.memref_slice %arg6[%arg0, %dma_wait3A_96, %dma_wait3A_97] : memref<2x10240x48xf32, #tpu.memory_space<hbm>> -> memref<1x10240x48xf32, #tpu.memory_space<hbm>>
      %dma_wait3A_99 = tpu.memref_squeeze %dma_wait3A_98 : memref<1x10240x48xf32, #tpu.memory_space<hbm>> -> memref<10240x48xf32, #tpu.memory_space<hbm>>
      %dma_wait3A_100 = arith.constant 0 : i32
      %dma_wait3A_101 = tpu.memref_slice %dma_wait3A_99[%mul3A_10, %dma_wait3A_100] : memref<10240x48xf32, #tpu.memory_space<hbm>> -> memref<640x48xf32, #tpu.memory_space<hbm>>
      %dma_wait3A_102 = arith.constant 0 : i32
      %dma_wait3A_103 = tpu.memref_slice %arg17[%mul3A_10, %dma_wait3A_102] : memref<10240x48xf32, #tpu.memory_space<vmem_shared>> -> memref<640x48xf32, #tpu.memory_space<vmem_shared>>
      tpu.wait_dma2 semaphore(%run_scoped3A : memref<!tpu.dma_semaphore, #tpu.memory_space<semaphore_mem>>) src(%dma_wait3A_103 : memref<640x48xf32, #tpu.memory_space<vmem_shared>>) dst(%dma_wait3A_101 : memref<640x48xf32, #tpu.memory_space<hbm>>)
      tpu.yield
    }) : () -> ()
    return
  }
}

#map = affine_map<(d0, d1) -> (0, 0)>
#map1 = affine_map<(d0, d1) -> (0, 0, 0)>
module attributes {stable_mosaic.version = 14 : i64} {
  func.func @_deg_body(%arg0: i32, %arg1: i32, %arg2: memref<3488x96xi32, #tpu.memory_space<hbm>>, %arg3: memref<96x16xf32, #tpu.memory_space<hbm>>, %arg4: memref<10240x16xf32, #tpu.memory_space<hbm>>, %arg5: memref<2x10240x16xf32, #tpu.memory_space<hbm>>, %arg6: memref<124x96xi32, #tpu.memory_space<vmem>>, %arg7: memref<96x16xf32, #tpu.memory_space<vmem>>, %arg8: memref<10240x16xf32, #tpu.memory_space<vmem_shared>>) attributes {dimension_semantics = [#tpu.dimension_semantics<core_parallel>, #tpu.dimension_semantics<subcore_parallel>], iteration_bounds = array<i64: 2, 16>, scalar_prefetch = 0 : i64, scratch_operands = 3 : i64, tpu.core_type = #tpu.core_type<sc_vector_subcore>, window_params = [{transform_indices = #map}, {transform_indices = #map}, {transform_indices = #map}, {transform_indices = #map1}]} {
    %eq3A = arith.constant 0 : i32
    %eq3A_0 = arith.cmpi eq, %arg0, %eq3A : i32
    %jit3A = arith.constant 124 : i32
    %jit3A_1 = arith.constant 92 : i32
    %select_n3A = arith.select %eq3A_0, %jit3A, %jit3A_1 : i32
    %eq3A_2 = arith.constant 0 : i32
    %eq3A_3 = arith.cmpi eq, %arg0, %eq3A_2 : i32
    %mul3A = arith.constant 124 : i32
    %mul3A_4 = arith.muli %arg1, %mul3A : i32
    %mul3A_5 = arith.constant 92 : i32
    %mul3A_6 = arith.muli %arg1, %mul3A_5 : i32
    %add3A = arith.constant 1984 : i32
    %add3A_7 = arith.addi %add3A, %mul3A_6 : i32
    %select_n3A_8 = arith.select %eq3A_3, %mul3A_4, %add3A_7 : i32
    %mul3A_9 = arith.constant 640 : i32
    %mul3A_10 = arith.muli %arg1, %mul3A_9 : i32
    "tpu.region"() ({
      %run_scoped3A = tpu.sem_alloc : memref<!tpu.dma_semaphore, #tpu.memory_space<semaphore_mem>>
      %dma_start3A = arith.constant 0 : i32
      %dma_start3A_28 = tpu.memref_slice %arg2[%select_n3A_8, %dma_start3A] : memref<3488x96xi32, #tpu.memory_space<hbm>> -> memref<124x96xi32, #tpu.memory_space<hbm>>
      %dma_start3A_29 = arith.constant 0 : i32
      %dma_start3A_30 = tpu.memref_slice %arg2[%select_n3A_8, %dma_start3A_29] : memref<3488x96xi32, #tpu.memory_space<hbm>> -> memref<124x96xi32, #tpu.memory_space<hbm>>
      tpu.enqueue_dma source(%dma_start3A_30 : memref<124x96xi32, #tpu.memory_space<hbm>>) target(%arg6 : memref<124x96xi32, #tpu.memory_space<vmem>>) target_semaphore(%run_scoped3A : memref<!tpu.dma_semaphore, #tpu.memory_space<semaphore_mem>>)
      %dma_wait3A = arith.constant 0 : i32
      %dma_wait3A_31 = tpu.memref_slice %arg2[%select_n3A_8, %dma_wait3A] : memref<3488x96xi32, #tpu.memory_space<hbm>> -> memref<124x96xi32, #tpu.memory_space<hbm>>
      %dma_wait3A_32 = arith.constant 0 : i32
      %dma_wait3A_33 = tpu.memref_slice %arg2[%select_n3A_8, %dma_wait3A_32] : memref<3488x96xi32, #tpu.memory_space<hbm>> -> memref<124x96xi32, #tpu.memory_space<hbm>>
      tpu.wait_dma2 semaphore(%run_scoped3A : memref<!tpu.dma_semaphore, #tpu.memory_space<semaphore_mem>>) src(%dma_wait3A_33 : memref<124x96xi32, #tpu.memory_space<hbm>>) dst(%arg6 : memref<124x96xi32, #tpu.memory_space<vmem>>)
      tpu.yield
    }) : () -> ()
    "tpu.region"() ({
      %run_scoped3A = tpu.sem_alloc : memref<!tpu.dma_semaphore, #tpu.memory_space<semaphore_mem>>
      tpu.enqueue_dma source(%arg3 : memref<96x16xf32, #tpu.memory_space<hbm>>) target(%arg7 : memref<96x16xf32, #tpu.memory_space<vmem>>) target_semaphore(%run_scoped3A : memref<!tpu.dma_semaphore, #tpu.memory_space<semaphore_mem>>)
      tpu.wait_dma2 semaphore(%run_scoped3A : memref<!tpu.dma_semaphore, #tpu.memory_space<semaphore_mem>>) src(%arg3 : memref<96x16xf32, #tpu.memory_space<hbm>>) dst(%arg7 : memref<96x16xf32, #tpu.memory_space<vmem>>)
      tpu.yield
    }) : () -> ()
    "tpu.region"() ({
      %run_scoped3A = tpu.sem_alloc : memref<!tpu.dma_semaphore, #tpu.memory_space<semaphore_mem>>
      %dma_start3A = arith.constant 0 : i32
      %dma_start3A_28 = tpu.memref_slice %arg8[%mul3A_10, %dma_start3A] : memref<10240x16xf32, #tpu.memory_space<vmem_shared>> -> memref<640x16xf32, #tpu.memory_space<vmem_shared>>
      %dma_start3A_29 = arith.constant 0 : i32
      %dma_start3A_30 = tpu.memref_slice %arg4[%mul3A_10, %dma_start3A_29] : memref<10240x16xf32, #tpu.memory_space<hbm>> -> memref<640x16xf32, #tpu.memory_space<hbm>>
      tpu.enqueue_dma source(%dma_start3A_30 : memref<640x16xf32, #tpu.memory_space<hbm>>) target(%dma_start3A_28 : memref<640x16xf32, #tpu.memory_space<vmem_shared>>) target_semaphore(%run_scoped3A : memref<!tpu.dma_semaphore, #tpu.memory_space<semaphore_mem>>)
      %dma_wait3A = arith.constant 0 : i32
      %dma_wait3A_31 = tpu.memref_slice %arg8[%mul3A_10, %dma_wait3A] : memref<10240x16xf32, #tpu.memory_space<vmem_shared>> -> memref<640x16xf32, #tpu.memory_space<vmem_shared>>
      %dma_wait3A_32 = arith.constant 0 : i32
      %dma_wait3A_33 = tpu.memref_slice %arg4[%mul3A_10, %dma_wait3A_32] : memref<10240x16xf32, #tpu.memory_space<hbm>> -> memref<640x16xf32, #tpu.memory_space<hbm>>
      tpu.wait_dma2 semaphore(%run_scoped3A : memref<!tpu.dma_semaphore, #tpu.memory_space<semaphore_mem>>) src(%dma_wait3A_33 : memref<640x16xf32, #tpu.memory_space<hbm>>) dst(%dma_wait3A_31 : memref<640x16xf32, #tpu.memory_space<vmem_shared>>)
      tpu.yield
    }) : () -> ()
    %barrier3A = arith.constant 0 : index
    tpu.barrier barrier_id(%barrier3A)
    %sub3A = arith.constant 0 : i32
    %sub3A_11 = arith.subi %select_n3A, %sub3A : i32
    %sub3A_12 = arith.constant 1 : i32
    %sub3A_13 = arith.constant 1 : i32
    %sub3A_14 = arith.subi %sub3A_12, %sub3A_13 : i32
    %add3A_15 = arith.addi %sub3A_11, %sub3A_14 : i32
    %div3A = arith.constant 1 : i32
    %div3A_16 = arith.divsi %add3A_15, %div3A : i32
    %while3A = arith.constant 1 : i32
    %while3A_17 = arith.constant 0 : i32
    %while3A_18 = arith.constant 0 : i32
    %while3A_19 = arith.subi %div3A_16, %while3A_18 : i32
    %while3A_20 = arith.addi %while3A_18, %while3A_19 : i32
    %while3A_21 = arith.constant 1 : i32
    %while3A_22 = arith.divsi %while3A_19, %while3A_21 : i32
    %while3A_23 = arith.muli %while3A_22, %while3A_21 : i32
    %while3A_24 = arith.addi %while3A_18, %while3A_23 : i32
    %while3A_25 = arith.constant 1 : i32
    scf.for %while3A_28 = %while3A_18 to %while3A_24 step %while3A_25  : i32 {
      %mul3A_29 = arith.muli %while3A_28, %while3A : i32
      %add3A_30 = arith.addi %while3A_17, %mul3A_29 : i32
      "tpu.region"() ({
        %run_scoped3A = tpu.sem_alloc : memref<!tpu.dma_semaphore, #tpu.memory_space<semaphore_mem>>
        %dma_start3A = arith.constant 0 : i32
        %dma_start3A_31 = tpu.memref_slice %arg6[%add3A_30, %dma_start3A] : memref<124x96xi32, #tpu.memory_space<vmem>> -> memref<1x96xi32, #tpu.memory_space<vmem>>
        %dma_start3A_32 = tpu.memref_squeeze %dma_start3A_31 : memref<1x96xi32, #tpu.memory_space<vmem>> -> memref<96xi32, #tpu.memory_space<vmem>>
        %dma_start3A_33 = arith.constant 0 : i32
        %dma_start3A_34 = arith.constant 0 : i32
        %dma_start3A_35 = tpu.memref_slice %arg8[%dma_start3A_33, %dma_start3A_34] : memref<10240x16xf32, #tpu.memory_space<vmem_shared>> -> memref<10240x16xf32, #tpu.memory_space<vmem_shared>>
        tpu.enqueue_indirect_dma source(%arg7 : memref<96x16xf32, #tpu.memory_space<vmem>>) target(%dma_start3A_35 : memref<10240x16xf32, #tpu.memory_space<vmem_shared>>) offsets(%dma_start3A_32 : memref<96xi32, #tpu.memory_space<vmem>>) semaphore(%run_scoped3A : memref<!tpu.dma_semaphore, #tpu.memory_space<semaphore_mem>>) {add = true}
        %dma_wait3A = arith.constant 0 : i32
        %dma_wait3A_36 = tpu.memref_slice %arg6[%add3A_30, %dma_wait3A] : memref<124x96xi32, #tpu.memory_space<vmem>> -> memref<1x96xi32, #tpu.memory_space<vmem>>
        %dma_wait3A_37 = tpu.memref_squeeze %dma_wait3A_36 : memref<1x96xi32, #tpu.memory_space<vmem>> -> memref<96xi32, #tpu.memory_space<vmem>>
        %dma_wait3A_38 = arith.constant 0 : i32
        %dma_wait3A_39 = arith.constant 0 : i32
        %dma_wait3A_40 = tpu.memref_slice %arg8[%dma_wait3A_38, %dma_wait3A_39] : memref<10240x16xf32, #tpu.memory_space<vmem_shared>> -> memref<10240x16xf32, #tpu.memory_space<vmem_shared>>
        tpu.wait_indirect_dma semaphore(%run_scoped3A : memref<!tpu.dma_semaphore, #tpu.memory_space<semaphore_mem>>) src(%arg7 : memref<96x16xf32, #tpu.memory_space<vmem>>) dst(%dma_wait3A_40 : memref<10240x16xf32, #tpu.memory_space<vmem_shared>>)
        tpu.yield
      }) : () -> ()
    }
    %while3A_26 = arith.constant 1 : i32
    scf.for %while3A_28 = %while3A_24 to %while3A_20 step %while3A_26  : i32 {
      %mul3A_29 = arith.muli %while3A_28, %while3A : i32
      %add3A_30 = arith.addi %while3A_17, %mul3A_29 : i32
      "tpu.region"() ({
        %run_scoped3A = tpu.sem_alloc : memref<!tpu.dma_semaphore, #tpu.memory_space<semaphore_mem>>
        %dma_start3A = arith.constant 0 : i32
        %dma_start3A_31 = tpu.memref_slice %arg6[%add3A_30, %dma_start3A] : memref<124x96xi32, #tpu.memory_space<vmem>> -> memref<1x96xi32, #tpu.memory_space<vmem>>
        %dma_start3A_32 = tpu.memref_squeeze %dma_start3A_31 : memref<1x96xi32, #tpu.memory_space<vmem>> -> memref<96xi32, #tpu.memory_space<vmem>>
        %dma_start3A_33 = arith.constant 0 : i32
        %dma_start3A_34 = arith.constant 0 : i32
        %dma_start3A_35 = tpu.memref_slice %arg8[%dma_start3A_33, %dma_start3A_34] : memref<10240x16xf32, #tpu.memory_space<vmem_shared>> -> memref<10240x16xf32, #tpu.memory_space<vmem_shared>>
        tpu.enqueue_indirect_dma source(%arg7 : memref<96x16xf32, #tpu.memory_space<vmem>>) target(%dma_start3A_35 : memref<10240x16xf32, #tpu.memory_space<vmem_shared>>) offsets(%dma_start3A_32 : memref<96xi32, #tpu.memory_space<vmem>>) semaphore(%run_scoped3A : memref<!tpu.dma_semaphore, #tpu.memory_space<semaphore_mem>>) {add = true}
        %dma_wait3A = arith.constant 0 : i32
        %dma_wait3A_36 = tpu.memref_slice %arg6[%add3A_30, %dma_wait3A] : memref<124x96xi32, #tpu.memory_space<vmem>> -> memref<1x96xi32, #tpu.memory_space<vmem>>
        %dma_wait3A_37 = tpu.memref_squeeze %dma_wait3A_36 : memref<1x96xi32, #tpu.memory_space<vmem>> -> memref<96xi32, #tpu.memory_space<vmem>>
        %dma_wait3A_38 = arith.constant 0 : i32
        %dma_wait3A_39 = arith.constant 0 : i32
        %dma_wait3A_40 = tpu.memref_slice %arg8[%dma_wait3A_38, %dma_wait3A_39] : memref<10240x16xf32, #tpu.memory_space<vmem_shared>> -> memref<10240x16xf32, #tpu.memory_space<vmem_shared>>
        tpu.wait_indirect_dma semaphore(%run_scoped3A : memref<!tpu.dma_semaphore, #tpu.memory_space<semaphore_mem>>) src(%arg7 : memref<96x16xf32, #tpu.memory_space<vmem>>) dst(%dma_wait3A_40 : memref<10240x16xf32, #tpu.memory_space<vmem_shared>>)
        tpu.yield
      }) : () -> ()
    }
    %barrier3A_27 = arith.constant 0 : index
    tpu.barrier barrier_id(%barrier3A_27)
    "tpu.region"() ({
      %run_scoped3A = tpu.sem_alloc : memref<!tpu.dma_semaphore, #tpu.memory_space<semaphore_mem>>
      %dma_start3A = arith.constant 0 : i32
      %dma_start3A_28 = arith.constant 0 : i32
      %dma_start3A_29 = tpu.memref_slice %arg5[%arg0, %dma_start3A, %dma_start3A_28] : memref<2x10240x16xf32, #tpu.memory_space<hbm>> -> memref<1x10240x16xf32, #tpu.memory_space<hbm>>
      %dma_start3A_30 = tpu.memref_squeeze %dma_start3A_29 : memref<1x10240x16xf32, #tpu.memory_space<hbm>> -> memref<10240x16xf32, #tpu.memory_space<hbm>>
      %dma_start3A_31 = arith.constant 0 : i32
      %dma_start3A_32 = tpu.memref_slice %dma_start3A_30[%mul3A_10, %dma_start3A_31] : memref<10240x16xf32, #tpu.memory_space<hbm>> -> memref<640x16xf32, #tpu.memory_space<hbm>>
      %dma_start3A_33 = arith.constant 0 : i32
      %dma_start3A_34 = tpu.memref_slice %arg8[%mul3A_10, %dma_start3A_33] : memref<10240x16xf32, #tpu.memory_space<vmem_shared>> -> memref<640x16xf32, #tpu.memory_space<vmem_shared>>
      tpu.enqueue_dma source(%dma_start3A_34 : memref<640x16xf32, #tpu.memory_space<vmem_shared>>) target(%dma_start3A_32 : memref<640x16xf32, #tpu.memory_space<hbm>>) target_semaphore(%run_scoped3A : memref<!tpu.dma_semaphore, #tpu.memory_space<semaphore_mem>>)
      %dma_wait3A = arith.constant 0 : i32
      %dma_wait3A_35 = arith.constant 0 : i32
      %dma_wait3A_36 = tpu.memref_slice %arg5[%arg0, %dma_wait3A, %dma_wait3A_35] : memref<2x10240x16xf32, #tpu.memory_space<hbm>> -> memref<1x10240x16xf32, #tpu.memory_space<hbm>>
      %dma_wait3A_37 = tpu.memref_squeeze %dma_wait3A_36 : memref<1x10240x16xf32, #tpu.memory_space<hbm>> -> memref<10240x16xf32, #tpu.memory_space<hbm>>
      %dma_wait3A_38 = arith.constant 0 : i32
      %dma_wait3A_39 = tpu.memref_slice %dma_wait3A_37[%mul3A_10, %dma_wait3A_38] : memref<10240x16xf32, #tpu.memory_space<hbm>> -> memref<640x16xf32, #tpu.memory_space<hbm>>
      %dma_wait3A_40 = arith.constant 0 : i32
      %dma_wait3A_41 = tpu.memref_slice %arg8[%mul3A_10, %dma_wait3A_40] : memref<10240x16xf32, #tpu.memory_space<vmem_shared>> -> memref<640x16xf32, #tpu.memory_space<vmem_shared>>
      tpu.wait_dma2 semaphore(%run_scoped3A : memref<!tpu.dma_semaphore, #tpu.memory_space<semaphore_mem>>) src(%dma_wait3A_41 : memref<640x16xf32, #tpu.memory_space<vmem_shared>>) dst(%dma_wait3A_39 : memref<640x16xf32, #tpu.memory_space<hbm>>)
      tpu.yield
    }) : () -> ()
    return
  }
}

#map = affine_map<(d0, d1) -> (0, 0)>
#map1 = affine_map<(d0, d1) -> (0, 0, 0)>
module attributes {stable_mosaic.version = 14 : i64} {
  func.func @_agg_body(%arg0: i32, %arg1: i32, %arg2: memref<10240x64xf32, #tpu.memory_space<hbm>>, %arg3: memref<3488x96xi32, #tpu.memory_space<hbm>>, %arg4: memref<3488x96xi32, #tpu.memory_space<hbm>>, %arg5: memref<10240x64xf32, #tpu.memory_space<hbm>>, %arg6: memref<2x10240x64xf32, #tpu.memory_space<hbm>>, %arg7: memref<124x96xi32, #tpu.memory_space<vmem>>, %arg8: memref<124x96xi32, #tpu.memory_space<vmem>>, %arg9: memref<96x64xf32, #tpu.memory_space<vmem>>, %arg10: memref<96x64xf32, #tpu.memory_space<vmem>>, %arg11: memref<96x64xf32, #tpu.memory_space<vmem>>, %arg12: memref<96x64xf32, #tpu.memory_space<vmem>>, %arg13: memref<!tpu.dma_semaphore, #tpu.memory_space<semaphore_mem>>, %arg14: memref<!tpu.dma_semaphore, #tpu.memory_space<semaphore_mem>>, %arg15: memref<!tpu.dma_semaphore, #tpu.memory_space<semaphore_mem>>, %arg16: memref<!tpu.dma_semaphore, #tpu.memory_space<semaphore_mem>>, %arg17: memref<10240x64xf32, #tpu.memory_space<vmem_shared>>) attributes {dimension_semantics = [#tpu.dimension_semantics<core_parallel>, #tpu.dimension_semantics<subcore_parallel>], iteration_bounds = array<i64: 2, 16>, scalar_prefetch = 0 : i64, scratch_operands = 11 : i64, tpu.core_type = #tpu.core_type<sc_vector_subcore>, window_params = [{transform_indices = #map}, {transform_indices = #map}, {transform_indices = #map}, {transform_indices = #map}, {transform_indices = #map1}]} {
    %eq3A = arith.constant 0 : i32
    %eq3A_0 = arith.cmpi eq, %arg0, %eq3A : i32
    %jit3A = arith.constant 124 : i32
    %jit3A_1 = arith.constant 92 : i32
    %select_n3A = arith.select %eq3A_0, %jit3A, %jit3A_1 : i32
    %eq3A_2 = arith.constant 0 : i32
    %eq3A_3 = arith.cmpi eq, %arg0, %eq3A_2 : i32
    %mul3A = arith.constant 124 : i32
    %mul3A_4 = arith.muli %arg1, %mul3A : i32
    %mul3A_5 = arith.constant 92 : i32
    %mul3A_6 = arith.muli %arg1, %mul3A_5 : i32
    %add3A = arith.constant 1984 : i32
    %add3A_7 = arith.addi %add3A, %mul3A_6 : i32
    %select_n3A_8 = arith.select %eq3A_3, %mul3A_4, %add3A_7 : i32
    %mul3A_9 = arith.constant 640 : i32
    %mul3A_10 = arith.muli %arg1, %mul3A_9 : i32
    "tpu.region"() ({
      %run_scoped3A = tpu.sem_alloc : memref<!tpu.dma_semaphore, #tpu.memory_space<semaphore_mem>>
      %dma_start3A_88 = arith.constant 0 : i32
      %dma_start3A_89 = tpu.memref_slice %arg3[%select_n3A_8, %dma_start3A_88] : memref<3488x96xi32, #tpu.memory_space<hbm>> -> memref<124x96xi32, #tpu.memory_space<hbm>>
      %dma_start3A_90 = arith.constant 0 : i32
      %dma_start3A_91 = tpu.memref_slice %arg3[%select_n3A_8, %dma_start3A_90] : memref<3488x96xi32, #tpu.memory_space<hbm>> -> memref<124x96xi32, #tpu.memory_space<hbm>>
      tpu.enqueue_dma source(%dma_start3A_91 : memref<124x96xi32, #tpu.memory_space<hbm>>) target(%arg7 : memref<124x96xi32, #tpu.memory_space<vmem>>) target_semaphore(%run_scoped3A : memref<!tpu.dma_semaphore, #tpu.memory_space<semaphore_mem>>)
      %dma_wait3A_92 = arith.constant 0 : i32
      %dma_wait3A_93 = tpu.memref_slice %arg3[%select_n3A_8, %dma_wait3A_92] : memref<3488x96xi32, #tpu.memory_space<hbm>> -> memref<124x96xi32, #tpu.memory_space<hbm>>
      %dma_wait3A_94 = arith.constant 0 : i32
      %dma_wait3A_95 = tpu.memref_slice %arg3[%select_n3A_8, %dma_wait3A_94] : memref<3488x96xi32, #tpu.memory_space<hbm>> -> memref<124x96xi32, #tpu.memory_space<hbm>>
      tpu.wait_dma2 semaphore(%run_scoped3A : memref<!tpu.dma_semaphore, #tpu.memory_space<semaphore_mem>>) src(%dma_wait3A_95 : memref<124x96xi32, #tpu.memory_space<hbm>>) dst(%arg7 : memref<124x96xi32, #tpu.memory_space<vmem>>)
      tpu.yield
    }) : () -> ()
    "tpu.region"() ({
      %run_scoped3A = tpu.sem_alloc : memref<!tpu.dma_semaphore, #tpu.memory_space<semaphore_mem>>
      %dma_start3A_88 = arith.constant 0 : i32
      %dma_start3A_89 = tpu.memref_slice %arg4[%select_n3A_8, %dma_start3A_88] : memref<3488x96xi32, #tpu.memory_space<hbm>> -> memref<124x96xi32, #tpu.memory_space<hbm>>
      %dma_start3A_90 = arith.constant 0 : i32
      %dma_start3A_91 = tpu.memref_slice %arg4[%select_n3A_8, %dma_start3A_90] : memref<3488x96xi32, #tpu.memory_space<hbm>> -> memref<124x96xi32, #tpu.memory_space<hbm>>
      tpu.enqueue_dma source(%dma_start3A_91 : memref<124x96xi32, #tpu.memory_space<hbm>>) target(%arg8 : memref<124x96xi32, #tpu.memory_space<vmem>>) target_semaphore(%run_scoped3A : memref<!tpu.dma_semaphore, #tpu.memory_space<semaphore_mem>>)
      %dma_wait3A_92 = arith.constant 0 : i32
      %dma_wait3A_93 = tpu.memref_slice %arg4[%select_n3A_8, %dma_wait3A_92] : memref<3488x96xi32, #tpu.memory_space<hbm>> -> memref<124x96xi32, #tpu.memory_space<hbm>>
      %dma_wait3A_94 = arith.constant 0 : i32
      %dma_wait3A_95 = tpu.memref_slice %arg4[%select_n3A_8, %dma_wait3A_94] : memref<3488x96xi32, #tpu.memory_space<hbm>> -> memref<124x96xi32, #tpu.memory_space<hbm>>
      tpu.wait_dma2 semaphore(%run_scoped3A : memref<!tpu.dma_semaphore, #tpu.memory_space<semaphore_mem>>) src(%dma_wait3A_95 : memref<124x96xi32, #tpu.memory_space<hbm>>) dst(%arg8 : memref<124x96xi32, #tpu.memory_space<vmem>>)
      tpu.yield
    }) : () -> ()
    "tpu.region"() ({
      %run_scoped3A = tpu.sem_alloc : memref<!tpu.dma_semaphore, #tpu.memory_space<semaphore_mem>>
      %dma_start3A_88 = arith.constant 0 : i32
      %dma_start3A_89 = tpu.memref_slice %arg17[%mul3A_10, %dma_start3A_88] : memref<10240x64xf32, #tpu.memory_space<vmem_shared>> -> memref<640x64xf32, #tpu.memory_space<vmem_shared>>
      %dma_start3A_90 = arith.constant 0 : i32
      %dma_start3A_91 = tpu.memref_slice %arg5[%mul3A_10, %dma_start3A_90] : memref<10240x64xf32, #tpu.memory_space<hbm>> -> memref<640x64xf32, #tpu.memory_space<hbm>>
      tpu.enqueue_dma source(%dma_start3A_91 : memref<640x64xf32, #tpu.memory_space<hbm>>) target(%dma_start3A_89 : memref<640x64xf32, #tpu.memory_space<vmem_shared>>) target_semaphore(%run_scoped3A : memref<!tpu.dma_semaphore, #tpu.memory_space<semaphore_mem>>)
      %dma_wait3A_92 = arith.constant 0 : i32
      %dma_wait3A_93 = tpu.memref_slice %arg17[%mul3A_10, %dma_wait3A_92] : memref<10240x64xf32, #tpu.memory_space<vmem_shared>> -> memref<640x64xf32, #tpu.memory_space<vmem_shared>>
      %dma_wait3A_94 = arith.constant 0 : i32
      %dma_wait3A_95 = tpu.memref_slice %arg5[%mul3A_10, %dma_wait3A_94] : memref<10240x64xf32, #tpu.memory_space<hbm>> -> memref<640x64xf32, #tpu.memory_space<hbm>>
      tpu.wait_dma2 semaphore(%run_scoped3A : memref<!tpu.dma_semaphore, #tpu.memory_space<semaphore_mem>>) src(%dma_wait3A_95 : memref<640x64xf32, #tpu.memory_space<hbm>>) dst(%dma_wait3A_93 : memref<640x64xf32, #tpu.memory_space<vmem_shared>>)
      tpu.yield
    }) : () -> ()
    %barrier3A = arith.constant 0 : index
    tpu.barrier barrier_id(%barrier3A)
    %dma_start3A = arith.constant 0 : i32
    %dma_start3A_11 = arith.constant 0 : i32
    %dma_start3A_12 = tpu.memref_slice %arg7[%dma_start3A, %dma_start3A_11] : memref<124x96xi32, #tpu.memory_space<vmem>> -> memref<1x96xi32, #tpu.memory_space<vmem>>
    %dma_start3A_13 = tpu.memref_squeeze %dma_start3A_12 : memref<1x96xi32, #tpu.memory_space<vmem>> -> memref<96xi32, #tpu.memory_space<vmem>>
    %dma_start3A_14 = arith.constant 0 : i32
    %dma_start3A_15 = arith.constant 0 : i32
    %dma_start3A_16 = tpu.memref_slice %arg2[%dma_start3A_14, %dma_start3A_15] : memref<10240x64xf32, #tpu.memory_space<hbm>> -> memref<10240x64xf32, #tpu.memory_space<hbm>>
    tpu.enqueue_indirect_dma source(%dma_start3A_16 : memref<10240x64xf32, #tpu.memory_space<hbm>>) target(%arg9 : memref<96x64xf32, #tpu.memory_space<vmem>>) offsets(%dma_start3A_13 : memref<96xi32, #tpu.memory_space<vmem>>) semaphore(%arg13 : memref<!tpu.dma_semaphore, #tpu.memory_space<semaphore_mem>>)
    %dma_start3A_17 = arith.constant 1 : i32
    %dma_start3A_18 = arith.constant 0 : i32
    %dma_start3A_19 = tpu.memref_slice %arg7[%dma_start3A_17, %dma_start3A_18] : memref<124x96xi32, #tpu.memory_space<vmem>> -> memref<1x96xi32, #tpu.memory_space<vmem>>
    %dma_start3A_20 = tpu.memref_squeeze %dma_start3A_19 : memref<1x96xi32, #tpu.memory_space<vmem>> -> memref<96xi32, #tpu.memory_space<vmem>>
    %dma_start3A_21 = arith.constant 0 : i32
    %dma_start3A_22 = arith.constant 0 : i32
    %dma_start3A_23 = tpu.memref_slice %arg2[%dma_start3A_21, %dma_start3A_22] : memref<10240x64xf32, #tpu.memory_space<hbm>> -> memref<10240x64xf32, #tpu.memory_space<hbm>>
    tpu.enqueue_indirect_dma source(%dma_start3A_23 : memref<10240x64xf32, #tpu.memory_space<hbm>>) target(%arg10 : memref<96x64xf32, #tpu.memory_space<vmem>>) offsets(%dma_start3A_20 : memref<96xi32, #tpu.memory_space<vmem>>) semaphore(%arg14 : memref<!tpu.dma_semaphore, #tpu.memory_space<semaphore_mem>>)
    %dma_start3A_24 = arith.constant 2 : i32
    %dma_start3A_25 = arith.constant 0 : i32
    %dma_start3A_26 = tpu.memref_slice %arg7[%dma_start3A_24, %dma_start3A_25] : memref<124x96xi32, #tpu.memory_space<vmem>> -> memref<1x96xi32, #tpu.memory_space<vmem>>
    %dma_start3A_27 = tpu.memref_squeeze %dma_start3A_26 : memref<1x96xi32, #tpu.memory_space<vmem>> -> memref<96xi32, #tpu.memory_space<vmem>>
    %dma_start3A_28 = arith.constant 0 : i32
    %dma_start3A_29 = arith.constant 0 : i32
    %dma_start3A_30 = tpu.memref_slice %arg2[%dma_start3A_28, %dma_start3A_29] : memref<10240x64xf32, #tpu.memory_space<hbm>> -> memref<10240x64xf32, #tpu.memory_space<hbm>>
    tpu.enqueue_indirect_dma source(%dma_start3A_30 : memref<10240x64xf32, #tpu.memory_space<hbm>>) target(%arg11 : memref<96x64xf32, #tpu.memory_space<vmem>>) offsets(%dma_start3A_27 : memref<96xi32, #tpu.memory_space<vmem>>) semaphore(%arg15 : memref<!tpu.dma_semaphore, #tpu.memory_space<semaphore_mem>>)
    %jit3A_31 = arith.constant 4 : i32
    %div3A = arith.divsi %select_n3A, %jit3A_31 : i32
    %sign3A = arith.constant 0 : i32
    %sign3A_32 = arith.cmpi sgt, %select_n3A, %sign3A : i32
    %sign3A_33 = arith.extui %sign3A_32 : i1 to i32
    %sign3A_34 = arith.constant 0 : i32
    %sign3A_35 = arith.cmpi slt, %select_n3A, %sign3A_34 : i32
    %sign3A_36 = arith.extui %sign3A_35 : i1 to i32
    %sign3A_37 = arith.subi %sign3A_33, %sign3A_36 : i32
    %sign3A_38 = arith.constant 0 : i32
    %sign3A_39 = arith.cmpi sgt, %jit3A_31, %sign3A_38 : i32
    %sign3A_40 = arith.extui %sign3A_39 : i1 to i32
    %sign3A_41 = arith.constant 0 : i32
    %sign3A_42 = arith.cmpi slt, %jit3A_31, %sign3A_41 : i32
    %sign3A_43 = arith.extui %sign3A_42 : i1 to i32
    %sign3A_44 = arith.subi %sign3A_40, %sign3A_43 : i32
    %ne3A = arith.cmpi ne, %sign3A_37, %sign3A_44 : i32
    %rem3A = arith.remsi %select_n3A, %jit3A_31 : i32
    %ne3A_45 = arith.constant 0 : i32
    %ne3A_46 = arith.cmpi ne, %rem3A, %ne3A_45 : i32
    %and3A = arith.andi %ne3A, %ne3A_46 : i1
    %sub3A = arith.constant 1 : i32
    %sub3A_47 = arith.subi %div3A, %sub3A : i32
    %select_n3A_48 = arith.select %and3A, %sub3A_47, %div3A : i32
    %sub3A_49 = arith.constant 0 : i32
    %sub3A_50 = arith.subi %select_n3A_48, %sub3A_49 : i32
    %sub3A_51 = arith.constant 1 : i32
    %sub3A_52 = arith.constant 1 : i32
    %sub3A_53 = arith.subi %sub3A_51, %sub3A_52 : i32
    %add3A_54 = arith.addi %sub3A_50, %sub3A_53 : i32
    %div3A_55 = arith.constant 1 : i32
    %div3A_56 = arith.divsi %add3A_54, %div3A_55 : i32
    %while3A = arith.constant 1 : i32
    %while3A_57 = arith.constant 0 : i32
    %while3A_58 = arith.constant 0 : i32
    %while3A_59 = arith.subi %div3A_56, %while3A_58 : i32
    %while3A_60 = arith.addi %while3A_58, %while3A_59 : i32
    %while3A_61 = arith.constant 1 : i32
    %while3A_62 = arith.divsi %while3A_59, %while3A_61 : i32
    %while3A_63 = arith.muli %while3A_62, %while3A_61 : i32
    %while3A_64 = arith.addi %while3A_58, %while3A_63 : i32
    %while3A_65 = arith.constant 1 : i32
    scf.for %while3A_88 = %while3A_58 to %while3A_64 step %while3A_65  : i32 {
      %mul3A_89 = arith.muli %while3A_88, %while3A : i32
      %add3A_90 = arith.addi %while3A_57, %mul3A_89 : i32
      %mul3A_91 = arith.constant 4 : i32
      %mul3A_92 = arith.muli %mul3A_91, %add3A_90 : i32
      %add3A_93 = arith.constant 0 : i32
      %add3A_94 = arith.addi %mul3A_92, %add3A_93 : i32
      %add3A_95 = arith.constant 4 : i32
      %add3A_96 = arith.addi %add3A_94, %add3A_95 : i32
      %sub3A_97 = arith.constant 1 : i32
      %sub3A_98 = arith.subi %add3A_96, %sub3A_97 : i32
      %sub3A_99 = arith.constant 1 : i32
      %sub3A_100 = arith.subi %select_n3A, %sub3A_99 : i32
      %min3A = arith.minsi %sub3A_98, %sub3A_100 : i32
      %dma_wait3A_101 = arith.constant 0 : i32
      %dma_wait3A_102 = tpu.memref_slice %arg7[%add3A_94, %dma_wait3A_101] : memref<124x96xi32, #tpu.memory_space<vmem>> -> memref<1x96xi32, #tpu.memory_space<vmem>>
      %dma_wait3A_103 = tpu.memref_squeeze %dma_wait3A_102 : memref<1x96xi32, #tpu.memory_space<vmem>> -> memref<96xi32, #tpu.memory_space<vmem>>
      %dma_wait3A_104 = arith.constant 0 : i32
      %dma_wait3A_105 = arith.constant 0 : i32
      %dma_wait3A_106 = tpu.memref_slice %arg2[%dma_wait3A_104, %dma_wait3A_105] : memref<10240x64xf32, #tpu.memory_space<hbm>> -> memref<10240x64xf32, #tpu.memory_space<hbm>>
      tpu.wait_indirect_dma semaphore(%arg13 : memref<!tpu.dma_semaphore, #tpu.memory_space<semaphore_mem>>) src(%dma_wait3A_106 : memref<10240x64xf32, #tpu.memory_space<hbm>>) dst(%arg9 : memref<96x64xf32, #tpu.memory_space<vmem>>)
      %dma_start3A_107 = arith.constant 0 : i32
      %dma_start3A_108 = tpu.memref_slice %arg7[%min3A, %dma_start3A_107] : memref<124x96xi32, #tpu.memory_space<vmem>> -> memref<1x96xi32, #tpu.memory_space<vmem>>
      %dma_start3A_109 = tpu.memref_squeeze %dma_start3A_108 : memref<1x96xi32, #tpu.memory_space<vmem>> -> memref<96xi32, #tpu.memory_space<vmem>>
      %dma_start3A_110 = arith.constant 0 : i32
      %dma_start3A_111 = arith.constant 0 : i32
      %dma_start3A_112 = tpu.memref_slice %arg2[%dma_start3A_110, %dma_start3A_111] : memref<10240x64xf32, #tpu.memory_space<hbm>> -> memref<10240x64xf32, #tpu.memory_space<hbm>>
      tpu.enqueue_indirect_dma source(%dma_start3A_112 : memref<10240x64xf32, #tpu.memory_space<hbm>>) target(%arg12 : memref<96x64xf32, #tpu.memory_space<vmem>>) offsets(%dma_start3A_109 : memref<96xi32, #tpu.memory_space<vmem>>) semaphore(%arg16 : memref<!tpu.dma_semaphore, #tpu.memory_space<semaphore_mem>>)
      "tpu.region"() ({
        %run_scoped3A = tpu.sem_alloc : memref<!tpu.dma_semaphore, #tpu.memory_space<semaphore_mem>>
        %dma_start3A_182 = arith.constant 0 : i32
        %dma_start3A_183 = tpu.memref_slice %arg8[%add3A_94, %dma_start3A_182] : memref<124x96xi32, #tpu.memory_space<vmem>> -> memref<1x96xi32, #tpu.memory_space<vmem>>
        %dma_start3A_184 = tpu.memref_squeeze %dma_start3A_183 : memref<1x96xi32, #tpu.memory_space<vmem>> -> memref<96xi32, #tpu.memory_space<vmem>>
        %dma_start3A_185 = arith.constant 0 : i32
        %dma_start3A_186 = arith.constant 0 : i32
        %dma_start3A_187 = tpu.memref_slice %arg17[%dma_start3A_185, %dma_start3A_186] : memref<10240x64xf32, #tpu.memory_space<vmem_shared>> -> memref<10240x64xf32, #tpu.memory_space<vmem_shared>>
        tpu.enqueue_indirect_dma source(%arg9 : memref<96x64xf32, #tpu.memory_space<vmem>>) target(%dma_start3A_187 : memref<10240x64xf32, #tpu.memory_space<vmem_shared>>) offsets(%dma_start3A_184 : memref<96xi32, #tpu.memory_space<vmem>>) semaphore(%run_scoped3A : memref<!tpu.dma_semaphore, #tpu.memory_space<semaphore_mem>>) {add = true}
        %dma_wait3A_188 = arith.constant 0 : i32
        %dma_wait3A_189 = tpu.memref_slice %arg8[%add3A_94, %dma_wait3A_188] : memref<124x96xi32, #tpu.memory_space<vmem>> -> memref<1x96xi32, #tpu.memory_space<vmem>>
        %dma_wait3A_190 = tpu.memref_squeeze %dma_wait3A_189 : memref<1x96xi32, #tpu.memory_space<vmem>> -> memref<96xi32, #tpu.memory_space<vmem>>
        %dma_wait3A_191 = arith.constant 0 : i32
        %dma_wait3A_192 = arith.constant 0 : i32
        %dma_wait3A_193 = tpu.memref_slice %arg17[%dma_wait3A_191, %dma_wait3A_192] : memref<10240x64xf32, #tpu.memory_space<vmem_shared>> -> memref<10240x64xf32, #tpu.memory_space<vmem_shared>>
        tpu.wait_indirect_dma semaphore(%run_scoped3A : memref<!tpu.dma_semaphore, #tpu.memory_space<semaphore_mem>>) src(%arg9 : memref<96x64xf32, #tpu.memory_space<vmem>>) dst(%dma_wait3A_193 : memref<10240x64xf32, #tpu.memory_space<vmem_shared>>)
        tpu.yield
      }) : () -> ()
      %mul3A_113 = arith.constant 4 : i32
      %mul3A_114 = arith.muli %mul3A_113, %add3A_90 : i32
      %add3A_115 = arith.constant 1 : i32
      %add3A_116 = arith.addi %mul3A_114, %add3A_115 : i32
      %add3A_117 = arith.constant 4 : i32
      %add3A_118 = arith.addi %add3A_116, %add3A_117 : i32
      %sub3A_119 = arith.constant 1 : i32
      %sub3A_120 = arith.subi %add3A_118, %sub3A_119 : i32
      %sub3A_121 = arith.constant 1 : i32
      %sub3A_122 = arith.subi %select_n3A, %sub3A_121 : i32
      %min3A_123 = arith.minsi %sub3A_120, %sub3A_122 : i32
      %dma_wait3A_124 = arith.constant 0 : i32
      %dma_wait3A_125 = tpu.memref_slice %arg7[%add3A_116, %dma_wait3A_124] : memref<124x96xi32, #tpu.memory_space<vmem>> -> memref<1x96xi32, #tpu.memory_space<vmem>>
      %dma_wait3A_126 = tpu.memref_squeeze %dma_wait3A_125 : memref<1x96xi32, #tpu.memory_space<vmem>> -> memref<96xi32, #tpu.memory_space<vmem>>
      %dma_wait3A_127 = arith.constant 0 : i32
      %dma_wait3A_128 = arith.constant 0 : i32
      %dma_wait3A_129 = tpu.memref_slice %arg2[%dma_wait3A_127, %dma_wait3A_128] : memref<10240x64xf32, #tpu.memory_space<hbm>> -> memref<10240x64xf32, #tpu.memory_space<hbm>>
      tpu.wait_indirect_dma semaphore(%arg14 : memref<!tpu.dma_semaphore, #tpu.memory_space<semaphore_mem>>) src(%dma_wait3A_129 : memref<10240x64xf32, #tpu.memory_space<hbm>>) dst(%arg10 : memref<96x64xf32, #tpu.memory_space<vmem>>)
      %dma_start3A_130 = arith.constant 0 : i32
      %dma_start3A_131 = tpu.memref_slice %arg7[%min3A_123, %dma_start3A_130] : memref<124x96xi32, #tpu.memory_space<vmem>> -> memref<1x96xi32, #tpu.memory_space<vmem>>
      %dma_start3A_132 = tpu.memref_squeeze %dma_start3A_131 : memref<1x96xi32, #tpu.memory_space<vmem>> -> memref<96xi32, #tpu.memory_space<vmem>>
      %dma_start3A_133 = arith.constant 0 : i32
      %dma_start3A_134 = arith.constant 0 : i32
      %dma_start3A_135 = tpu.memref_slice %arg2[%dma_start3A_133, %dma_start3A_134] : memref<10240x64xf32, #tpu.memory_space<hbm>> -> memref<10240x64xf32, #tpu.memory_space<hbm>>
      tpu.enqueue_indirect_dma source(%dma_start3A_135 : memref<10240x64xf32, #tpu.memory_space<hbm>>) target(%arg9 : memref<96x64xf32, #tpu.memory_space<vmem>>) offsets(%dma_start3A_132 : memref<96xi32, #tpu.memory_space<vmem>>) semaphore(%arg13 : memref<!tpu.dma_semaphore, #tpu.memory_space<semaphore_mem>>)
      "tpu.region"() ({
        %run_scoped3A = tpu.sem_alloc : memref<!tpu.dma_semaphore, #tpu.memory_space<semaphore_mem>>
        %dma_start3A_182 = arith.constant 0 : i32
        %dma_start3A_183 = tpu.memref_slice %arg8[%add3A_116, %dma_start3A_182] : memref<124x96xi32, #tpu.memory_space<vmem>> -> memref<1x96xi32, #tpu.memory_space<vmem>>
        %dma_start3A_184 = tpu.memref_squeeze %dma_start3A_183 : memref<1x96xi32, #tpu.memory_space<vmem>> -> memref<96xi32, #tpu.memory_space<vmem>>
        %dma_start3A_185 = arith.constant 0 : i32
        %dma_start3A_186 = arith.constant 0 : i32
        %dma_start3A_187 = tpu.memref_slice %arg17[%dma_start3A_185, %dma_start3A_186] : memref<10240x64xf32, #tpu.memory_space<vmem_shared>> -> memref<10240x64xf32, #tpu.memory_space<vmem_shared>>
        tpu.enqueue_indirect_dma source(%arg10 : memref<96x64xf32, #tpu.memory_space<vmem>>) target(%dma_start3A_187 : memref<10240x64xf32, #tpu.memory_space<vmem_shared>>) offsets(%dma_start3A_184 : memref<96xi32, #tpu.memory_space<vmem>>) semaphore(%run_scoped3A : memref<!tpu.dma_semaphore, #tpu.memory_space<semaphore_mem>>) {add = true}
        %dma_wait3A_188 = arith.constant 0 : i32
        %dma_wait3A_189 = tpu.memref_slice %arg8[%add3A_116, %dma_wait3A_188] : memref<124x96xi32, #tpu.memory_space<vmem>> -> memref<1x96xi32, #tpu.memory_space<vmem>>
        %dma_wait3A_190 = tpu.memref_squeeze %dma_wait3A_189 : memref<1x96xi32, #tpu.memory_space<vmem>> -> memref<96xi32, #tpu.memory_space<vmem>>
        %dma_wait3A_191 = arith.constant 0 : i32
        %dma_wait3A_192 = arith.constant 0 : i32
        %dma_wait3A_193 = tpu.memref_slice %arg17[%dma_wait3A_191, %dma_wait3A_192] : memref<10240x64xf32, #tpu.memory_space<vmem_shared>> -> memref<10240x64xf32, #tpu.memory_space<vmem_shared>>
        tpu.wait_indirect_dma semaphore(%run_scoped3A : memref<!tpu.dma_semaphore, #tpu.memory_space<semaphore_mem>>) src(%arg10 : memref<96x64xf32, #tpu.memory_space<vmem>>) dst(%dma_wait3A_193 : memref<10240x64xf32, #tpu.memory_space<vmem_shared>>)
        tpu.yield
      }) : () -> ()
      %mul3A_136 = arith.constant 4 : i32
      %mul3A_137 = arith.muli %mul3A_136, %add3A_90 : i32
      %add3A_138 = arith.constant 2 : i32
      %add3A_139 = arith.addi %mul3A_137, %add3A_138 : i32
      %add3A_140 = arith.constant 4 : i32
      %add3A_141 = arith.addi %add3A_139, %add3A_140 : i32
      %sub3A_142 = arith.constant 1 : i32
      %sub3A_143 = arith.subi %add3A_141, %sub3A_142 : i32
      %sub3A_144 = arith.constant 1 : i32
      %sub3A_145 = arith.subi %select_n3A, %sub3A_144 : i32
      %min3A_146 = arith.minsi %sub3A_143, %sub3A_145 : i32
      %dma_wait3A_147 = arith.constant 0 : i32
      %dma_wait3A_148 = tpu.memref_slice %arg7[%add3A_139, %dma_wait3A_147] : memref<124x96xi32, #tpu.memory_space<vmem>> -> memref<1x96xi32, #tpu.memory_space<vmem>>
      %dma_wait3A_149 = tpu.memref_squeeze %dma_wait3A_148 : memref<1x96xi32, #tpu.memory_space<vmem>> -> memref<96xi32, #tpu.memory_space<vmem>>
      %dma_wait3A_150 = arith.constant 0 : i32
      %dma_wait3A_151 = arith.constant 0 : i32
      %dma_wait3A_152 = tpu.memref_slice %arg2[%dma_wait3A_150, %dma_wait3A_151] : memref<10240x64xf32, #tpu.memory_space<hbm>> -> memref<10240x64xf32, #tpu.memory_space<hbm>>
      tpu.wait_indirect_dma semaphore(%arg15 : memref<!tpu.dma_semaphore, #tpu.memory_space<semaphore_mem>>) src(%dma_wait3A_152 : memref<10240x64xf32, #tpu.memory_space<hbm>>) dst(%arg11 : memref<96x64xf32, #tpu.memory_space<vmem>>)
      %dma_start3A_153 = arith.constant 0 : i32
      %dma_start3A_154 = tpu.memref_slice %arg7[%min3A_146, %dma_start3A_153] : memref<124x96xi32, #tpu.memory_space<vmem>> -> memref<1x96xi32, #tpu.memory_space<vmem>>
      %dma_start3A_155 = tpu.memref_squeeze %dma_start3A_154 : memref<1x96xi32, #tpu.memory_space<vmem>> -> memref<96xi32, #tpu.memory_space<vmem>>
      %dma_start3A_156 = arith.constant 0 : i32
      %dma_start3A_157 = arith.constant 0 : i32
      %dma_start3A_158 = tpu.memref_slice %arg2[%dma_start3A_156, %dma_start3A_157] : memref<10240x64xf32, #tpu.memory_space<hbm>> -> memref<10240x64xf32, #tpu.memory_space<hbm>>
      tpu.enqueue_indirect_dma source(%dma_start3A_158 : memref<10240x64xf32, #tpu.memory_space<hbm>>) target(%arg10 : memref<96x64xf32, #tpu.memory_space<vmem>>) offsets(%dma_start3A_155 : memref<96xi32, #tpu.memory_space<vmem>>) semaphore(%arg14 : memref<!tpu.dma_semaphore, #tpu.memory_space<semaphore_mem>>)
      "tpu.region"() ({
        %run_scoped3A = tpu.sem_alloc : memref<!tpu.dma_semaphore, #tpu.memory_space<semaphore_mem>>
        %dma_start3A_182 = arith.constant 0 : i32
        %dma_start3A_183 = tpu.memref_slice %arg8[%add3A_139, %dma_start3A_182] : memref<124x96xi32, #tpu.memory_space<vmem>> -> memref<1x96xi32, #tpu.memory_space<vmem>>
        %dma_start3A_184 = tpu.memref_squeeze %dma_start3A_183 : memref<1x96xi32, #tpu.memory_space<vmem>> -> memref<96xi32, #tpu.memory_space<vmem>>
        %dma_start3A_185 = arith.constant 0 : i32
        %dma_start3A_186 = arith.constant 0 : i32
        %dma_start3A_187 = tpu.memref_slice %arg17[%dma_start3A_185, %dma_start3A_186] : memref<10240x64xf32, #tpu.memory_space<vmem_shared>> -> memref<10240x64xf32, #tpu.memory_space<vmem_shared>>
        tpu.enqueue_indirect_dma source(%arg11 : memref<96x64xf32, #tpu.memory_space<vmem>>) target(%dma_start3A_187 : memref<10240x64xf32, #tpu.memory_space<vmem_shared>>) offsets(%dma_start3A_184 : memref<96xi32, #tpu.memory_space<vmem>>) semaphore(%run_scoped3A : memref<!tpu.dma_semaphore, #tpu.memory_space<semaphore_mem>>) {add = true}
        %dma_wait3A_188 = arith.constant 0 : i32
        %dma_wait3A_189 = tpu.memref_slice %arg8[%add3A_139, %dma_wait3A_188] : memref<124x96xi32, #tpu.memory_space<vmem>> -> memref<1x96xi32, #tpu.memory_space<vmem>>
        %dma_wait3A_190 = tpu.memref_squeeze %dma_wait3A_189 : memref<1x96xi32, #tpu.memory_space<vmem>> -> memref<96xi32, #tpu.memory_space<vmem>>
        %dma_wait3A_191 = arith.constant 0 : i32
        %dma_wait3A_192 = arith.constant 0 : i32
        %dma_wait3A_193 = tpu.memref_slice %arg17[%dma_wait3A_191, %dma_wait3A_192] : memref<10240x64xf32, #tpu.memory_space<vmem_shared>> -> memref<10240x64xf32, #tpu.memory_space<vmem_shared>>
        tpu.wait_indirect_dma semaphore(%run_scoped3A : memref<!tpu.dma_semaphore, #tpu.memory_space<semaphore_mem>>) src(%arg11 : memref<96x64xf32, #tpu.memory_space<vmem>>) dst(%dma_wait3A_193 : memref<10240x64xf32, #tpu.memory_space<vmem_shared>>)
        tpu.yield
      }) : () -> ()
      %mul3A_159 = arith.constant 4 : i32
      %mul3A_160 = arith.muli %mul3A_159, %add3A_90 : i32
      %add3A_161 = arith.constant 3 : i32
      %add3A_162 = arith.addi %mul3A_160, %add3A_161 : i32
      %add3A_163 = arith.constant 4 : i32
      %add3A_164 = arith.addi %add3A_162, %add3A_163 : i32
      %sub3A_165 = arith.constant 1 : i32
      %sub3A_166 = arith.subi %add3A_164, %sub3A_165 : i32
      %sub3A_167 = arith.constant 1 : i32
      %sub3A_168 = arith.subi %select_n3A, %sub3A_167 : i32
      %min3A_169 = arith.minsi %sub3A_166, %sub3A_168 : i32
      %dma_wait3A_170 = arith.constant 0 : i32
      %dma_wait3A_171 = tpu.memref_slice %arg7[%add3A_162, %dma_wait3A_170] : memref<124x96xi32, #tpu.memory_space<vmem>> -> memref<1x96xi32, #tpu.memory_space<vmem>>
      %dma_wait3A_172 = tpu.memref_squeeze %dma_wait3A_171 : memref<1x96xi32, #tpu.memory_space<vmem>> -> memref<96xi32, #tpu.memory_space<vmem>>
      %dma_wait3A_173 = arith.constant 0 : i32
      %dma_wait3A_174 = arith.constant 0 : i32
      %dma_wait3A_175 = tpu.memref_slice %arg2[%dma_wait3A_173, %dma_wait3A_174] : memref<10240x64xf32, #tpu.memory_space<hbm>> -> memref<10240x64xf32, #tpu.memory_space<hbm>>
      tpu.wait_indirect_dma semaphore(%arg16 : memref<!tpu.dma_semaphore, #tpu.memory_space<semaphore_mem>>) src(%dma_wait3A_175 : memref<10240x64xf32, #tpu.memory_space<hbm>>) dst(%arg12 : memref<96x64xf32, #tpu.memory_space<vmem>>)
      %dma_start3A_176 = arith.constant 0 : i32
      %dma_start3A_177 = tpu.memref_slice %arg7[%min3A_169, %dma_start3A_176] : memref<124x96xi32, #tpu.memory_space<vmem>> -> memref<1x96xi32, #tpu.memory_space<vmem>>
      %dma_start3A_178 = tpu.memref_squeeze %dma_start3A_177 : memref<1x96xi32, #tpu.memory_space<vmem>> -> memref<96xi32, #tpu.memory_space<vmem>>
      %dma_start3A_179 = arith.constant 0 : i32
      %dma_start3A_180 = arith.constant 0 : i32
      %dma_start3A_181 = tpu.memref_slice %arg2[%dma_start3A_179, %dma_start3A_180] : memref<10240x64xf32, #tpu.memory_space<hbm>> -> memref<10240x64xf32, #tpu.memory_space<hbm>>
      tpu.enqueue_indirect_dma source(%dma_start3A_181 : memref<10240x64xf32, #tpu.memory_space<hbm>>) target(%arg11 : memref<96x64xf32, #tpu.memory_space<vmem>>) offsets(%dma_start3A_178 : memref<96xi32, #tpu.memory_space<vmem>>) semaphore(%arg15 : memref<!tpu.dma_semaphore, #tpu.memory_space<semaphore_mem>>)
      "tpu.region"() ({
        %run_scoped3A = tpu.sem_alloc : memref<!tpu.dma_semaphore, #tpu.memory_space<semaphore_mem>>
        %dma_start3A_182 = arith.constant 0 : i32
        %dma_start3A_183 = tpu.memref_slice %arg8[%add3A_162, %dma_start3A_182] : memref<124x96xi32, #tpu.memory_space<vmem>> -> memref<1x96xi32, #tpu.memory_space<vmem>>
        %dma_start3A_184 = tpu.memref_squeeze %dma_start3A_183 : memref<1x96xi32, #tpu.memory_space<vmem>> -> memref<96xi32, #tpu.memory_space<vmem>>
        %dma_start3A_185 = arith.constant 0 : i32
        %dma_start3A_186 = arith.constant 0 : i32
        %dma_start3A_187 = tpu.memref_slice %arg17[%dma_start3A_185, %dma_start3A_186] : memref<10240x64xf32, #tpu.memory_space<vmem_shared>> -> memref<10240x64xf32, #tpu.memory_space<vmem_shared>>
        tpu.enqueue_indirect_dma source(%arg12 : memref<96x64xf32, #tpu.memory_space<vmem>>) target(%dma_start3A_187 : memref<10240x64xf32, #tpu.memory_space<vmem_shared>>) offsets(%dma_start3A_184 : memref<96xi32, #tpu.memory_space<vmem>>) semaphore(%run_scoped3A : memref<!tpu.dma_semaphore, #tpu.memory_space<semaphore_mem>>) {add = true}
        %dma_wait3A_188 = arith.constant 0 : i32
        %dma_wait3A_189 = tpu.memref_slice %arg8[%add3A_162, %dma_wait3A_188] : memref<124x96xi32, #tpu.memory_space<vmem>> -> memref<1x96xi32, #tpu.memory_space<vmem>>
        %dma_wait3A_190 = tpu.memref_squeeze %dma_wait3A_189 : memref<1x96xi32, #tpu.memory_space<vmem>> -> memref<96xi32, #tpu.memory_space<vmem>>
        %dma_wait3A_191 = arith.constant 0 : i32
        %dma_wait3A_192 = arith.constant 0 : i32
        %dma_wait3A_193 = tpu.memref_slice %arg17[%dma_wait3A_191, %dma_wait3A_192] : memref<10240x64xf32, #tpu.memory_space<vmem_shared>> -> memref<10240x64xf32, #tpu.memory_space<vmem_shared>>
        tpu.wait_indirect_dma semaphore(%run_scoped3A : memref<!tpu.dma_semaphore, #tpu.memory_space<semaphore_mem>>) src(%arg12 : memref<96x64xf32, #tpu.memory_space<vmem>>) dst(%dma_wait3A_193 : memref<10240x64xf32, #tpu.memory_space<vmem_shared>>)
        tpu.yield
      }) : () -> ()
    }
    %while3A_66 = arith.constant 1 : i32
    scf.for %while3A_88 = %while3A_64 to %while3A_60 step %while3A_66  : i32 {
      %mul3A_89 = arith.muli %while3A_88, %while3A : i32
      %add3A_90 = arith.addi %while3A_57, %mul3A_89 : i32
      %mul3A_91 = arith.constant 4 : i32
      %mul3A_92 = arith.muli %mul3A_91, %add3A_90 : i32
      %add3A_93 = arith.constant 0 : i32
      %add3A_94 = arith.addi %mul3A_92, %add3A_93 : i32
      %add3A_95 = arith.constant 4 : i32
      %add3A_96 = arith.addi %add3A_94, %add3A_95 : i32
      %sub3A_97 = arith.constant 1 : i32
      %sub3A_98 = arith.subi %add3A_96, %sub3A_97 : i32
      %sub3A_99 = arith.constant 1 : i32
      %sub3A_100 = arith.subi %select_n3A, %sub3A_99 : i32
      %min3A = arith.minsi %sub3A_98, %sub3A_100 : i32
      %dma_wait3A_101 = arith.constant 0 : i32
      %dma_wait3A_102 = tpu.memref_slice %arg7[%add3A_94, %dma_wait3A_101] : memref<124x96xi32, #tpu.memory_space<vmem>> -> memref<1x96xi32, #tpu.memory_space<vmem>>
      %dma_wait3A_103 = tpu.memref_squeeze %dma_wait3A_102 : memref<1x96xi32, #tpu.memory_space<vmem>> -> memref<96xi32, #tpu.memory_space<vmem>>
      %dma_wait3A_104 = arith.constant 0 : i32
      %dma_wait3A_105 = arith.constant 0 : i32
      %dma_wait3A_106 = tpu.memref_slice %arg2[%dma_wait3A_104, %dma_wait3A_105] : memref<10240x64xf32, #tpu.memory_space<hbm>> -> memref<10240x64xf32, #tpu.memory_space<hbm>>
      tpu.wait_indirect_dma semaphore(%arg13 : memref<!tpu.dma_semaphore, #tpu.memory_space<semaphore_mem>>) src(%dma_wait3A_106 : memref<10240x64xf32, #tpu.memory_space<hbm>>) dst(%arg9 : memref<96x64xf32, #tpu.memory_space<vmem>>)
      %dma_start3A_107 = arith.constant 0 : i32
      %dma_start3A_108 = tpu.memref_slice %arg7[%min3A, %dma_start3A_107] : memref<124x96xi32, #tpu.memory_space<vmem>> -> memref<1x96xi32, #tpu.memory_space<vmem>>
      %dma_start3A_109 = tpu.memref_squeeze %dma_start3A_108 : memref<1x96xi32, #tpu.memory_space<vmem>> -> memref<96xi32, #tpu.memory_space<vmem>>
      %dma_start3A_110 = arith.constant 0 : i32
      %dma_start3A_111 = arith.constant 0 : i32
      %dma_start3A_112 = tpu.memref_slice %arg2[%dma_start3A_110, %dma_start3A_111] : memref<10240x64xf32, #tpu.memory_space<hbm>> -> memref<10240x64xf32, #tpu.memory_space<hbm>>
      tpu.enqueue_indirect_dma source(%dma_start3A_112 : memref<10240x64xf32, #tpu.memory_space<hbm>>) target(%arg12 : memref<96x64xf32, #tpu.memory_space<vmem>>) offsets(%dma_start3A_109 : memref<96xi32, #tpu.memory_space<vmem>>) semaphore(%arg16 : memref<!tpu.dma_semaphore, #tpu.memory_space<semaphore_mem>>)
      "tpu.region"() ({
        %run_scoped3A = tpu.sem_alloc : memref<!tpu.dma_semaphore, #tpu.memory_space<semaphore_mem>>
        %dma_start3A_182 = arith.constant 0 : i32
        %dma_start3A_183 = tpu.memref_slice %arg8[%add3A_94, %dma_start3A_182] : memref<124x96xi32, #tpu.memory_space<vmem>> -> memref<1x96xi32, #tpu.memory_space<vmem>>
        %dma_start3A_184 = tpu.memref_squeeze %dma_start3A_183 : memref<1x96xi32, #tpu.memory_space<vmem>> -> memref<96xi32, #tpu.memory_space<vmem>>
        %dma_start3A_185 = arith.constant 0 : i32
        %dma_start3A_186 = arith.constant 0 : i32
        %dma_start3A_187 = tpu.memref_slice %arg17[%dma_start3A_185, %dma_start3A_186] : memref<10240x64xf32, #tpu.memory_space<vmem_shared>> -> memref<10240x64xf32, #tpu.memory_space<vmem_shared>>
        tpu.enqueue_indirect_dma source(%arg9 : memref<96x64xf32, #tpu.memory_space<vmem>>) target(%dma_start3A_187 : memref<10240x64xf32, #tpu.memory_space<vmem_shared>>) offsets(%dma_start3A_184 : memref<96xi32, #tpu.memory_space<vmem>>) semaphore(%run_scoped3A : memref<!tpu.dma_semaphore, #tpu.memory_space<semaphore_mem>>) {add = true}
        %dma_wait3A_188 = arith.constant 0 : i32
        %dma_wait3A_189 = tpu.memref_slice %arg8[%add3A_94, %dma_wait3A_188] : memref<124x96xi32, #tpu.memory_space<vmem>> -> memref<1x96xi32, #tpu.memory_space<vmem>>
        %dma_wait3A_190 = tpu.memref_squeeze %dma_wait3A_189 : memref<1x96xi32, #tpu.memory_space<vmem>> -> memref<96xi32, #tpu.memory_space<vmem>>
        %dma_wait3A_191 = arith.constant 0 : i32
        %dma_wait3A_192 = arith.constant 0 : i32
        %dma_wait3A_193 = tpu.memref_slice %arg17[%dma_wait3A_191, %dma_wait3A_192] : memref<10240x64xf32, #tpu.memory_space<vmem_shared>> -> memref<10240x64xf32, #tpu.memory_space<vmem_shared>>
        tpu.wait_indirect_dma semaphore(%run_scoped3A : memref<!tpu.dma_semaphore, #tpu.memory_space<semaphore_mem>>) src(%arg9 : memref<96x64xf32, #tpu.memory_space<vmem>>) dst(%dma_wait3A_193 : memref<10240x64xf32, #tpu.memory_space<vmem_shared>>)
        tpu.yield
      }) : () -> ()
      %mul3A_113 = arith.constant 4 : i32
      %mul3A_114 = arith.muli %mul3A_113, %add3A_90 : i32
      %add3A_115 = arith.constant 1 : i32
      %add3A_116 = arith.addi %mul3A_114, %add3A_115 : i32
      %add3A_117 = arith.constant 4 : i32
      %add3A_118 = arith.addi %add3A_116, %add3A_117 : i32
      %sub3A_119 = arith.constant 1 : i32
      %sub3A_120 = arith.subi %add3A_118, %sub3A_119 : i32
      %sub3A_121 = arith.constant 1 : i32
      %sub3A_122 = arith.subi %select_n3A, %sub3A_121 : i32
      %min3A_123 = arith.minsi %sub3A_120, %sub3A_122 : i32
      %dma_wait3A_124 = arith.constant 0 : i32
      %dma_wait3A_125 = tpu.memref_slice %arg7[%add3A_116, %dma_wait3A_124] : memref<124x96xi32, #tpu.memory_space<vmem>> -> memref<1x96xi32, #tpu.memory_space<vmem>>
      %dma_wait3A_126 = tpu.memref_squeeze %dma_wait3A_125 : memref<1x96xi32, #tpu.memory_space<vmem>> -> memref<96xi32, #tpu.memory_space<vmem>>
      %dma_wait3A_127 = arith.constant 0 : i32
      %dma_wait3A_128 = arith.constant 0 : i32
      %dma_wait3A_129 = tpu.memref_slice %arg2[%dma_wait3A_127, %dma_wait3A_128] : memref<10240x64xf32, #tpu.memory_space<hbm>> -> memref<10240x64xf32, #tpu.memory_space<hbm>>
      tpu.wait_indirect_dma semaphore(%arg14 : memref<!tpu.dma_semaphore, #tpu.memory_space<semaphore_mem>>) src(%dma_wait3A_129 : memref<10240x64xf32, #tpu.memory_space<hbm>>) dst(%arg10 : memref<96x64xf32, #tpu.memory_space<vmem>>)
      %dma_start3A_130 = arith.constant 0 : i32
      %dma_start3A_131 = tpu.memref_slice %arg7[%min3A_123, %dma_start3A_130] : memref<124x96xi32, #tpu.memory_space<vmem>> -> memref<1x96xi32, #tpu.memory_space<vmem>>
      %dma_start3A_132 = tpu.memref_squeeze %dma_start3A_131 : memref<1x96xi32, #tpu.memory_space<vmem>> -> memref<96xi32, #tpu.memory_space<vmem>>
      %dma_start3A_133 = arith.constant 0 : i32
      %dma_start3A_134 = arith.constant 0 : i32
      %dma_start3A_135 = tpu.memref_slice %arg2[%dma_start3A_133, %dma_start3A_134] : memref<10240x64xf32, #tpu.memory_space<hbm>> -> memref<10240x64xf32, #tpu.memory_space<hbm>>
      tpu.enqueue_indirect_dma source(%dma_start3A_135 : memref<10240x64xf32, #tpu.memory_space<hbm>>) target(%arg9 : memref<96x64xf32, #tpu.memory_space<vmem>>) offsets(%dma_start3A_132 : memref<96xi32, #tpu.memory_space<vmem>>) semaphore(%arg13 : memref<!tpu.dma_semaphore, #tpu.memory_space<semaphore_mem>>)
      "tpu.region"() ({
        %run_scoped3A = tpu.sem_alloc : memref<!tpu.dma_semaphore, #tpu.memory_space<semaphore_mem>>
        %dma_start3A_182 = arith.constant 0 : i32
        %dma_start3A_183 = tpu.memref_slice %arg8[%add3A_116, %dma_start3A_182] : memref<124x96xi32, #tpu.memory_space<vmem>> -> memref<1x96xi32, #tpu.memory_space<vmem>>
        %dma_start3A_184 = tpu.memref_squeeze %dma_start3A_183 : memref<1x96xi32, #tpu.memory_space<vmem>> -> memref<96xi32, #tpu.memory_space<vmem>>
        %dma_start3A_185 = arith.constant 0 : i32
        %dma_start3A_186 = arith.constant 0 : i32
        %dma_start3A_187 = tpu.memref_slice %arg17[%dma_start3A_185, %dma_start3A_186] : memref<10240x64xf32, #tpu.memory_space<vmem_shared>> -> memref<10240x64xf32, #tpu.memory_space<vmem_shared>>
        tpu.enqueue_indirect_dma source(%arg10 : memref<96x64xf32, #tpu.memory_space<vmem>>) target(%dma_start3A_187 : memref<10240x64xf32, #tpu.memory_space<vmem_shared>>) offsets(%dma_start3A_184 : memref<96xi32, #tpu.memory_space<vmem>>) semaphore(%run_scoped3A : memref<!tpu.dma_semaphore, #tpu.memory_space<semaphore_mem>>) {add = true}
        %dma_wait3A_188 = arith.constant 0 : i32
        %dma_wait3A_189 = tpu.memref_slice %arg8[%add3A_116, %dma_wait3A_188] : memref<124x96xi32, #tpu.memory_space<vmem>> -> memref<1x96xi32, #tpu.memory_space<vmem>>
        %dma_wait3A_190 = tpu.memref_squeeze %dma_wait3A_189 : memref<1x96xi32, #tpu.memory_space<vmem>> -> memref<96xi32, #tpu.memory_space<vmem>>
        %dma_wait3A_191 = arith.constant 0 : i32
        %dma_wait3A_192 = arith.constant 0 : i32
        %dma_wait3A_193 = tpu.memref_slice %arg17[%dma_wait3A_191, %dma_wait3A_192] : memref<10240x64xf32, #tpu.memory_space<vmem_shared>> -> memref<10240x64xf32, #tpu.memory_space<vmem_shared>>
        tpu.wait_indirect_dma semaphore(%run_scoped3A : memref<!tpu.dma_semaphore, #tpu.memory_space<semaphore_mem>>) src(%arg10 : memref<96x64xf32, #tpu.memory_space<vmem>>) dst(%dma_wait3A_193 : memref<10240x64xf32, #tpu.memory_space<vmem_shared>>)
        tpu.yield
      }) : () -> ()
      %mul3A_136 = arith.constant 4 : i32
      %mul3A_137 = arith.muli %mul3A_136, %add3A_90 : i32
      %add3A_138 = arith.constant 2 : i32
      %add3A_139 = arith.addi %mul3A_137, %add3A_138 : i32
      %add3A_140 = arith.constant 4 : i32
      %add3A_141 = arith.addi %add3A_139, %add3A_140 : i32
      %sub3A_142 = arith.constant 1 : i32
      %sub3A_143 = arith.subi %add3A_141, %sub3A_142 : i32
      %sub3A_144 = arith.constant 1 : i32
      %sub3A_145 = arith.subi %select_n3A, %sub3A_144 : i32
      %min3A_146 = arith.minsi %sub3A_143, %sub3A_145 : i32
      %dma_wait3A_147 = arith.constant 0 : i32
      %dma_wait3A_148 = tpu.memref_slice %arg7[%add3A_139, %dma_wait3A_147] : memref<124x96xi32, #tpu.memory_space<vmem>> -> memref<1x96xi32, #tpu.memory_space<vmem>>
      %dma_wait3A_149 = tpu.memref_squeeze %dma_wait3A_148 : memref<1x96xi32, #tpu.memory_space<vmem>> -> memref<96xi32, #tpu.memory_space<vmem>>
      %dma_wait3A_150 = arith.constant 0 : i32
      %dma_wait3A_151 = arith.constant 0 : i32
      %dma_wait3A_152 = tpu.memref_slice %arg2[%dma_wait3A_150, %dma_wait3A_151] : memref<10240x64xf32, #tpu.memory_space<hbm>> -> memref<10240x64xf32, #tpu.memory_space<hbm>>
      tpu.wait_indirect_dma semaphore(%arg15 : memref<!tpu.dma_semaphore, #tpu.memory_space<semaphore_mem>>) src(%dma_wait3A_152 : memref<10240x64xf32, #tpu.memory_space<hbm>>) dst(%arg11 : memref<96x64xf32, #tpu.memory_space<vmem>>)
      %dma_start3A_153 = arith.constant 0 : i32
      %dma_start3A_154 = tpu.memref_slice %arg7[%min3A_146, %dma_start3A_153] : memref<124x96xi32, #tpu.memory_space<vmem>> -> memref<1x96xi32, #tpu.memory_space<vmem>>
      %dma_start3A_155 = tpu.memref_squeeze %dma_start3A_154 : memref<1x96xi32, #tpu.memory_space<vmem>> -> memref<96xi32, #tpu.memory_space<vmem>>
      %dma_start3A_156 = arith.constant 0 : i32
      %dma_start3A_157 = arith.constant 0 : i32
      %dma_start3A_158 = tpu.memref_slice %arg2[%dma_start3A_156, %dma_start3A_157] : memref<10240x64xf32, #tpu.memory_space<hbm>> -> memref<10240x64xf32, #tpu.memory_space<hbm>>
      tpu.enqueue_indirect_dma source(%dma_start3A_158 : memref<10240x64xf32, #tpu.memory_space<hbm>>) target(%arg10 : memref<96x64xf32, #tpu.memory_space<vmem>>) offsets(%dma_start3A_155 : memref<96xi32, #tpu.memory_space<vmem>>) semaphore(%arg14 : memref<!tpu.dma_semaphore, #tpu.memory_space<semaphore_mem>>)
      "tpu.region"() ({
        %run_scoped3A = tpu.sem_alloc : memref<!tpu.dma_semaphore, #tpu.memory_space<semaphore_mem>>
        %dma_start3A_182 = arith.constant 0 : i32
        %dma_start3A_183 = tpu.memref_slice %arg8[%add3A_139, %dma_start3A_182] : memref<124x96xi32, #tpu.memory_space<vmem>> -> memref<1x96xi32, #tpu.memory_space<vmem>>
        %dma_start3A_184 = tpu.memref_squeeze %dma_start3A_183 : memref<1x96xi32, #tpu.memory_space<vmem>> -> memref<96xi32, #tpu.memory_space<vmem>>
        %dma_start3A_185 = arith.constant 0 : i32
        %dma_start3A_186 = arith.constant 0 : i32
        %dma_start3A_187 = tpu.memref_slice %arg17[%dma_start3A_185, %dma_start3A_186] : memref<10240x64xf32, #tpu.memory_space<vmem_shared>> -> memref<10240x64xf32, #tpu.memory_space<vmem_shared>>
        tpu.enqueue_indirect_dma source(%arg11 : memref<96x64xf32, #tpu.memory_space<vmem>>) target(%dma_start3A_187 : memref<10240x64xf32, #tpu.memory_space<vmem_shared>>) offsets(%dma_start3A_184 : memref<96xi32, #tpu.memory_space<vmem>>) semaphore(%run_scoped3A : memref<!tpu.dma_semaphore, #tpu.memory_space<semaphore_mem>>) {add = true}
        %dma_wait3A_188 = arith.constant 0 : i32
        %dma_wait3A_189 = tpu.memref_slice %arg8[%add3A_139, %dma_wait3A_188] : memref<124x96xi32, #tpu.memory_space<vmem>> -> memref<1x96xi32, #tpu.memory_space<vmem>>
        %dma_wait3A_190 = tpu.memref_squeeze %dma_wait3A_189 : memref<1x96xi32, #tpu.memory_space<vmem>> -> memref<96xi32, #tpu.memory_space<vmem>>
        %dma_wait3A_191 = arith.constant 0 : i32
        %dma_wait3A_192 = arith.constant 0 : i32
        %dma_wait3A_193 = tpu.memref_slice %arg17[%dma_wait3A_191, %dma_wait3A_192] : memref<10240x64xf32, #tpu.memory_space<vmem_shared>> -> memref<10240x64xf32, #tpu.memory_space<vmem_shared>>
        tpu.wait_indirect_dma semaphore(%run_scoped3A : memref<!tpu.dma_semaphore, #tpu.memory_space<semaphore_mem>>) src(%arg11 : memref<96x64xf32, #tpu.memory_space<vmem>>) dst(%dma_wait3A_193 : memref<10240x64xf32, #tpu.memory_space<vmem_shared>>)
        tpu.yield
      }) : () -> ()
      %mul3A_159 = arith.constant 4 : i32
      %mul3A_160 = arith.muli %mul3A_159, %add3A_90 : i32
      %add3A_161 = arith.constant 3 : i32
      %add3A_162 = arith.addi %mul3A_160, %add3A_161 : i32
      %add3A_163 = arith.constant 4 : i32
      %add3A_164 = arith.addi %add3A_162, %add3A_163 : i32
      %sub3A_165 = arith.constant 1 : i32
      %sub3A_166 = arith.subi %add3A_164, %sub3A_165 : i32
      %sub3A_167 = arith.constant 1 : i32
      %sub3A_168 = arith.subi %select_n3A, %sub3A_167 : i32
      %min3A_169 = arith.minsi %sub3A_166, %sub3A_168 : i32
      %dma_wait3A_170 = arith.constant 0 : i32
      %dma_wait3A_171 = tpu.memref_slice %arg7[%add3A_162, %dma_wait3A_170] : memref<124x96xi32, #tpu.memory_space<vmem>> -> memref<1x96xi32, #tpu.memory_space<vmem>>
      %dma_wait3A_172 = tpu.memref_squeeze %dma_wait3A_171 : memref<1x96xi32, #tpu.memory_space<vmem>> -> memref<96xi32, #tpu.memory_space<vmem>>
      %dma_wait3A_173 = arith.constant 0 : i32
      %dma_wait3A_174 = arith.constant 0 : i32
      %dma_wait3A_175 = tpu.memref_slice %arg2[%dma_wait3A_173, %dma_wait3A_174] : memref<10240x64xf32, #tpu.memory_space<hbm>> -> memref<10240x64xf32, #tpu.memory_space<hbm>>
      tpu.wait_indirect_dma semaphore(%arg16 : memref<!tpu.dma_semaphore, #tpu.memory_space<semaphore_mem>>) src(%dma_wait3A_175 : memref<10240x64xf32, #tpu.memory_space<hbm>>) dst(%arg12 : memref<96x64xf32, #tpu.memory_space<vmem>>)
      %dma_start3A_176 = arith.constant 0 : i32
      %dma_start3A_177 = tpu.memref_slice %arg7[%min3A_169, %dma_start3A_176] : memref<124x96xi32, #tpu.memory_space<vmem>> -> memref<1x96xi32, #tpu.memory_space<vmem>>
      %dma_start3A_178 = tpu.memref_squeeze %dma_start3A_177 : memref<1x96xi32, #tpu.memory_space<vmem>> -> memref<96xi32, #tpu.memory_space<vmem>>
      %dma_start3A_179 = arith.constant 0 : i32
      %dma_start3A_180 = arith.constant 0 : i32
      %dma_start3A_181 = tpu.memref_slice %arg2[%dma_start3A_179, %dma_start3A_180] : memref<10240x64xf32, #tpu.memory_space<hbm>> -> memref<10240x64xf32, #tpu.memory_space<hbm>>
      tpu.enqueue_indirect_dma source(%dma_start3A_181 : memref<10240x64xf32, #tpu.memory_space<hbm>>) target(%arg11 : memref<96x64xf32, #tpu.memory_space<vmem>>) offsets(%dma_start3A_178 : memref<96xi32, #tpu.memory_space<vmem>>) semaphore(%arg15 : memref<!tpu.dma_semaphore, #tpu.memory_space<semaphore_mem>>)
      "tpu.region"() ({
        %run_scoped3A = tpu.sem_alloc : memref<!tpu.dma_semaphore, #tpu.memory_space<semaphore_mem>>
        %dma_start3A_182 = arith.constant 0 : i32
        %dma_start3A_183 = tpu.memref_slice %arg8[%add3A_162, %dma_start3A_182] : memref<124x96xi32, #tpu.memory_space<vmem>> -> memref<1x96xi32, #tpu.memory_space<vmem>>
        %dma_start3A_184 = tpu.memref_squeeze %dma_start3A_183 : memref<1x96xi32, #tpu.memory_space<vmem>> -> memref<96xi32, #tpu.memory_space<vmem>>
        %dma_start3A_185 = arith.constant 0 : i32
        %dma_start3A_186 = arith.constant 0 : i32
        %dma_start3A_187 = tpu.memref_slice %arg17[%dma_start3A_185, %dma_start3A_186] : memref<10240x64xf32, #tpu.memory_space<vmem_shared>> -> memref<10240x64xf32, #tpu.memory_space<vmem_shared>>
        tpu.enqueue_indirect_dma source(%arg12 : memref<96x64xf32, #tpu.memory_space<vmem>>) target(%dma_start3A_187 : memref<10240x64xf32, #tpu.memory_space<vmem_shared>>) offsets(%dma_start3A_184 : memref<96xi32, #tpu.memory_space<vmem>>) semaphore(%run_scoped3A : memref<!tpu.dma_semaphore, #tpu.memory_space<semaphore_mem>>) {add = true}
        %dma_wait3A_188 = arith.constant 0 : i32
        %dma_wait3A_189 = tpu.memref_slice %arg8[%add3A_162, %dma_wait3A_188] : memref<124x96xi32, #tpu.memory_space<vmem>> -> memref<1x96xi32, #tpu.memory_space<vmem>>
        %dma_wait3A_190 = tpu.memref_squeeze %dma_wait3A_189 : memref<1x96xi32, #tpu.memory_space<vmem>> -> memref<96xi32, #tpu.memory_space<vmem>>
        %dma_wait3A_191 = arith.constant 0 : i32
        %dma_wait3A_192 = arith.constant 0 : i32
        %dma_wait3A_193 = tpu.memref_slice %arg17[%dma_wait3A_191, %dma_wait3A_192] : memref<10240x64xf32, #tpu.memory_space<vmem_shared>> -> memref<10240x64xf32, #tpu.memory_space<vmem_shared>>
        tpu.wait_indirect_dma semaphore(%run_scoped3A : memref<!tpu.dma_semaphore, #tpu.memory_space<semaphore_mem>>) src(%arg12 : memref<96x64xf32, #tpu.memory_space<vmem>>) dst(%dma_wait3A_193 : memref<10240x64xf32, #tpu.memory_space<vmem_shared>>)
        tpu.yield
      }) : () -> ()
    }
    %dma_wait3A = arith.constant 0 : i32
    %dma_wait3A_67 = arith.constant 0 : i32
    %dma_wait3A_68 = tpu.memref_slice %arg7[%dma_wait3A, %dma_wait3A_67] : memref<124x96xi32, #tpu.memory_space<vmem>> -> memref<1x96xi32, #tpu.memory_space<vmem>>
    %dma_wait3A_69 = tpu.memref_squeeze %dma_wait3A_68 : memref<1x96xi32, #tpu.memory_space<vmem>> -> memref<96xi32, #tpu.memory_space<vmem>>
    %dma_wait3A_70 = arith.constant 0 : i32
    %dma_wait3A_71 = arith.constant 0 : i32
    %dma_wait3A_72 = tpu.memref_slice %arg2[%dma_wait3A_70, %dma_wait3A_71] : memref<10240x64xf32, #tpu.memory_space<hbm>> -> memref<10240x64xf32, #tpu.memory_space<hbm>>
    tpu.wait_indirect_dma semaphore(%arg13 : memref<!tpu.dma_semaphore, #tpu.memory_space<semaphore_mem>>) src(%dma_wait3A_72 : memref<10240x64xf32, #tpu.memory_space<hbm>>) dst(%arg9 : memref<96x64xf32, #tpu.memory_space<vmem>>)
    %dma_wait3A_73 = arith.constant 0 : i32
    %dma_wait3A_74 = arith.constant 0 : i32
    %dma_wait3A_75 = tpu.memref_slice %arg7[%dma_wait3A_73, %dma_wait3A_74] : memref<124x96xi32, #tpu.memory_space<vmem>> -> memref<1x96xi32, #tpu.memory_space<vmem>>
    %dma_wait3A_76 = tpu.memref_squeeze %dma_wait3A_75 : memref<1x96xi32, #tpu.memory_space<vmem>> -> memref<96xi32, #tpu.memory_space<vmem>>
    %dma_wait3A_77 = arith.constant 0 : i32
    %dma_wait3A_78 = arith.constant 0 : i32
    %dma_wait3A_79 = tpu.memref_slice %arg2[%dma_wait3A_77, %dma_wait3A_78] : memref<10240x64xf32, #tpu.memory_space<hbm>> -> memref<10240x64xf32, #tpu.memory_space<hbm>>
    tpu.wait_indirect_dma semaphore(%arg14 : memref<!tpu.dma_semaphore, #tpu.memory_space<semaphore_mem>>) src(%dma_wait3A_79 : memref<10240x64xf32, #tpu.memory_space<hbm>>) dst(%arg10 : memref<96x64xf32, #tpu.memory_space<vmem>>)
    %dma_wait3A_80 = arith.constant 0 : i32
    %dma_wait3A_81 = arith.constant 0 : i32
    %dma_wait3A_82 = tpu.memref_slice %arg7[%dma_wait3A_80, %dma_wait3A_81] : memref<124x96xi32, #tpu.memory_space<vmem>> -> memref<1x96xi32, #tpu.memory_space<vmem>>
    %dma_wait3A_83 = tpu.memref_squeeze %dma_wait3A_82 : memref<1x96xi32, #tpu.memory_space<vmem>> -> memref<96xi32, #tpu.memory_space<vmem>>
    %dma_wait3A_84 = arith.constant 0 : i32
    %dma_wait3A_85 = arith.constant 0 : i32
    %dma_wait3A_86 = tpu.memref_slice %arg2[%dma_wait3A_84, %dma_wait3A_85] : memref<10240x64xf32, #tpu.memory_space<hbm>> -> memref<10240x64xf32, #tpu.memory_space<hbm>>
    tpu.wait_indirect_dma semaphore(%arg15 : memref<!tpu.dma_semaphore, #tpu.memory_space<semaphore_mem>>) src(%dma_wait3A_86 : memref<10240x64xf32, #tpu.memory_space<hbm>>) dst(%arg11 : memref<96x64xf32, #tpu.memory_space<vmem>>)
    %barrier3A_87 = arith.constant 0 : index
    tpu.barrier barrier_id(%barrier3A_87)
    "tpu.region"() ({
      %run_scoped3A = tpu.sem_alloc : memref<!tpu.dma_semaphore, #tpu.memory_space<semaphore_mem>>
      %dma_start3A_88 = arith.constant 0 : i32
      %dma_start3A_89 = arith.constant 0 : i32
      %dma_start3A_90 = tpu.memref_slice %arg6[%arg0, %dma_start3A_88, %dma_start3A_89] : memref<2x10240x64xf32, #tpu.memory_space<hbm>> -> memref<1x10240x64xf32, #tpu.memory_space<hbm>>
      %dma_start3A_91 = tpu.memref_squeeze %dma_start3A_90 : memref<1x10240x64xf32, #tpu.memory_space<hbm>> -> memref<10240x64xf32, #tpu.memory_space<hbm>>
      %dma_start3A_92 = arith.constant 0 : i32
      %dma_start3A_93 = tpu.memref_slice %dma_start3A_91[%mul3A_10, %dma_start3A_92] : memref<10240x64xf32, #tpu.memory_space<hbm>> -> memref<640x64xf32, #tpu.memory_space<hbm>>
      %dma_start3A_94 = arith.constant 0 : i32
      %dma_start3A_95 = tpu.memref_slice %arg17[%mul3A_10, %dma_start3A_94] : memref<10240x64xf32, #tpu.memory_space<vmem_shared>> -> memref<640x64xf32, #tpu.memory_space<vmem_shared>>
      tpu.enqueue_dma source(%dma_start3A_95 : memref<640x64xf32, #tpu.memory_space<vmem_shared>>) target(%dma_start3A_93 : memref<640x64xf32, #tpu.memory_space<hbm>>) target_semaphore(%run_scoped3A : memref<!tpu.dma_semaphore, #tpu.memory_space<semaphore_mem>>)
      %dma_wait3A_96 = arith.constant 0 : i32
      %dma_wait3A_97 = arith.constant 0 : i32
      %dma_wait3A_98 = tpu.memref_slice %arg6[%arg0, %dma_wait3A_96, %dma_wait3A_97] : memref<2x10240x64xf32, #tpu.memory_space<hbm>> -> memref<1x10240x64xf32, #tpu.memory_space<hbm>>
      %dma_wait3A_99 = tpu.memref_squeeze %dma_wait3A_98 : memref<1x10240x64xf32, #tpu.memory_space<hbm>> -> memref<10240x64xf32, #tpu.memory_space<hbm>>
      %dma_wait3A_100 = arith.constant 0 : i32
      %dma_wait3A_101 = tpu.memref_slice %dma_wait3A_99[%mul3A_10, %dma_wait3A_100] : memref<10240x64xf32, #tpu.memory_space<hbm>> -> memref<640x64xf32, #tpu.memory_space<hbm>>
      %dma_wait3A_102 = arith.constant 0 : i32
      %dma_wait3A_103 = tpu.memref_slice %arg17[%mul3A_10, %dma_wait3A_102] : memref<10240x64xf32, #tpu.memory_space<vmem_shared>> -> memref<640x64xf32, #tpu.memory_space<vmem_shared>>
      tpu.wait_dma2 semaphore(%run_scoped3A : memref<!tpu.dma_semaphore, #tpu.memory_space<semaphore_mem>>) src(%dma_wait3A_103 : memref<640x64xf32, #tpu.memory_space<vmem_shared>>) dst(%dma_wait3A_101 : memref<640x64xf32, #tpu.memory_space<hbm>>)
      tpu.yield
    }) : () -> ()
    return
  }
}

#map = affine_map<(d0, d1) -> (0, 0)>
#map1 = affine_map<(d0, d1) -> (0, 0, 0)>
module attributes {stable_mosaic.version = 14 : i64} {
  func.func @_agg_body(%arg0: i32, %arg1: i32, %arg2: memref<10240x128xf32, #tpu.memory_space<hbm>>, %arg3: memref<3488x96xi32, #tpu.memory_space<hbm>>, %arg4: memref<3488x96xi32, #tpu.memory_space<hbm>>, %arg5: memref<10240x128xf32, #tpu.memory_space<hbm>>, %arg6: memref<2x10240x128xf32, #tpu.memory_space<hbm>>, %arg7: memref<124x96xi32, #tpu.memory_space<vmem>>, %arg8: memref<124x96xi32, #tpu.memory_space<vmem>>, %arg9: memref<96x128xf32, #tpu.memory_space<vmem>>, %arg10: memref<96x128xf32, #tpu.memory_space<vmem>>, %arg11: memref<!tpu.dma_semaphore, #tpu.memory_space<semaphore_mem>>, %arg12: memref<!tpu.dma_semaphore, #tpu.memory_space<semaphore_mem>>, %arg13: memref<10240x128xf32, #tpu.memory_space<vmem_shared>>) attributes {dimension_semantics = [#tpu.dimension_semantics<core_parallel>, #tpu.dimension_semantics<subcore_parallel>], iteration_bounds = array<i64: 2, 16>, scalar_prefetch = 0 : i64, scratch_operands = 7 : i64, tpu.core_type = #tpu.core_type<sc_vector_subcore>, window_params = [{transform_indices = #map}, {transform_indices = #map}, {transform_indices = #map}, {transform_indices = #map}, {transform_indices = #map1}]} {
    %eq3A = arith.constant 0 : i32
    %eq3A_0 = arith.cmpi eq, %arg0, %eq3A : i32
    %jit3A = arith.constant 124 : i32
    %jit3A_1 = arith.constant 92 : i32
    %select_n3A = arith.select %eq3A_0, %jit3A, %jit3A_1 : i32
    %eq3A_2 = arith.constant 0 : i32
    %eq3A_3 = arith.cmpi eq, %arg0, %eq3A_2 : i32
    %mul3A = arith.constant 124 : i32
    %mul3A_4 = arith.muli %arg1, %mul3A : i32
    %mul3A_5 = arith.constant 92 : i32
    %mul3A_6 = arith.muli %arg1, %mul3A_5 : i32
    %add3A = arith.constant 1984 : i32
    %add3A_7 = arith.addi %add3A, %mul3A_6 : i32
    %select_n3A_8 = arith.select %eq3A_3, %mul3A_4, %add3A_7 : i32
    %mul3A_9 = arith.constant 640 : i32
    %mul3A_10 = arith.muli %arg1, %mul3A_9 : i32
    "tpu.region"() ({
      %run_scoped3A = tpu.sem_alloc : memref<!tpu.dma_semaphore, #tpu.memory_space<semaphore_mem>>
      %dma_start3A_60 = arith.constant 0 : i32
      %dma_start3A_61 = tpu.memref_slice %arg3[%select_n3A_8, %dma_start3A_60] : memref<3488x96xi32, #tpu.memory_space<hbm>> -> memref<124x96xi32, #tpu.memory_space<hbm>>
      %dma_start3A_62 = arith.constant 0 : i32
      %dma_start3A_63 = tpu.memref_slice %arg3[%select_n3A_8, %dma_start3A_62] : memref<3488x96xi32, #tpu.memory_space<hbm>> -> memref<124x96xi32, #tpu.memory_space<hbm>>
      tpu.enqueue_dma source(%dma_start3A_63 : memref<124x96xi32, #tpu.memory_space<hbm>>) target(%arg7 : memref<124x96xi32, #tpu.memory_space<vmem>>) target_semaphore(%run_scoped3A : memref<!tpu.dma_semaphore, #tpu.memory_space<semaphore_mem>>)
      %dma_wait3A_64 = arith.constant 0 : i32
      %dma_wait3A_65 = tpu.memref_slice %arg3[%select_n3A_8, %dma_wait3A_64] : memref<3488x96xi32, #tpu.memory_space<hbm>> -> memref<124x96xi32, #tpu.memory_space<hbm>>
      %dma_wait3A_66 = arith.constant 0 : i32
      %dma_wait3A_67 = tpu.memref_slice %arg3[%select_n3A_8, %dma_wait3A_66] : memref<3488x96xi32, #tpu.memory_space<hbm>> -> memref<124x96xi32, #tpu.memory_space<hbm>>
      tpu.wait_dma2 semaphore(%run_scoped3A : memref<!tpu.dma_semaphore, #tpu.memory_space<semaphore_mem>>) src(%dma_wait3A_67 : memref<124x96xi32, #tpu.memory_space<hbm>>) dst(%arg7 : memref<124x96xi32, #tpu.memory_space<vmem>>)
      tpu.yield
    }) : () -> ()
    "tpu.region"() ({
      %run_scoped3A = tpu.sem_alloc : memref<!tpu.dma_semaphore, #tpu.memory_space<semaphore_mem>>
      %dma_start3A_60 = arith.constant 0 : i32
      %dma_start3A_61 = tpu.memref_slice %arg4[%select_n3A_8, %dma_start3A_60] : memref<3488x96xi32, #tpu.memory_space<hbm>> -> memref<124x96xi32, #tpu.memory_space<hbm>>
      %dma_start3A_62 = arith.constant 0 : i32
      %dma_start3A_63 = tpu.memref_slice %arg4[%select_n3A_8, %dma_start3A_62] : memref<3488x96xi32, #tpu.memory_space<hbm>> -> memref<124x96xi32, #tpu.memory_space<hbm>>
      tpu.enqueue_dma source(%dma_start3A_63 : memref<124x96xi32, #tpu.memory_space<hbm>>) target(%arg8 : memref<124x96xi32, #tpu.memory_space<vmem>>) target_semaphore(%run_scoped3A : memref<!tpu.dma_semaphore, #tpu.memory_space<semaphore_mem>>)
      %dma_wait3A_64 = arith.constant 0 : i32
      %dma_wait3A_65 = tpu.memref_slice %arg4[%select_n3A_8, %dma_wait3A_64] : memref<3488x96xi32, #tpu.memory_space<hbm>> -> memref<124x96xi32, #tpu.memory_space<hbm>>
      %dma_wait3A_66 = arith.constant 0 : i32
      %dma_wait3A_67 = tpu.memref_slice %arg4[%select_n3A_8, %dma_wait3A_66] : memref<3488x96xi32, #tpu.memory_space<hbm>> -> memref<124x96xi32, #tpu.memory_space<hbm>>
      tpu.wait_dma2 semaphore(%run_scoped3A : memref<!tpu.dma_semaphore, #tpu.memory_space<semaphore_mem>>) src(%dma_wait3A_67 : memref<124x96xi32, #tpu.memory_space<hbm>>) dst(%arg8 : memref<124x96xi32, #tpu.memory_space<vmem>>)
      tpu.yield
    }) : () -> ()
    "tpu.region"() ({
      %run_scoped3A = tpu.sem_alloc : memref<!tpu.dma_semaphore, #tpu.memory_space<semaphore_mem>>
      %dma_start3A_60 = arith.constant 0 : i32
      %dma_start3A_61 = tpu.memref_slice %arg13[%mul3A_10, %dma_start3A_60] : memref<10240x128xf32, #tpu.memory_space<vmem_shared>> -> memref<640x128xf32, #tpu.memory_space<vmem_shared>>
      %dma_start3A_62 = arith.constant 0 : i32
      %dma_start3A_63 = tpu.memref_slice %arg5[%mul3A_10, %dma_start3A_62] : memref<10240x128xf32, #tpu.memory_space<hbm>> -> memref<640x128xf32, #tpu.memory_space<hbm>>
      tpu.enqueue_dma source(%dma_start3A_63 : memref<640x128xf32, #tpu.memory_space<hbm>>) target(%dma_start3A_61 : memref<640x128xf32, #tpu.memory_space<vmem_shared>>) target_semaphore(%run_scoped3A : memref<!tpu.dma_semaphore, #tpu.memory_space<semaphore_mem>>)
      %dma_wait3A_64 = arith.constant 0 : i32
      %dma_wait3A_65 = tpu.memref_slice %arg13[%mul3A_10, %dma_wait3A_64] : memref<10240x128xf32, #tpu.memory_space<vmem_shared>> -> memref<640x128xf32, #tpu.memory_space<vmem_shared>>
      %dma_wait3A_66 = arith.constant 0 : i32
      %dma_wait3A_67 = tpu.memref_slice %arg5[%mul3A_10, %dma_wait3A_66] : memref<10240x128xf32, #tpu.memory_space<hbm>> -> memref<640x128xf32, #tpu.memory_space<hbm>>
      tpu.wait_dma2 semaphore(%run_scoped3A : memref<!tpu.dma_semaphore, #tpu.memory_space<semaphore_mem>>) src(%dma_wait3A_67 : memref<640x128xf32, #tpu.memory_space<hbm>>) dst(%dma_wait3A_65 : memref<640x128xf32, #tpu.memory_space<vmem_shared>>)
      tpu.yield
    }) : () -> ()
    %barrier3A = arith.constant 0 : index
    tpu.barrier barrier_id(%barrier3A)
    %dma_start3A = arith.constant 0 : i32
    %dma_start3A_11 = arith.constant 0 : i32
    %dma_start3A_12 = tpu.memref_slice %arg7[%dma_start3A, %dma_start3A_11] : memref<124x96xi32, #tpu.memory_space<vmem>> -> memref<1x96xi32, #tpu.memory_space<vmem>>
    %dma_start3A_13 = tpu.memref_squeeze %dma_start3A_12 : memref<1x96xi32, #tpu.memory_space<vmem>> -> memref<96xi32, #tpu.memory_space<vmem>>
    %dma_start3A_14 = arith.constant 0 : i32
    %dma_start3A_15 = arith.constant 0 : i32
    %dma_start3A_16 = tpu.memref_slice %arg2[%dma_start3A_14, %dma_start3A_15] : memref<10240x128xf32, #tpu.memory_space<hbm>> -> memref<10240x128xf32, #tpu.memory_space<hbm>>
    tpu.enqueue_indirect_dma source(%dma_start3A_16 : memref<10240x128xf32, #tpu.memory_space<hbm>>) target(%arg9 : memref<96x128xf32, #tpu.memory_space<vmem>>) offsets(%dma_start3A_13 : memref<96xi32, #tpu.memory_space<vmem>>) semaphore(%arg11 : memref<!tpu.dma_semaphore, #tpu.memory_space<semaphore_mem>>)
    %jit3A_17 = arith.constant 2 : i32
    %div3A = arith.divsi %select_n3A, %jit3A_17 : i32
    %sign3A = arith.constant 0 : i32
    %sign3A_18 = arith.cmpi sgt, %select_n3A, %sign3A : i32
    %sign3A_19 = arith.extui %sign3A_18 : i1 to i32
    %sign3A_20 = arith.constant 0 : i32
    %sign3A_21 = arith.cmpi slt, %select_n3A, %sign3A_20 : i32
    %sign3A_22 = arith.extui %sign3A_21 : i1 to i32
    %sign3A_23 = arith.subi %sign3A_19, %sign3A_22 : i32
    %sign3A_24 = arith.constant 0 : i32
    %sign3A_25 = arith.cmpi sgt, %jit3A_17, %sign3A_24 : i32
    %sign3A_26 = arith.extui %sign3A_25 : i1 to i32
    %sign3A_27 = arith.constant 0 : i32
    %sign3A_28 = arith.cmpi slt, %jit3A_17, %sign3A_27 : i32
    %sign3A_29 = arith.extui %sign3A_28 : i1 to i32
    %sign3A_30 = arith.subi %sign3A_26, %sign3A_29 : i32
    %ne3A = arith.cmpi ne, %sign3A_23, %sign3A_30 : i32
    %rem3A = arith.remsi %select_n3A, %jit3A_17 : i32
    %ne3A_31 = arith.constant 0 : i32
    %ne3A_32 = arith.cmpi ne, %rem3A, %ne3A_31 : i32
    %and3A = arith.andi %ne3A, %ne3A_32 : i1
    %sub3A = arith.constant 1 : i32
    %sub3A_33 = arith.subi %div3A, %sub3A : i32
    %select_n3A_34 = arith.select %and3A, %sub3A_33, %div3A : i32
    %sub3A_35 = arith.constant 0 : i32
    %sub3A_36 = arith.subi %select_n3A_34, %sub3A_35 : i32
    %sub3A_37 = arith.constant 1 : i32
    %sub3A_38 = arith.constant 1 : i32
    %sub3A_39 = arith.subi %sub3A_37, %sub3A_38 : i32
    %add3A_40 = arith.addi %sub3A_36, %sub3A_39 : i32
    %div3A_41 = arith.constant 1 : i32
    %div3A_42 = arith.divsi %add3A_40, %div3A_41 : i32
    %while3A = arith.constant 1 : i32
    %while3A_43 = arith.constant 0 : i32
    %while3A_44 = arith.constant 0 : i32
    %while3A_45 = arith.subi %div3A_42, %while3A_44 : i32
    %while3A_46 = arith.addi %while3A_44, %while3A_45 : i32
    %while3A_47 = arith.constant 1 : i32
    %while3A_48 = arith.divsi %while3A_45, %while3A_47 : i32
    %while3A_49 = arith.muli %while3A_48, %while3A_47 : i32
    %while3A_50 = arith.addi %while3A_44, %while3A_49 : i32
    %while3A_51 = arith.constant 1 : i32
    scf.for %while3A_60 = %while3A_44 to %while3A_50 step %while3A_51  : i32 {
      %mul3A_61 = arith.muli %while3A_60, %while3A : i32
      %add3A_62 = arith.addi %while3A_43, %mul3A_61 : i32
      %mul3A_63 = arith.constant 2 : i32
      %mul3A_64 = arith.muli %mul3A_63, %add3A_62 : i32
      %add3A_65 = arith.constant 0 : i32
      %add3A_66 = arith.addi %mul3A_64, %add3A_65 : i32
      %add3A_67 = arith.constant 2 : i32
      %add3A_68 = arith.addi %add3A_66, %add3A_67 : i32
      %sub3A_69 = arith.constant 1 : i32
      %sub3A_70 = arith.subi %add3A_68, %sub3A_69 : i32
      %sub3A_71 = arith.constant 1 : i32
      %sub3A_72 = arith.subi %select_n3A, %sub3A_71 : i32
      %min3A = arith.minsi %sub3A_70, %sub3A_72 : i32
      %dma_wait3A_73 = arith.constant 0 : i32
      %dma_wait3A_74 = tpu.memref_slice %arg7[%add3A_66, %dma_wait3A_73] : memref<124x96xi32, #tpu.memory_space<vmem>> -> memref<1x96xi32, #tpu.memory_space<vmem>>
      %dma_wait3A_75 = tpu.memref_squeeze %dma_wait3A_74 : memref<1x96xi32, #tpu.memory_space<vmem>> -> memref<96xi32, #tpu.memory_space<vmem>>
      %dma_wait3A_76 = arith.constant 0 : i32
      %dma_wait3A_77 = arith.constant 0 : i32
      %dma_wait3A_78 = tpu.memref_slice %arg2[%dma_wait3A_76, %dma_wait3A_77] : memref<10240x128xf32, #tpu.memory_space<hbm>> -> memref<10240x128xf32, #tpu.memory_space<hbm>>
      tpu.wait_indirect_dma semaphore(%arg11 : memref<!tpu.dma_semaphore, #tpu.memory_space<semaphore_mem>>) src(%dma_wait3A_78 : memref<10240x128xf32, #tpu.memory_space<hbm>>) dst(%arg9 : memref<96x128xf32, #tpu.memory_space<vmem>>)
      %dma_start3A_79 = arith.constant 0 : i32
      %dma_start3A_80 = tpu.memref_slice %arg7[%min3A, %dma_start3A_79] : memref<124x96xi32, #tpu.memory_space<vmem>> -> memref<1x96xi32, #tpu.memory_space<vmem>>
      %dma_start3A_81 = tpu.memref_squeeze %dma_start3A_80 : memref<1x96xi32, #tpu.memory_space<vmem>> -> memref<96xi32, #tpu.memory_space<vmem>>
      %dma_start3A_82 = arith.constant 0 : i32
      %dma_start3A_83 = arith.constant 0 : i32
      %dma_start3A_84 = tpu.memref_slice %arg2[%dma_start3A_82, %dma_start3A_83] : memref<10240x128xf32, #tpu.memory_space<hbm>> -> memref<10240x128xf32, #tpu.memory_space<hbm>>
      tpu.enqueue_indirect_dma source(%dma_start3A_84 : memref<10240x128xf32, #tpu.memory_space<hbm>>) target(%arg10 : memref<96x128xf32, #tpu.memory_space<vmem>>) offsets(%dma_start3A_81 : memref<96xi32, #tpu.memory_space<vmem>>) semaphore(%arg12 : memref<!tpu.dma_semaphore, #tpu.memory_space<semaphore_mem>>)
      "tpu.region"() ({
        %run_scoped3A = tpu.sem_alloc : memref<!tpu.dma_semaphore, #tpu.memory_space<semaphore_mem>>
        %dma_start3A_108 = arith.constant 0 : i32
        %dma_start3A_109 = tpu.memref_slice %arg8[%add3A_66, %dma_start3A_108] : memref<124x96xi32, #tpu.memory_space<vmem>> -> memref<1x96xi32, #tpu.memory_space<vmem>>
        %dma_start3A_110 = tpu.memref_squeeze %dma_start3A_109 : memref<1x96xi32, #tpu.memory_space<vmem>> -> memref<96xi32, #tpu.memory_space<vmem>>
        %dma_start3A_111 = arith.constant 0 : i32
        %dma_start3A_112 = arith.constant 0 : i32
        %dma_start3A_113 = tpu.memref_slice %arg13[%dma_start3A_111, %dma_start3A_112] : memref<10240x128xf32, #tpu.memory_space<vmem_shared>> -> memref<10240x128xf32, #tpu.memory_space<vmem_shared>>
        tpu.enqueue_indirect_dma source(%arg9 : memref<96x128xf32, #tpu.memory_space<vmem>>) target(%dma_start3A_113 : memref<10240x128xf32, #tpu.memory_space<vmem_shared>>) offsets(%dma_start3A_110 : memref<96xi32, #tpu.memory_space<vmem>>) semaphore(%run_scoped3A : memref<!tpu.dma_semaphore, #tpu.memory_space<semaphore_mem>>) {add = true}
        %dma_wait3A_114 = arith.constant 0 : i32
        %dma_wait3A_115 = tpu.memref_slice %arg8[%add3A_66, %dma_wait3A_114] : memref<124x96xi32, #tpu.memory_space<vmem>> -> memref<1x96xi32, #tpu.memory_space<vmem>>
        %dma_wait3A_116 = tpu.memref_squeeze %dma_wait3A_115 : memref<1x96xi32, #tpu.memory_space<vmem>> -> memref<96xi32, #tpu.memory_space<vmem>>
        %dma_wait3A_117 = arith.constant 0 : i32
        %dma_wait3A_118 = arith.constant 0 : i32
        %dma_wait3A_119 = tpu.memref_slice %arg13[%dma_wait3A_117, %dma_wait3A_118] : memref<10240x128xf32, #tpu.memory_space<vmem_shared>> -> memref<10240x128xf32, #tpu.memory_space<vmem_shared>>
        tpu.wait_indirect_dma semaphore(%run_scoped3A : memref<!tpu.dma_semaphore, #tpu.memory_space<semaphore_mem>>) src(%arg9 : memref<96x128xf32, #tpu.memory_space<vmem>>) dst(%dma_wait3A_119 : memref<10240x128xf32, #tpu.memory_space<vmem_shared>>)
        tpu.yield
      }) : () -> ()
      %mul3A_85 = arith.constant 2 : i32
      %mul3A_86 = arith.muli %mul3A_85, %add3A_62 : i32
      %add3A_87 = arith.constant 1 : i32
      %add3A_88 = arith.addi %mul3A_86, %add3A_87 : i32
      %add3A_89 = arith.constant 2 : i32
      %add3A_90 = arith.addi %add3A_88, %add3A_89 : i32
      %sub3A_91 = arith.constant 1 : i32
      %sub3A_92 = arith.subi %add3A_90, %sub3A_91 : i32
      %sub3A_93 = arith.constant 1 : i32
      %sub3A_94 = arith.subi %select_n3A, %sub3A_93 : i32
      %min3A_95 = arith.minsi %sub3A_92, %sub3A_94 : i32
      %dma_wait3A_96 = arith.constant 0 : i32
      %dma_wait3A_97 = tpu.memref_slice %arg7[%add3A_88, %dma_wait3A_96] : memref<124x96xi32, #tpu.memory_space<vmem>> -> memref<1x96xi32, #tpu.memory_space<vmem>>
      %dma_wait3A_98 = tpu.memref_squeeze %dma_wait3A_97 : memref<1x96xi32, #tpu.memory_space<vmem>> -> memref<96xi32, #tpu.memory_space<vmem>>
      %dma_wait3A_99 = arith.constant 0 : i32
      %dma_wait3A_100 = arith.constant 0 : i32
      %dma_wait3A_101 = tpu.memref_slice %arg2[%dma_wait3A_99, %dma_wait3A_100] : memref<10240x128xf32, #tpu.memory_space<hbm>> -> memref<10240x128xf32, #tpu.memory_space<hbm>>
      tpu.wait_indirect_dma semaphore(%arg12 : memref<!tpu.dma_semaphore, #tpu.memory_space<semaphore_mem>>) src(%dma_wait3A_101 : memref<10240x128xf32, #tpu.memory_space<hbm>>) dst(%arg10 : memref<96x128xf32, #tpu.memory_space<vmem>>)
      %dma_start3A_102 = arith.constant 0 : i32
      %dma_start3A_103 = tpu.memref_slice %arg7[%min3A_95, %dma_start3A_102] : memref<124x96xi32, #tpu.memory_space<vmem>> -> memref<1x96xi32, #tpu.memory_space<vmem>>
      %dma_start3A_104 = tpu.memref_squeeze %dma_start3A_103 : memref<1x96xi32, #tpu.memory_space<vmem>> -> memref<96xi32, #tpu.memory_space<vmem>>
      %dma_start3A_105 = arith.constant 0 : i32
      %dma_start3A_106 = arith.constant 0 : i32
      %dma_start3A_107 = tpu.memref_slice %arg2[%dma_start3A_105, %dma_start3A_106] : memref<10240x128xf32, #tpu.memory_space<hbm>> -> memref<10240x128xf32, #tpu.memory_space<hbm>>
      tpu.enqueue_indirect_dma source(%dma_start3A_107 : memref<10240x128xf32, #tpu.memory_space<hbm>>) target(%arg9 : memref<96x128xf32, #tpu.memory_space<vmem>>) offsets(%dma_start3A_104 : memref<96xi32, #tpu.memory_space<vmem>>) semaphore(%arg11 : memref<!tpu.dma_semaphore, #tpu.memory_space<semaphore_mem>>)
      "tpu.region"() ({
        %run_scoped3A = tpu.sem_alloc : memref<!tpu.dma_semaphore, #tpu.memory_space<semaphore_mem>>
        %dma_start3A_108 = arith.constant 0 : i32
        %dma_start3A_109 = tpu.memref_slice %arg8[%add3A_88, %dma_start3A_108] : memref<124x96xi32, #tpu.memory_space<vmem>> -> memref<1x96xi32, #tpu.memory_space<vmem>>
        %dma_start3A_110 = tpu.memref_squeeze %dma_start3A_109 : memref<1x96xi32, #tpu.memory_space<vmem>> -> memref<96xi32, #tpu.memory_space<vmem>>
        %dma_start3A_111 = arith.constant 0 : i32
        %dma_start3A_112 = arith.constant 0 : i32
        %dma_start3A_113 = tpu.memref_slice %arg13[%dma_start3A_111, %dma_start3A_112] : memref<10240x128xf32, #tpu.memory_space<vmem_shared>> -> memref<10240x128xf32, #tpu.memory_space<vmem_shared>>
        tpu.enqueue_indirect_dma source(%arg10 : memref<96x128xf32, #tpu.memory_space<vmem>>) target(%dma_start3A_113 : memref<10240x128xf32, #tpu.memory_space<vmem_shared>>) offsets(%dma_start3A_110 : memref<96xi32, #tpu.memory_space<vmem>>) semaphore(%run_scoped3A : memref<!tpu.dma_semaphore, #tpu.memory_space<semaphore_mem>>) {add = true}
        %dma_wait3A_114 = arith.constant 0 : i32
        %dma_wait3A_115 = tpu.memref_slice %arg8[%add3A_88, %dma_wait3A_114] : memref<124x96xi32, #tpu.memory_space<vmem>> -> memref<1x96xi32, #tpu.memory_space<vmem>>
        %dma_wait3A_116 = tpu.memref_squeeze %dma_wait3A_115 : memref<1x96xi32, #tpu.memory_space<vmem>> -> memref<96xi32, #tpu.memory_space<vmem>>
        %dma_wait3A_117 = arith.constant 0 : i32
        %dma_wait3A_118 = arith.constant 0 : i32
        %dma_wait3A_119 = tpu.memref_slice %arg13[%dma_wait3A_117, %dma_wait3A_118] : memref<10240x128xf32, #tpu.memory_space<vmem_shared>> -> memref<10240x128xf32, #tpu.memory_space<vmem_shared>>
        tpu.wait_indirect_dma semaphore(%run_scoped3A : memref<!tpu.dma_semaphore, #tpu.memory_space<semaphore_mem>>) src(%arg10 : memref<96x128xf32, #tpu.memory_space<vmem>>) dst(%dma_wait3A_119 : memref<10240x128xf32, #tpu.memory_space<vmem_shared>>)
        tpu.yield
      }) : () -> ()
    }
    %while3A_52 = arith.constant 1 : i32
    scf.for %while3A_60 = %while3A_50 to %while3A_46 step %while3A_52  : i32 {
      %mul3A_61 = arith.muli %while3A_60, %while3A : i32
      %add3A_62 = arith.addi %while3A_43, %mul3A_61 : i32
      %mul3A_63 = arith.constant 2 : i32
      %mul3A_64 = arith.muli %mul3A_63, %add3A_62 : i32
      %add3A_65 = arith.constant 0 : i32
      %add3A_66 = arith.addi %mul3A_64, %add3A_65 : i32
      %add3A_67 = arith.constant 2 : i32
      %add3A_68 = arith.addi %add3A_66, %add3A_67 : i32
      %sub3A_69 = arith.constant 1 : i32
      %sub3A_70 = arith.subi %add3A_68, %sub3A_69 : i32
      %sub3A_71 = arith.constant 1 : i32
      %sub3A_72 = arith.subi %select_n3A, %sub3A_71 : i32
      %min3A = arith.minsi %sub3A_70, %sub3A_72 : i32
      %dma_wait3A_73 = arith.constant 0 : i32
      %dma_wait3A_74 = tpu.memref_slice %arg7[%add3A_66, %dma_wait3A_73] : memref<124x96xi32, #tpu.memory_space<vmem>> -> memref<1x96xi32, #tpu.memory_space<vmem>>
      %dma_wait3A_75 = tpu.memref_squeeze %dma_wait3A_74 : memref<1x96xi32, #tpu.memory_space<vmem>> -> memref<96xi32, #tpu.memory_space<vmem>>
      %dma_wait3A_76 = arith.constant 0 : i32
      %dma_wait3A_77 = arith.constant 0 : i32
      %dma_wait3A_78 = tpu.memref_slice %arg2[%dma_wait3A_76, %dma_wait3A_77] : memref<10240x128xf32, #tpu.memory_space<hbm>> -> memref<10240x128xf32, #tpu.memory_space<hbm>>
      tpu.wait_indirect_dma semaphore(%arg11 : memref<!tpu.dma_semaphore, #tpu.memory_space<semaphore_mem>>) src(%dma_wait3A_78 : memref<10240x128xf32, #tpu.memory_space<hbm>>) dst(%arg9 : memref<96x128xf32, #tpu.memory_space<vmem>>)
      %dma_start3A_79 = arith.constant 0 : i32
      %dma_start3A_80 = tpu.memref_slice %arg7[%min3A, %dma_start3A_79] : memref<124x96xi32, #tpu.memory_space<vmem>> -> memref<1x96xi32, #tpu.memory_space<vmem>>
      %dma_start3A_81 = tpu.memref_squeeze %dma_start3A_80 : memref<1x96xi32, #tpu.memory_space<vmem>> -> memref<96xi32, #tpu.memory_space<vmem>>
      %dma_start3A_82 = arith.constant 0 : i32
      %dma_start3A_83 = arith.constant 0 : i32
      %dma_start3A_84 = tpu.memref_slice %arg2[%dma_start3A_82, %dma_start3A_83] : memref<10240x128xf32, #tpu.memory_space<hbm>> -> memref<10240x128xf32, #tpu.memory_space<hbm>>
      tpu.enqueue_indirect_dma source(%dma_start3A_84 : memref<10240x128xf32, #tpu.memory_space<hbm>>) target(%arg10 : memref<96x128xf32, #tpu.memory_space<vmem>>) offsets(%dma_start3A_81 : memref<96xi32, #tpu.memory_space<vmem>>) semaphore(%arg12 : memref<!tpu.dma_semaphore, #tpu.memory_space<semaphore_mem>>)
      "tpu.region"() ({
        %run_scoped3A = tpu.sem_alloc : memref<!tpu.dma_semaphore, #tpu.memory_space<semaphore_mem>>
        %dma_start3A_108 = arith.constant 0 : i32
        %dma_start3A_109 = tpu.memref_slice %arg8[%add3A_66, %dma_start3A_108] : memref<124x96xi32, #tpu.memory_space<vmem>> -> memref<1x96xi32, #tpu.memory_space<vmem>>
        %dma_start3A_110 = tpu.memref_squeeze %dma_start3A_109 : memref<1x96xi32, #tpu.memory_space<vmem>> -> memref<96xi32, #tpu.memory_space<vmem>>
        %dma_start3A_111 = arith.constant 0 : i32
        %dma_start3A_112 = arith.constant 0 : i32
        %dma_start3A_113 = tpu.memref_slice %arg13[%dma_start3A_111, %dma_start3A_112] : memref<10240x128xf32, #tpu.memory_space<vmem_shared>> -> memref<10240x128xf32, #tpu.memory_space<vmem_shared>>
        tpu.enqueue_indirect_dma source(%arg9 : memref<96x128xf32, #tpu.memory_space<vmem>>) target(%dma_start3A_113 : memref<10240x128xf32, #tpu.memory_space<vmem_shared>>) offsets(%dma_start3A_110 : memref<96xi32, #tpu.memory_space<vmem>>) semaphore(%run_scoped3A : memref<!tpu.dma_semaphore, #tpu.memory_space<semaphore_mem>>) {add = true}
        %dma_wait3A_114 = arith.constant 0 : i32
        %dma_wait3A_115 = tpu.memref_slice %arg8[%add3A_66, %dma_wait3A_114] : memref<124x96xi32, #tpu.memory_space<vmem>> -> memref<1x96xi32, #tpu.memory_space<vmem>>
        %dma_wait3A_116 = tpu.memref_squeeze %dma_wait3A_115 : memref<1x96xi32, #tpu.memory_space<vmem>> -> memref<96xi32, #tpu.memory_space<vmem>>
        %dma_wait3A_117 = arith.constant 0 : i32
        %dma_wait3A_118 = arith.constant 0 : i32
        %dma_wait3A_119 = tpu.memref_slice %arg13[%dma_wait3A_117, %dma_wait3A_118] : memref<10240x128xf32, #tpu.memory_space<vmem_shared>> -> memref<10240x128xf32, #tpu.memory_space<vmem_shared>>
        tpu.wait_indirect_dma semaphore(%run_scoped3A : memref<!tpu.dma_semaphore, #tpu.memory_space<semaphore_mem>>) src(%arg9 : memref<96x128xf32, #tpu.memory_space<vmem>>) dst(%dma_wait3A_119 : memref<10240x128xf32, #tpu.memory_space<vmem_shared>>)
        tpu.yield
      }) : () -> ()
      %mul3A_85 = arith.constant 2 : i32
      %mul3A_86 = arith.muli %mul3A_85, %add3A_62 : i32
      %add3A_87 = arith.constant 1 : i32
      %add3A_88 = arith.addi %mul3A_86, %add3A_87 : i32
      %add3A_89 = arith.constant 2 : i32
      %add3A_90 = arith.addi %add3A_88, %add3A_89 : i32
      %sub3A_91 = arith.constant 1 : i32
      %sub3A_92 = arith.subi %add3A_90, %sub3A_91 : i32
      %sub3A_93 = arith.constant 1 : i32
      %sub3A_94 = arith.subi %select_n3A, %sub3A_93 : i32
      %min3A_95 = arith.minsi %sub3A_92, %sub3A_94 : i32
      %dma_wait3A_96 = arith.constant 0 : i32
      %dma_wait3A_97 = tpu.memref_slice %arg7[%add3A_88, %dma_wait3A_96] : memref<124x96xi32, #tpu.memory_space<vmem>> -> memref<1x96xi32, #tpu.memory_space<vmem>>
      %dma_wait3A_98 = tpu.memref_squeeze %dma_wait3A_97 : memref<1x96xi32, #tpu.memory_space<vmem>> -> memref<96xi32, #tpu.memory_space<vmem>>
      %dma_wait3A_99 = arith.constant 0 : i32
      %dma_wait3A_100 = arith.constant 0 : i32
      %dma_wait3A_101 = tpu.memref_slice %arg2[%dma_wait3A_99, %dma_wait3A_100] : memref<10240x128xf32, #tpu.memory_space<hbm>> -> memref<10240x128xf32, #tpu.memory_space<hbm>>
      tpu.wait_indirect_dma semaphore(%arg12 : memref<!tpu.dma_semaphore, #tpu.memory_space<semaphore_mem>>) src(%dma_wait3A_101 : memref<10240x128xf32, #tpu.memory_space<hbm>>) dst(%arg10 : memref<96x128xf32, #tpu.memory_space<vmem>>)
      %dma_start3A_102 = arith.constant 0 : i32
      %dma_start3A_103 = tpu.memref_slice %arg7[%min3A_95, %dma_start3A_102] : memref<124x96xi32, #tpu.memory_space<vmem>> -> memref<1x96xi32, #tpu.memory_space<vmem>>
      %dma_start3A_104 = tpu.memref_squeeze %dma_start3A_103 : memref<1x96xi32, #tpu.memory_space<vmem>> -> memref<96xi32, #tpu.memory_space<vmem>>
      %dma_start3A_105 = arith.constant 0 : i32
      %dma_start3A_106 = arith.constant 0 : i32
      %dma_start3A_107 = tpu.memref_slice %arg2[%dma_start3A_105, %dma_start3A_106] : memref<10240x128xf32, #tpu.memory_space<hbm>> -> memref<10240x128xf32, #tpu.memory_space<hbm>>
      tpu.enqueue_indirect_dma source(%dma_start3A_107 : memref<10240x128xf32, #tpu.memory_space<hbm>>) target(%arg9 : memref<96x128xf32, #tpu.memory_space<vmem>>) offsets(%dma_start3A_104 : memref<96xi32, #tpu.memory_space<vmem>>) semaphore(%arg11 : memref<!tpu.dma_semaphore, #tpu.memory_space<semaphore_mem>>)
      "tpu.region"() ({
        %run_scoped3A = tpu.sem_alloc : memref<!tpu.dma_semaphore, #tpu.memory_space<semaphore_mem>>
        %dma_start3A_108 = arith.constant 0 : i32
        %dma_start3A_109 = tpu.memref_slice %arg8[%add3A_88, %dma_start3A_108] : memref<124x96xi32, #tpu.memory_space<vmem>> -> memref<1x96xi32, #tpu.memory_space<vmem>>
        %dma_start3A_110 = tpu.memref_squeeze %dma_start3A_109 : memref<1x96xi32, #tpu.memory_space<vmem>> -> memref<96xi32, #tpu.memory_space<vmem>>
        %dma_start3A_111 = arith.constant 0 : i32
        %dma_start3A_112 = arith.constant 0 : i32
        %dma_start3A_113 = tpu.memref_slice %arg13[%dma_start3A_111, %dma_start3A_112] : memref<10240x128xf32, #tpu.memory_space<vmem_shared>> -> memref<10240x128xf32, #tpu.memory_space<vmem_shared>>
        tpu.enqueue_indirect_dma source(%arg10 : memref<96x128xf32, #tpu.memory_space<vmem>>) target(%dma_start3A_113 : memref<10240x128xf32, #tpu.memory_space<vmem_shared>>) offsets(%dma_start3A_110 : memref<96xi32, #tpu.memory_space<vmem>>) semaphore(%run_scoped3A : memref<!tpu.dma_semaphore, #tpu.memory_space<semaphore_mem>>) {add = true}
        %dma_wait3A_114 = arith.constant 0 : i32
        %dma_wait3A_115 = tpu.memref_slice %arg8[%add3A_88, %dma_wait3A_114] : memref<124x96xi32, #tpu.memory_space<vmem>> -> memref<1x96xi32, #tpu.memory_space<vmem>>
        %dma_wait3A_116 = tpu.memref_squeeze %dma_wait3A_115 : memref<1x96xi32, #tpu.memory_space<vmem>> -> memref<96xi32, #tpu.memory_space<vmem>>
        %dma_wait3A_117 = arith.constant 0 : i32
        %dma_wait3A_118 = arith.constant 0 : i32
        %dma_wait3A_119 = tpu.memref_slice %arg13[%dma_wait3A_117, %dma_wait3A_118] : memref<10240x128xf32, #tpu.memory_space<vmem_shared>> -> memref<10240x128xf32, #tpu.memory_space<vmem_shared>>
        tpu.wait_indirect_dma semaphore(%run_scoped3A : memref<!tpu.dma_semaphore, #tpu.memory_space<semaphore_mem>>) src(%arg10 : memref<96x128xf32, #tpu.memory_space<vmem>>) dst(%dma_wait3A_119 : memref<10240x128xf32, #tpu.memory_space<vmem_shared>>)
        tpu.yield
      }) : () -> ()
    }
    %dma_wait3A = arith.constant 0 : i32
    %dma_wait3A_53 = arith.constant 0 : i32
    %dma_wait3A_54 = tpu.memref_slice %arg7[%dma_wait3A, %dma_wait3A_53] : memref<124x96xi32, #tpu.memory_space<vmem>> -> memref<1x96xi32, #tpu.memory_space<vmem>>
    %dma_wait3A_55 = tpu.memref_squeeze %dma_wait3A_54 : memref<1x96xi32, #tpu.memory_space<vmem>> -> memref<96xi32, #tpu.memory_space<vmem>>
    %dma_wait3A_56 = arith.constant 0 : i32
    %dma_wait3A_57 = arith.constant 0 : i32
    %dma_wait3A_58 = tpu.memref_slice %arg2[%dma_wait3A_56, %dma_wait3A_57] : memref<10240x128xf32, #tpu.memory_space<hbm>> -> memref<10240x128xf32, #tpu.memory_space<hbm>>
    tpu.wait_indirect_dma semaphore(%arg11 : memref<!tpu.dma_semaphore, #tpu.memory_space<semaphore_mem>>) src(%dma_wait3A_58 : memref<10240x128xf32, #tpu.memory_space<hbm>>) dst(%arg9 : memref<96x128xf32, #tpu.memory_space<vmem>>)
    %barrier3A_59 = arith.constant 0 : index
    tpu.barrier barrier_id(%barrier3A_59)
    "tpu.region"() ({
      %run_scoped3A = tpu.sem_alloc : memref<!tpu.dma_semaphore, #tpu.memory_space<semaphore_mem>>
      %dma_start3A_60 = arith.constant 0 : i32
      %dma_start3A_61 = arith.constant 0 : i32
      %dma_start3A_62 = tpu.memref_slice %arg6[%arg0, %dma_start3A_60, %dma_start3A_61] : memref<2x10240x128xf32, #tpu.memory_space<hbm>> -> memref<1x10240x128xf32, #tpu.memory_space<hbm>>
      %dma_start3A_63 = tpu.memref_squeeze %dma_start3A_62 : memref<1x10240x128xf32, #tpu.memory_space<hbm>> -> memref<10240x128xf32, #tpu.memory_space<hbm>>
      %dma_start3A_64 = arith.constant 0 : i32
      %dma_start3A_65 = tpu.memref_slice %dma_start3A_63[%mul3A_10, %dma_start3A_64] : memref<10240x128xf32, #tpu.memory_space<hbm>> -> memref<640x128xf32, #tpu.memory_space<hbm>>
      %dma_start3A_66 = arith.constant 0 : i32
      %dma_start3A_67 = tpu.memref_slice %arg13[%mul3A_10, %dma_start3A_66] : memref<10240x128xf32, #tpu.memory_space<vmem_shared>> -> memref<640x128xf32, #tpu.memory_space<vmem_shared>>
      tpu.enqueue_dma source(%dma_start3A_67 : memref<640x128xf32, #tpu.memory_space<vmem_shared>>) target(%dma_start3A_65 : memref<640x128xf32, #tpu.memory_space<hbm>>) target_semaphore(%run_scoped3A : memref<!tpu.dma_semaphore, #tpu.memory_space<semaphore_mem>>)
      %dma_wait3A_68 = arith.constant 0 : i32
      %dma_wait3A_69 = arith.constant 0 : i32
      %dma_wait3A_70 = tpu.memref_slice %arg6[%arg0, %dma_wait3A_68, %dma_wait3A_69] : memref<2x10240x128xf32, #tpu.memory_space<hbm>> -> memref<1x10240x128xf32, #tpu.memory_space<hbm>>
      %dma_wait3A_71 = tpu.memref_squeeze %dma_wait3A_70 : memref<1x10240x128xf32, #tpu.memory_space<hbm>> -> memref<10240x128xf32, #tpu.memory_space<hbm>>
      %dma_wait3A_72 = arith.constant 0 : i32
      %dma_wait3A_73 = tpu.memref_slice %dma_wait3A_71[%mul3A_10, %dma_wait3A_72] : memref<10240x128xf32, #tpu.memory_space<hbm>> -> memref<640x128xf32, #tpu.memory_space<hbm>>
      %dma_wait3A_74 = arith.constant 0 : i32
      %dma_wait3A_75 = tpu.memref_slice %arg13[%mul3A_10, %dma_wait3A_74] : memref<10240x128xf32, #tpu.memory_space<vmem_shared>> -> memref<640x128xf32, #tpu.memory_space<vmem_shared>>
      tpu.wait_dma2 semaphore(%run_scoped3A : memref<!tpu.dma_semaphore, #tpu.memory_space<semaphore_mem>>) src(%dma_wait3A_75 : memref<640x128xf32, #tpu.memory_space<vmem_shared>>) dst(%dma_wait3A_73 : memref<640x128xf32, #tpu.memory_space<hbm>>)
      tpu.yield
    }) : () -> ()
    return
  }
}

module attributes {stable_mosaic.version = 14 : i64} {
  func.func @_lin_first_body(%arg0: i32, %arg1: memref<512x128xf32, #tpu.memory_space<vmem>>, %arg2: memref<128x128xf32, #tpu.memory_space<vmem>>, %arg3: memref<2x512x16xf32, #tpu.memory_space<vmem>>, %arg4: memref<512x128xf32, #tpu.memory_space<vmem>>) attributes {dimension_semantics = [#tpu.dimension_semantics<arbitrary>], iteration_bounds = array<i64: 20>, scalar_prefetch = 0 : i64, scratch_operands = 0 : i64, tpu.core_type = #tpu.core_type<tc>, window_params = [{transform_indices = @transform_0, window_bounds = array<i64: 512, 128>}, {pipeline_mode = #tpu.pipeline_mode<synchronous>, transform_indices = @transform_1, window_bounds = array<i64: 128, 128>}, {transform_indices = @transform_2, window_bounds = array<i64: 2, 512, 16>}, {transform_indices = @transform_3, window_bounds = array<i64: 512, 128>}]} {
    %get3A = arith.constant 0 : index
    %get3A_0 = arith.constant 0 : index
    %get3A_1 = arith.constant 0 : index
    %get3A_2 = vector.load %arg3[%get3A, %get3A_0, %get3A_1] : memref<2x512x16xf32, #tpu.memory_space<vmem>>, vector<2x512x16xf32>
    %mul3A = arith.constant 512 : i32
    %mul3A_3 = arith.muli %arg0, %mul3A : i32
    %slice3A = vector.extract_strided_slice %get3A_2 {offsets = [0, 0, 0], sizes = [1, 512, 1], strides = [1, 1, 1]} : vector<2x512x16xf32> to vector<1x512x1xf32>
    %squeeze3A = vector.shape_cast %slice3A : vector<1x512x1xf32> to vector<512x1xf32>
    %slice3A_4 = vector.extract_strided_slice %get3A_2 {offsets = [1, 0, 0], sizes = [1, 512, 1], strides = [1, 1, 1]} : vector<2x512x16xf32> to vector<1x512x1xf32>
    %squeeze3A_5 = vector.shape_cast %slice3A_4 : vector<1x512x1xf32> to vector<512x1xf32>
    %add3A = arith.addf %squeeze3A, %squeeze3A_5 : vector<512x1xf32>
    %gt3A = arith.constant 0.000000e+00 : f32
    %gt3A_6 = vector.broadcast %gt3A : f32 to vector<512x1xf32>
    %gt3A_7 = arith.cmpf ogt, %add3A, %gt3A_6 : vector<512x1xf32>
    %max3A = arith.constant 9.99999996E-13 : f32
    %max3A_8 = vector.broadcast %max3A : f32 to vector<512x1xf32>
    %max3A_9 = arith.maximumf %add3A, %max3A_8 : vector<512x1xf32>
    %rsqrt3A = math.rsqrt %max3A_9 : vector<512x1xf32>
    %jit3A = arith.constant 0.000000e+00 : f32
    %broadcast_in_dim3A = vector.broadcast %jit3A : f32 to vector<512x1xf32>
    %select_n3A = arith.select %gt3A_7, %rsqrt3A, %broadcast_in_dim3A : vector<512x1xi1>, vector<512x1xf32>
    %iota3A = tpu.iota {dimensions = array<i32: 0>} : vector<512x1xi32>
    %add3A_10 = vector.broadcast %mul3A_3 : i32 to vector<512x1xi32>
    %add3A_11 = arith.addi %add3A_10, %iota3A : vector<512x1xi32>
    %lt3A = arith.constant 10000 : i32
    %lt3A_12 = vector.broadcast %lt3A : i32 to vector<512x1xi32>
    %lt3A_13 = arith.cmpi slt, %add3A_11, %lt3A_12 : vector<512x1xi32>
    %jit3A_14 = arith.constant 0.000000e+00 : f32
    %broadcast_in_dim3A_15 = vector.broadcast %jit3A_14 : f32 to vector<512x1xf32>
    %select_n3A_16 = arith.select %lt3A_13, %select_n3A, %broadcast_in_dim3A_15 : vector<512x1xi1>, vector<512x1xf32>
    %get3A_17 = arith.constant 0 : index
    %get3A_18 = arith.constant 0 : index
    %get3A_19 = vector.load %arg1[%get3A_17, %get3A_18] : memref<512x128xf32, #tpu.memory_space<vmem>>, vector<512x128xf32>
    %get3A_20 = arith.constant 0 : index
    %get3A_21 = arith.constant 0 : index
    %get3A_22 = vector.load %arg2[%get3A_20, %get3A_21] : memref<128x128xf32, #tpu.memory_space<vmem>>, vector<128x128xf32>
    %dot_general3A = arith.constant dense<0.000000e+00> : vector<512x128xf32>
    %dot_general3A_23 = tpu.matmul %get3A_19, %get3A_22, %dot_general3A {dimension_numbers = #tpu.dot_dimension_numbers<[1], [0], [0], [1], [0, 0, 1, 1], [], []>, transpose_lhs_hint = false} : vector<512x128xf32>, vector<128x128xf32>, vector<512x128xf32> -> vector<512x128xf32>
    %mul3A_24 = vector.broadcast %select_n3A_16 : vector<512x1xf32> to vector<512x128xf32>
    %mul3A_25 = arith.mulf %mul3A_24, %dot_general3A_23 : vector<512x128xf32>
    %swap3A = arith.constant 0 : index
    %swap3A_26 = arith.constant 0 : index
    %swap3A_27 = vector.load %arg4[%swap3A, %swap3A_26] : memref<512x128xf32, #tpu.memory_space<vmem>>, vector<512x128xf32>
    tpu.vector_store %arg4[%swap3A, %swap3A_26], %mul3A_25 {strides = array<i32>} : memref<512x128xf32, #tpu.memory_space<vmem>>, vector<512x128xf32>,
    return
  }
  func.func @transform_0(%arg0: i32) -> (i32, i32) {
    %c0_i32 = arith.constant 0 : i32
    %c0_i32_0 = arith.constant 0 : i32
    return %arg0, %c0_i32 : i32, i32
  }
  func.func @transform_1(%arg0: i32) -> (i32, i32) {
    %c0_i32 = arith.constant 0 : i32
    %c0_i32_0 = arith.constant 0 : i32
    %c0_i32_1 = arith.constant 0 : i32
    return %c0_i32, %c0_i32_0 : i32, i32
  }
  func.func @transform_2(%arg0: i32) -> (i32, i32, i32) {
    %c0_i32 = arith.constant 0 : i32
    %c0_i32_0 = arith.constant 0 : i32
    %c0_i32_1 = arith.constant 0 : i32
    return %c0_i32, %arg0, %c0_i32_0 : i32, i32, i32
  }
  func.func @transform_3(%arg0: i32) -> (i32, i32) {
    %c0_i32 = arith.constant 0 : i32
    %c0_i32_0 = arith.constant 0 : i32
    return %arg0, %c0_i32 : i32, i32
  }
}

module attributes {stable_mosaic.version = 14 : i64} {
  func.func @_lin_mid_body(%arg0: i32, %arg1: memref<2x512x128xf32, #tpu.memory_space<vmem>>, %arg2: memref<1x128xf32, #tpu.memory_space<vmem>>, %arg3: memref<128x64xf32, #tpu.memory_space<vmem>>, %arg4: memref<2x512x16xf32, #tpu.memory_space<vmem>>, %arg5: memref<512x64xf32, #tpu.memory_space<vmem>>) attributes {dimension_semantics = [#tpu.dimension_semantics<arbitrary>], iteration_bounds = array<i64: 20>, scalar_prefetch = 0 : i64, scratch_operands = 0 : i64, tpu.core_type = #tpu.core_type<tc>, window_params = [{transform_indices = @transform_0, window_bounds = array<i64: 2, 512, 128>}, {pipeline_mode = #tpu.pipeline_mode<synchronous>, transform_indices = @transform_1, window_bounds = array<i64: 1, 128>}, {pipeline_mode = #tpu.pipeline_mode<synchronous>, transform_indices = @transform_2, window_bounds = array<i64: 128, 64>}, {transform_indices = @transform_3, window_bounds = array<i64: 2, 512, 16>}, {transform_indices = @transform_4, window_bounds = array<i64: 512, 64>}]} {
    %get3A = arith.constant 0 : index
    %get3A_0 = arith.constant 0 : index
    %get3A_1 = arith.constant 0 : index
    %get3A_2 = vector.load %arg4[%get3A, %get3A_0, %get3A_1] : memref<2x512x16xf32, #tpu.memory_space<vmem>>, vector<2x512x16xf32>
    %mul3A = arith.constant 512 : i32
    %mul3A_3 = arith.muli %arg0, %mul3A : i32
    %slice3A = vector.extract_strided_slice %get3A_2 {offsets = [0, 0, 0], sizes = [1, 512, 1], strides = [1, 1, 1]} : vector<2x512x16xf32> to vector<1x512x1xf32>
    %squeeze3A = vector.shape_cast %slice3A : vector<1x512x1xf32> to vector<512x1xf32>
    %slice3A_4 = vector.extract_strided_slice %get3A_2 {offsets = [1, 0, 0], sizes = [1, 512, 1], strides = [1, 1, 1]} : vector<2x512x16xf32> to vector<1x512x1xf32>
    %squeeze3A_5 = vector.shape_cast %slice3A_4 : vector<1x512x1xf32> to vector<512x1xf32>
    %add3A = arith.addf %squeeze3A, %squeeze3A_5 : vector<512x1xf32>
    %gt3A = arith.constant 0.000000e+00 : f32
    %gt3A_6 = vector.broadcast %gt3A : f32 to vector<512x1xf32>
    %gt3A_7 = arith.cmpf ogt, %add3A, %gt3A_6 : vector<512x1xf32>
    %max3A = arith.constant 9.99999996E-13 : f32
    %max3A_8 = vector.broadcast %max3A : f32 to vector<512x1xf32>
    %max3A_9 = arith.maximumf %add3A, %max3A_8 : vector<512x1xf32>
    %rsqrt3A = math.rsqrt %max3A_9 : vector<512x1xf32>
    %jit3A = arith.constant 0.000000e+00 : f32
    %broadcast_in_dim3A = vector.broadcast %jit3A : f32 to vector<512x1xf32>
    %select_n3A = arith.select %gt3A_7, %rsqrt3A, %broadcast_in_dim3A : vector<512x1xi1>, vector<512x1xf32>
    %iota3A = tpu.iota {dimensions = array<i32: 0>} : vector<512x1xi32>
    %add3A_10 = vector.broadcast %mul3A_3 : i32 to vector<512x1xi32>
    %add3A_11 = arith.addi %add3A_10, %iota3A : vector<512x1xi32>
    %lt3A = arith.constant 10000 : i32
    %lt3A_12 = vector.broadcast %lt3A : i32 to vector<512x1xi32>
    %lt3A_13 = arith.cmpi slt, %add3A_11, %lt3A_12 : vector<512x1xi32>
    %jit3A_14 = arith.constant 0.000000e+00 : f32
    %broadcast_in_dim3A_15 = vector.broadcast %jit3A_14 : f32 to vector<512x1xf32>
    %select_n3A_16 = arith.select %lt3A_13, %select_n3A, %broadcast_in_dim3A_15 : vector<512x1xi1>, vector<512x1xf32>
    %get3A_17 = arith.constant 0 : index
    %get3A_18 = arith.constant 0 : index
    %get3A_19 = arith.constant 0 : index
    %get3A_20 = vector.load %arg1[%get3A_17, %get3A_18, %get3A_19] : memref<2x512x128xf32, #tpu.memory_space<vmem>>, vector<1x512x128xf32>
    %get3A_21 = vector.shape_cast %get3A_20 : vector<1x512x128xf32> to vector<512x128xf32>
    %get3A_22 = arith.constant 1 : index
    %get3A_23 = arith.constant 0 : index
    %get3A_24 = arith.constant 0 : index
    %get3A_25 = vector.load %arg1[%get3A_22, %get3A_23, %get3A_24] : memref<2x512x128xf32, #tpu.memory_space<vmem>>, vector<1x512x128xf32>
    %get3A_26 = vector.shape_cast %get3A_25 : vector<1x512x128xf32> to vector<512x128xf32>
    %add3A_27 = arith.addf %get3A_21, %get3A_26 : vector<512x128xf32>
    %mul3A_28 = vector.broadcast %select_n3A_16 : vector<512x1xf32> to vector<512x128xf32>
    %mul3A_29 = arith.mulf %mul3A_28, %add3A_27 : vector<512x128xf32>
    %get3A_30 = arith.constant 0 : index
    %get3A_31 = arith.constant 0 : index
    %get3A_32 = vector.load %arg2[%get3A_30, %get3A_31] : memref<1x128xf32, #tpu.memory_space<vmem>>, vector<1x128xf32>
    %add3A_33 = vector.broadcast %get3A_32 : vector<1x128xf32> to vector<512x128xf32>
    %add3A_34 = arith.addf %mul3A_29, %add3A_33 : vector<512x128xf32>
    %max3A_35 = arith.constant 0.000000e+00 : f32
    %max3A_36 = vector.broadcast %max3A_35 : f32 to vector<512x128xf32>
    %max3A_37 = arith.maximumf %add3A_34, %max3A_36 : vector<512x128xf32>
    %get3A_38 = arith.constant 0 : index
    %get3A_39 = arith.constant 0 : index
    %get3A_40 = vector.load %arg3[%get3A_38, %get3A_39] : memref<128x64xf32, #tpu.memory_space<vmem>>, vector<128x64xf32>
    %dot_general3A = arith.constant dense<0.000000e+00> : vector<512x64xf32>
    %dot_general3A_41 = tpu.matmul %max3A_37, %get3A_40, %dot_general3A {dimension_numbers = #tpu.dot_dimension_numbers<[1], [0], [0], [1], [0, 0, 1, 1], [], []>, transpose_lhs_hint = false} : vector<512x128xf32>, vector<128x64xf32>, vector<512x64xf32> -> vector<512x64xf32>
    %mul3A_42 = vector.broadcast %select_n3A_16 : vector<512x1xf32> to vector<512x64xf32>
    %mul3A_43 = arith.mulf %mul3A_42, %dot_general3A_41 : vector<512x64xf32>
    %swap3A = arith.constant 0 : index
    %swap3A_44 = arith.constant 0 : index
    %swap3A_45 = vector.load %arg5[%swap3A, %swap3A_44] : memref<512x64xf32, #tpu.memory_space<vmem>>, vector<512x64xf32>
    tpu.vector_store %arg5[%swap3A, %swap3A_44], %mul3A_43 {strides = array<i32>} : memref<512x64xf32, #tpu.memory_space<vmem>>, vector<512x64xf32>,
    return
  }
  func.func @transform_0(%arg0: i32) -> (i32, i32, i32) {
    %c0_i32 = arith.constant 0 : i32
    %c0_i32_0 = arith.constant 0 : i32
    %c0_i32_1 = arith.constant 0 : i32
    return %c0_i32, %arg0, %c0_i32_0 : i32, i32, i32
  }
  func.func @transform_1(%arg0: i32) -> (i32, i32) {
    %c0_i32 = arith.constant 0 : i32
    %c0_i32_0 = arith.constant 0 : i32
    %c0_i32_1 = arith.constant 0 : i32
    return %c0_i32, %c0_i32_0 : i32, i32
  }
  func.func @transform_2(%arg0: i32) -> (i32, i32) {
    %c0_i32 = arith.constant 0 : i32
    %c0_i32_0 = arith.constant 0 : i32
    %c0_i32_1 = arith.constant 0 : i32
    return %c0_i32, %c0_i32_0 : i32, i32
  }
  func.func @transform_3(%arg0: i32) -> (i32, i32, i32) {
    %c0_i32 = arith.constant 0 : i32
    %c0_i32_0 = arith.constant 0 : i32
    %c0_i32_1 = arith.constant 0 : i32
    return %c0_i32, %arg0, %c0_i32_0 : i32, i32, i32
  }
  func.func @transform_4(%arg0: i32) -> (i32, i32) {
    %c0_i32 = arith.constant 0 : i32
    %c0_i32_0 = arith.constant 0 : i32
    return %arg0, %c0_i32 : i32, i32
  }
}

module attributes {stable_mosaic.version = 14 : i64} {
  func.func @_lin_mid_body(%arg0: i32, %arg1: memref<2x512x64xf32, #tpu.memory_space<vmem>>, %arg2: memref<1x64xf32, #tpu.memory_space<vmem>>, %arg3: memref<64x48xf32, #tpu.memory_space<vmem>>, %arg4: memref<2x512x16xf32, #tpu.memory_space<vmem>>, %arg5: memref<512x48xf32, #tpu.memory_space<vmem>>) attributes {dimension_semantics = [#tpu.dimension_semantics<arbitrary>], iteration_bounds = array<i64: 20>, scalar_prefetch = 0 : i64, scratch_operands = 0 : i64, tpu.core_type = #tpu.core_type<tc>, window_params = [{transform_indices = @transform_0, window_bounds = array<i64: 2, 512, 64>}, {pipeline_mode = #tpu.pipeline_mode<synchronous>, transform_indices = @transform_1, window_bounds = array<i64: 1, 64>}, {pipeline_mode = #tpu.pipeline_mode<synchronous>, transform_indices = @transform_2, window_bounds = array<i64: 64, 48>}, {transform_indices = @transform_3, window_bounds = array<i64: 2, 512, 16>}, {transform_indices = @transform_4, window_bounds = array<i64: 512, 48>}]} {
    %get3A = arith.constant 0 : index
    %get3A_0 = arith.constant 0 : index
    %get3A_1 = arith.constant 0 : index
    %get3A_2 = vector.load %arg4[%get3A, %get3A_0, %get3A_1] : memref<2x512x16xf32, #tpu.memory_space<vmem>>, vector<2x512x16xf32>
    %mul3A = arith.constant 512 : i32
    %mul3A_3 = arith.muli %arg0, %mul3A : i32
    %slice3A = vector.extract_strided_slice %get3A_2 {offsets = [0, 0, 0], sizes = [1, 512, 1], strides = [1, 1, 1]} : vector<2x512x16xf32> to vector<1x512x1xf32>
    %squeeze3A = vector.shape_cast %slice3A : vector<1x512x1xf32> to vector<512x1xf32>
    %slice3A_4 = vector.extract_strided_slice %get3A_2 {offsets = [1, 0, 0], sizes = [1, 512, 1], strides = [1, 1, 1]} : vector<2x512x16xf32> to vector<1x512x1xf32>
    %squeeze3A_5 = vector.shape_cast %slice3A_4 : vector<1x512x1xf32> to vector<512x1xf32>
    %add3A = arith.addf %squeeze3A, %squeeze3A_5 : vector<512x1xf32>
    %gt3A = arith.constant 0.000000e+00 : f32
    %gt3A_6 = vector.broadcast %gt3A : f32 to vector<512x1xf32>
    %gt3A_7 = arith.cmpf ogt, %add3A, %gt3A_6 : vector<512x1xf32>
    %max3A = arith.constant 9.99999996E-13 : f32
    %max3A_8 = vector.broadcast %max3A : f32 to vector<512x1xf32>
    %max3A_9 = arith.maximumf %add3A, %max3A_8 : vector<512x1xf32>
    %rsqrt3A = math.rsqrt %max3A_9 : vector<512x1xf32>
    %jit3A = arith.constant 0.000000e+00 : f32
    %broadcast_in_dim3A = vector.broadcast %jit3A : f32 to vector<512x1xf32>
    %select_n3A = arith.select %gt3A_7, %rsqrt3A, %broadcast_in_dim3A : vector<512x1xi1>, vector<512x1xf32>
    %iota3A = tpu.iota {dimensions = array<i32: 0>} : vector<512x1xi32>
    %add3A_10 = vector.broadcast %mul3A_3 : i32 to vector<512x1xi32>
    %add3A_11 = arith.addi %add3A_10, %iota3A : vector<512x1xi32>
    %lt3A = arith.constant 10000 : i32
    %lt3A_12 = vector.broadcast %lt3A : i32 to vector<512x1xi32>
    %lt3A_13 = arith.cmpi slt, %add3A_11, %lt3A_12 : vector<512x1xi32>
    %jit3A_14 = arith.constant 0.000000e+00 : f32
    %broadcast_in_dim3A_15 = vector.broadcast %jit3A_14 : f32 to vector<512x1xf32>
    %select_n3A_16 = arith.select %lt3A_13, %select_n3A, %broadcast_in_dim3A_15 : vector<512x1xi1>, vector<512x1xf32>
    %get3A_17 = arith.constant 0 : index
    %get3A_18 = arith.constant 0 : index
    %get3A_19 = arith.constant 0 : index
    %get3A_20 = vector.load %arg1[%get3A_17, %get3A_18, %get3A_19] : memref<2x512x64xf32, #tpu.memory_space<vmem>>, vector<1x512x64xf32>
    %get3A_21 = vector.shape_cast %get3A_20 : vector<1x512x64xf32> to vector<512x64xf32>
    %get3A_22 = arith.constant 1 : index
    %get3A_23 = arith.constant 0 : index
    %get3A_24 = arith.constant 0 : index
    %get3A_25 = vector.load %arg1[%get3A_22, %get3A_23, %get3A_24] : memref<2x512x64xf32, #tpu.memory_space<vmem>>, vector<1x512x64xf32>
    %get3A_26 = vector.shape_cast %get3A_25 : vector<1x512x64xf32> to vector<512x64xf32>
    %add3A_27 = arith.addf %get3A_21, %get3A_26 : vector<512x64xf32>
    %mul3A_28 = vector.broadcast %select_n3A_16 : vector<512x1xf32> to vector<512x64xf32>
    %mul3A_29 = arith.mulf %mul3A_28, %add3A_27 : vector<512x64xf32>
    %get3A_30 = arith.constant 0 : index
    %get3A_31 = arith.constant 0 : index
    %get3A_32 = vector.load %arg2[%get3A_30, %get3A_31] : memref<1x64xf32, #tpu.memory_space<vmem>>, vector<1x64xf32>
    %add3A_33 = vector.broadcast %get3A_32 : vector<1x64xf32> to vector<512x64xf32>
    %add3A_34 = arith.addf %mul3A_29, %add3A_33 : vector<512x64xf32>
    %max3A_35 = arith.constant 0.000000e+00 : f32
    %max3A_36 = vector.broadcast %max3A_35 : f32 to vector<512x64xf32>
    %max3A_37 = arith.maximumf %add3A_34, %max3A_36 : vector<512x64xf32>
    %get3A_38 = arith.constant 0 : index
    %get3A_39 = arith.constant 0 : index
    %get3A_40 = vector.load %arg3[%get3A_38, %get3A_39] : memref<64x48xf32, #tpu.memory_space<vmem>>, vector<64x48xf32>
    %dot_general3A = arith.constant dense<0.000000e+00> : vector<512x48xf32>
    %dot_general3A_41 = tpu.matmul %max3A_37, %get3A_40, %dot_general3A {dimension_numbers = #tpu.dot_dimension_numbers<[1], [0], [0], [1], [0, 0, 1, 1], [], []>, transpose_lhs_hint = false} : vector<512x64xf32>, vector<64x48xf32>, vector<512x48xf32> -> vector<512x48xf32>
    %mul3A_42 = vector.broadcast %select_n3A_16 : vector<512x1xf32> to vector<512x48xf32>
    %mul3A_43 = arith.mulf %mul3A_42, %dot_general3A_41 : vector<512x48xf32>
    %swap3A = arith.constant 0 : index
    %swap3A_44 = arith.constant 0 : index
    %swap3A_45 = vector.load %arg5[%swap3A, %swap3A_44] : memref<512x48xf32, #tpu.memory_space<vmem>>, vector<512x48xf32>
    tpu.vector_store %arg5[%swap3A, %swap3A_44], %mul3A_43 {strides = array<i32>} : memref<512x48xf32, #tpu.memory_space<vmem>>, vector<512x48xf32>,
    return
  }
  func.func @transform_0(%arg0: i32) -> (i32, i32, i32) {
    %c0_i32 = arith.constant 0 : i32
    %c0_i32_0 = arith.constant 0 : i32
    %c0_i32_1 = arith.constant 0 : i32
    return %c0_i32, %arg0, %c0_i32_0 : i32, i32, i32
  }
  func.func @transform_1(%arg0: i32) -> (i32, i32) {
    %c0_i32 = arith.constant 0 : i32
    %c0_i32_0 = arith.constant 0 : i32
    %c0_i32_1 = arith.constant 0 : i32
    return %c0_i32, %c0_i32_0 : i32, i32
  }
  func.func @transform_2(%arg0: i32) -> (i32, i32) {
    %c0_i32 = arith.constant 0 : i32
    %c0_i32_0 = arith.constant 0 : i32
    %c0_i32_1 = arith.constant 0 : i32
    return %c0_i32, %c0_i32_0 : i32, i32
  }
  func.func @transform_3(%arg0: i32) -> (i32, i32, i32) {
    %c0_i32 = arith.constant 0 : i32
    %c0_i32_0 = arith.constant 0 : i32
    %c0_i32_1 = arith.constant 0 : i32
    return %c0_i32, %arg0, %c0_i32_0 : i32, i32, i32
  }
  func.func @transform_4(%arg0: i32) -> (i32, i32) {
    %c0_i32 = arith.constant 0 : i32
    %c0_i32_0 = arith.constant 0 : i32
    return %arg0, %c0_i32 : i32, i32
  }
}

module attributes {stable_mosaic.version = 14 : i64} {
  func.func @_final_body(%arg0: i32, %arg1: memref<2x512x48xf32, #tpu.memory_space<vmem>>, %arg2: memref<1x48xf32, #tpu.memory_space<vmem>>, %arg3: memref<2x512x16xf32, #tpu.memory_space<vmem>>, %arg4: memref<512x48xf32, #tpu.memory_space<vmem>>) attributes {dimension_semantics = [#tpu.dimension_semantics<arbitrary>], iteration_bounds = array<i64: 20>, scalar_prefetch = 0 : i64, scratch_operands = 0 : i64, tpu.core_type = #tpu.core_type<tc>, window_params = [{transform_indices = @transform_0, window_bounds = array<i64: 2, 512, 48>}, {pipeline_mode = #tpu.pipeline_mode<synchronous>, transform_indices = @transform_1, window_bounds = array<i64: 1, 48>}, {transform_indices = @transform_2, window_bounds = array<i64: 2, 512, 16>}, {transform_indices = @transform_3, window_bounds = array<i64: 512, 48>}]} {
    %get3A = arith.constant 0 : index
    %get3A_0 = arith.constant 0 : index
    %get3A_1 = arith.constant 0 : index
    %get3A_2 = vector.load %arg3[%get3A, %get3A_0, %get3A_1] : memref<2x512x16xf32, #tpu.memory_space<vmem>>, vector<2x512x16xf32>
    %mul3A = arith.constant 512 : i32
    %mul3A_3 = arith.muli %arg0, %mul3A : i32
    %slice3A = vector.extract_strided_slice %get3A_2 {offsets = [0, 0, 0], sizes = [1, 512, 1], strides = [1, 1, 1]} : vector<2x512x16xf32> to vector<1x512x1xf32>
    %squeeze3A = vector.shape_cast %slice3A : vector<1x512x1xf32> to vector<512x1xf32>
    %slice3A_4 = vector.extract_strided_slice %get3A_2 {offsets = [1, 0, 0], sizes = [1, 512, 1], strides = [1, 1, 1]} : vector<2x512x16xf32> to vector<1x512x1xf32>
    %squeeze3A_5 = vector.shape_cast %slice3A_4 : vector<1x512x1xf32> to vector<512x1xf32>
    %add3A = arith.addf %squeeze3A, %squeeze3A_5 : vector<512x1xf32>
    %gt3A = arith.constant 0.000000e+00 : f32
    %gt3A_6 = vector.broadcast %gt3A : f32 to vector<512x1xf32>
    %gt3A_7 = arith.cmpf ogt, %add3A, %gt3A_6 : vector<512x1xf32>
    %max3A = arith.constant 9.99999996E-13 : f32
    %max3A_8 = vector.broadcast %max3A : f32 to vector<512x1xf32>
    %max3A_9 = arith.maximumf %add3A, %max3A_8 : vector<512x1xf32>
    %rsqrt3A = math.rsqrt %max3A_9 : vector<512x1xf32>
    %jit3A = arith.constant 0.000000e+00 : f32
    %broadcast_in_dim3A = vector.broadcast %jit3A : f32 to vector<512x1xf32>
    %select_n3A = arith.select %gt3A_7, %rsqrt3A, %broadcast_in_dim3A : vector<512x1xi1>, vector<512x1xf32>
    %iota3A = tpu.iota {dimensions = array<i32: 0>} : vector<512x1xi32>
    %add3A_10 = vector.broadcast %mul3A_3 : i32 to vector<512x1xi32>
    %add3A_11 = arith.addi %add3A_10, %iota3A : vector<512x1xi32>
    %lt3A = arith.constant 10000 : i32
    %lt3A_12 = vector.broadcast %lt3A : i32 to vector<512x1xi32>
    %lt3A_13 = arith.cmpi slt, %add3A_11, %lt3A_12 : vector<512x1xi32>
    %jit3A_14 = arith.constant 0.000000e+00 : f32
    %broadcast_in_dim3A_15 = vector.broadcast %jit3A_14 : f32 to vector<512x1xf32>
    %select_n3A_16 = arith.select %lt3A_13, %select_n3A, %broadcast_in_dim3A_15 : vector<512x1xi1>, vector<512x1xf32>
    %get3A_17 = arith.constant 0 : index
    %get3A_18 = arith.constant 0 : index
    %get3A_19 = arith.constant 0 : index
    %get3A_20 = vector.load %arg1[%get3A_17, %get3A_18, %get3A_19] : memref<2x512x48xf32, #tpu.memory_space<vmem>>, vector<1x512x48xf32>
    %get3A_21 = vector.shape_cast %get3A_20 : vector<1x512x48xf32> to vector<512x48xf32>
    %get3A_22 = arith.constant 1 : index
    %get3A_23 = arith.constant 0 : index
    %get3A_24 = arith.constant 0 : index
    %get3A_25 = vector.load %arg1[%get3A_22, %get3A_23, %get3A_24] : memref<2x512x48xf32, #tpu.memory_space<vmem>>, vector<1x512x48xf32>
    %get3A_26 = vector.shape_cast %get3A_25 : vector<1x512x48xf32> to vector<512x48xf32>
    %add3A_27 = arith.addf %get3A_21, %get3A_26 : vector<512x48xf32>
    %mul3A_28 = vector.broadcast %select_n3A_16 : vector<512x1xf32> to vector<512x48xf32>
    %mul3A_29 = arith.mulf %mul3A_28, %add3A_27 : vector<512x48xf32>
    %get3A_30 = arith.constant 0 : index
    %get3A_31 = arith.constant 0 : index
    %get3A_32 = vector.load %arg2[%get3A_30, %get3A_31] : memref<1x48xf32, #tpu.memory_space<vmem>>, vector<1x48xf32>
    %add3A_33 = vector.broadcast %get3A_32 : vector<1x48xf32> to vector<512x48xf32>
    %add3A_34 = arith.addf %mul3A_29, %add3A_33 : vector<512x48xf32>
    %iota3A_35 = tpu.iota {dimensions = array<i32: 1>} : vector<512x48xi32>
    %lt3A_36 = arith.constant 40 : i32
    %lt3A_37 = vector.broadcast %lt3A_36 : i32 to vector<512x48xi32>
    %lt3A_38 = arith.cmpi slt, %iota3A_35, %lt3A_37 : vector<512x48xi32>
    %jit3A_39 = arith.constant 0xFF800000 : f32
    %broadcast_in_dim3A_40 = vector.broadcast %jit3A_39 : f32 to vector<512x48xf32>
    %select_n3A_41 = arith.select %lt3A_38, %add3A_34, %broadcast_in_dim3A_40 : vector<512x48xi1>, vector<512x48xf32>
    %reduce_max3A = arith.constant dense<0xFF800000> : vector<512xf32>
    %reduce_max3A_42 = vector.multi_reduction <maximumf>, %select_n3A_41, %reduce_max3A [1] : vector<512x48xf32> to vector<512xf32>
    %broadcast_in_dim3A_43 = vector.shape_cast %reduce_max3A_42 : vector<512xf32> to vector<512x1xf32>
    %sub3A = vector.broadcast %broadcast_in_dim3A_43 : vector<512x1xf32> to vector<512x48xf32>
    %sub3A_44 = arith.subf %select_n3A_41, %sub3A : vector<512x48xf32>
    %exp3A = math.exp %sub3A_44 : vector<512x48xf32>
    %jit3A_45 = arith.constant 0.000000e+00 : f32
    %broadcast_in_dim3A_46 = vector.broadcast %jit3A_45 : f32 to vector<512x48xf32>
    %select_n3A_47 = arith.select %lt3A_38, %exp3A, %broadcast_in_dim3A_46 : vector<512x48xi1>, vector<512x48xf32>
    %reduce_sum3A = arith.constant dense<0.000000e+00> : vector<512xf32>
    %reduce_sum3A_48 = vector.multi_reduction <add>, %select_n3A_47, %reduce_sum3A [1] : vector<512x48xf32> to vector<512xf32>
    %broadcast_in_dim3A_49 = vector.shape_cast %reduce_sum3A_48 : vector<512xf32> to vector<512x1xf32>
    %log3A = math.log %broadcast_in_dim3A_49 : vector<512x1xf32>
    %sub3A_50 = vector.broadcast %broadcast_in_dim3A_43 : vector<512x1xf32> to vector<512x48xf32>
    %sub3A_51 = arith.subf %add3A_34, %sub3A_50 : vector<512x48xf32>
    %sub3A_52 = vector.broadcast %log3A : vector<512x1xf32> to vector<512x48xf32>
    %sub3A_53 = arith.subf %sub3A_51, %sub3A_52 : vector<512x48xf32>
    %swap3A = arith.constant 0 : index
    %swap3A_54 = arith.constant 0 : index
    %swap3A_55 = vector.load %arg4[%swap3A, %swap3A_54] : memref<512x48xf32, #tpu.memory_space<vmem>>, vector<512x48xf32>
    tpu.vector_store %arg4[%swap3A, %swap3A_54], %sub3A_53 {strides = array<i32>} : memref<512x48xf32, #tpu.memory_space<vmem>>, vector<512x48xf32>,
    return
  }
  func.func @transform_0(%arg0: i32) -> (i32, i32, i32) {
    %c0_i32 = arith.constant 0 : i32
    %c0_i32_0 = arith.constant 0 : i32
    %c0_i32_1 = arith.constant 0 : i32
    return %c0_i32, %arg0, %c0_i32_0 : i32, i32, i32
  }
  func.func @transform_1(%arg0: i32) -> (i32, i32) {
    %c0_i32 = arith.constant 0 : i32
    %c0_i32_0 = arith.constant 0 : i32
    %c0_i32_1 = arith.constant 0 : i32
    return %c0_i32, %c0_i32_0 : i32, i32
  }
  func.func @transform_2(%arg0: i32) -> (i32, i32, i32) {
    %c0_i32 = arith.constant 0 : i32
    %c0_i32_0 = arith.constant 0 : i32
    %c0_i32_1 = arith.constant 0 : i32
    return %c0_i32, %arg0, %c0_i32_0 : i32, i32, i32
  }
  func.func @transform_3(%arg0: i32) -> (i32, i32) {
    %c0_i32 = arith.constant 0 : i32
    %c0_i32_0 = arith.constant 0 : i32
    return %arg0, %c0_i32 : i32, i32
  }
}

</mosaic_0001>

<sc_bundles>
// kernel: kernel.10.cloned.1.call-start
scs
__scs_entry_jumppad:
0x0: {  	(pc) =	sbr.rel $0x88, $3  }
0x1: {  	(tag) =	ssettag $0x0;
	lr =	simm.s32 $0x1  }
0x2: {  	[smem:$0x3F99] =	sst lr;
	_ =	strace $0xD0000000  }
0x3: {  	_ = 	snop  }
0x4: {  	_ = 	snop  }
0x5: {  	_ = 	snop  }
0x6: {  	_ = 	snop  }
0x7: {  	_ = 	snop  }
__scs_overlays_trampoline_lowered:
0x8: {  	[smem:$0x3FA8] =	sst s0  }
0x9: {  	[smem:$0x3FA9] =	sst s1  }
0xa: {  	[smem:$0x3FAA] =	sst s2  }
0xb: {  	[smem:$0x3FAB] =	sst s3  }
0xc: {  	[smem:$0x3FAC] =	sst s4  }
0xd: {  	[smem:$0x3FAD] =	sst s5  }
0xe: {  	[smem:$0x3FAE] =	sst s6  }
0xf: {  	[smem:$0x3FAF] =	sst s7  }
0x10: {  	[smem:$0x3FB0] =	sst s8  }
0x11: {  	[smem:$0x3FB1] =	sst s9;
	s0 =	simm.s32 @!p0 $0x0  }
0x12: {  	s1 =	sld [smem:$0x3F97];
	s0 =	simm.s32 @p0 $0x1  }
0x13: {  	[smem:$0x3FB2] =	sst s0;
	s0 =	simm.s32 @!p1 $0x0  }
0x14: {  	s2 =	sld [smem:$0x3F96];
	s0 =	simm.s32 @p1 $0x1  }
0x15: {  	[smem:$0x3FB3] =	sst s0;
	s0 =	simm.s32 @!p2 $0x0  }
0x16: {  	s3 =	sld [smem:$0x3FDB];
	s0 =	simm.s32 @p2 $0x1  }
0x17: {  	s4 =	simm.s32 $0x1BF5;
	[smem:$0x3FB5] =	sst s0  }
0x18: {  	s0 =	sld [smem:$0x3F98];
	_ =	swait.ge [sflag:s4], $0x0  }
0x19: {  	s7 =	sld [smem:$0x3F99]  }
0x1a: {  	s8 =	sadd.s32 $0xFFFFE003, lr  }
0x1b: {  	s9 =	sadd.s32 $0xFFFFFEF7, lr;
	s5 =	simm.s32 $0xFFFFFFFF;
	p2 =	slt.u32 s8, $0xFFFFF086  }
0x1c: {  	p1 =	slt.u32 s9, $0xF7A;
	s5 =	simm.s32 @!p2 $0x0  }
0x1d: {  	s5 =	simm.s32 @p1 $0x1;
	p0 =	seq.s32 s7, s2  }
0x1e: {  	s7 =	smul.u32 @!p0 $0xF7A, s2;
	p2 =	seq.s32 @!p0 s5, $0x0  }
0x1f: {  	s9 =	smul.u32 $0xF7A, s1;
	s8 =	simm.s32 @!p0 $0x1BF5;
	p2 =	por !p2, p0  }
0x20: {  	[sflag:s8] =	ssyncset.s32 @!p0 $0xFFFFF086;
	s6 =	sadd.s32 @!p0 s3, s7;
	s7 =	simm.s32 @!p0 $0x108  }
0x21: {  	s3 =	sadd.s32 s3, s9;
	s6 =	sadd.s32 @!p0 $0x88, s6;
	s7 =	simm.s32 @p2 $0x1082  }
0x22: {  	[simem:s7], [sflag:s8] =	dma.local @!p0 [hbm:s6], $0xF7A  }
0x23: {  	s9 =	sor.u32 $0xD0000000, s2;
	s6 =	simm.s32 $0x108;
	_ =	swait.ge @!p0 [sflag:s8], $0x0  }
0x24: {  	s3 =	sadd.s32 $0x88, s3;
	s6 =	simm.s32 @!p1 $0x1082;
	[sflag:s4] =	ssyncset.s32 $0xFFFFF086  }
0x25: {  	[simem:s6], [sflag:s4] =	dma.local [hbm:s3], $0xF7A  }
0x26: {  	[smem:$0x3F99] =	sst s1;
	(tag) =	ssettag s2;
	_ =	strace s9  }
0x27: {  	s1 =	sld [smem:$0x3FA9]  }
0x28: {  	s2 =	sld [smem:$0x3FAA]  }
0x29: {  	s4 =	sld [smem:$0x3FAC]  }
0x2a: {  	p0 =	seq.s32 s5, $0x0;
	s5 =	sld [smem:$0x3FAD]  }
0x2b: {  	s6 =	sld [smem:$0x3FAE]  }
0x2c: {  	s7 =	sld [smem:$0x3FAF]  }
0x2d: {  	s3 =	simm.s32 $0x108;
	s8 =	sld [smem:$0x3FB0]  }
0x2e: {  	s3 =	simm.s32 @!p0 $0x1082;
	s9 =	sld [smem:$0x3FB1]  }
0x2f: {  	lr =	sadd.s32 s0, s3;
	s0 =	sld [smem:$0x3FA8]  }
0x30: {  	s3 =	sld [smem:$0x3FAB]  }
0x31: {  	[smem:$0x3FB4] =	sst s10  }
0x32: {  	s10 =	sld [smem:$0x3FB2];
	_ =	sdelay $0x3  }
0x33: {  	p0 =	seq.s32 s10, $0x1;
	s10 =	sld [smem:$0x3FB4];
	_ =	sdelay $0x3  }
0x34: {  	[smem:$0x3FB4] =	sst s10  }
0x35: {  	s10 =	sld [smem:$0x3FB3];
	_ =	sdelay $0x3  }
0x36: {  	p1 =	seq.s32 s10, $0x1;
	s10 =	sld [smem:$0x3FB4];
	_ =	sdelay $0x3  }
0x37: {  	[smem:$0x3FB4] =	sst s10  }
0x38: {  	s10 =	sld [smem:$0x3FB5]  }
0x39: {  	_ = 	snop;
	(pc) =	sbr.ind lr, $3  }
0x3a: {  	_ = 	snop  }
0x3b: {  	_ = 	snop  }
0x3c: {  	p2 =	seq.s32 s10, $0x1;
	s10 =	sld [smem:$0x3FB4]  }
0x3d: {  	_ =	shalt  }
0x3e: {  	_ =	shalt  }
0x3f: {  	_ =	shalt  }
0x40: {  	_ =	shalt  }
0x41: {  	_ =	shalt  }
0x42: {  	_ =	shalt  }
0x43: {  	_ =	shalt  }
0x44: {  	_ =	shalt  }
0x45: {  	_ =	shalt  }
0x46: {  	_ =	shalt  }
0x47: {  	_ =	shalt  }
0x48: {  	_ =	shalt  }
0x49: {  	_ =	shalt  }
0x4a: {  	_ =	shalt  }
0x4b: {  	_ =	shalt  }
0x4c: {  	_ =	shalt  }
0x4d: {  	_ =	shalt  }
0x4e: {  	_ =	shalt  }
0x4f: {  	_ =	shalt  }
0x50: {  	_ =	shalt  }
0x51: {  	_ =	shalt  }
0x52: {  	_ =	shalt  }
0x53: {  	_ =	shalt  }
0x54: {  	_ =	shalt  }
0x55: {  	_ =	shalt  }
0x56: {  	_ =	shalt  }
0x57: {  	_ =	shalt  }
0x58: {  	_ =	shalt  }
0x59: {  	_ =	shalt  }
0x5a: {  	_ =	shalt  }
0x5b: {  	_ =	shalt  }
0x5c: {  	_ =	shalt  }
0x5d: {  	_ =	shalt  }
0x5e: {  	_ =	shalt  }
0x5f: {  	_ =	shalt  }
0x60: {  	_ =	shalt  }
0x61: {  	_ =	shalt  }
0x62: {  	_ =	shalt  }
0x63: {  	_ =	shalt  }
0x64: {  	_ =	shalt  }
0x65: {  	_ =	shalt  }
0x66: {  	_ =	shalt  }
0x67: {  	_ =	shalt  }
0x68: {  	_ =	shalt  }
0x69: {  	_ =	shalt  }
0x6a: {  	_ =	shalt  }
0x6b: {  	_ =	shalt  }
0x6c: {  	_ =	shalt  }
0x6d: {  	_ =	shalt  }
0x6e: {  	_ =	shalt  }
0x6f: {  	_ =	shalt  }
0x70: {  	_ =	shalt  }
0x71: {  	_ =	shalt  }
0x72: {  	_ =	shalt  }
0x73: {  	_ =	shalt  }
0x74: {  	_ =	shalt  }
0x75: {  	_ =	shalt  }
0x76: {  	_ =	shalt  }
0x77: {  	_ =	shalt  }
0x78: {  	_ =	shalt  }
0x79: {  	_ =	shalt  }
0x7a: {  	_ =	shalt  }
0x7b: {  	_ =	shalt  }
0x7c: {  	_ =	shalt  }
0x7d: {  	_ =	shalt  }
0x7e: {  	_ =	shalt  }
0x7f: {  	_ =	shalt  }
0x80: {  	_ =	shalt  }
0x81: {  	_ =	shalt  }
0x82: {  	_ =	shalt  }
0x83: {  	_ =	shalt  }
0x84: {  	_ =	shalt  }
0x85: {  	_ =	shalt  }
0x86: {  	_ =	shalt  }
0x87: {  	_ =	shalt  }
.Lfunc_end0:
.L_simem_size_0:
called_computation_lowered:
.L_overlay_start_0:
0x88: {  	s2 =	sld [smem:$0x3FD9]  }
0x89: {  	s3 =	sld [smem:$0x3FFE];
	_ =	sdelay $0x1  }
0x8a: {  	s1 =	srdreg.scid  }
0x8b: {  	s0 =	sand.u32 $0x1, s1  }
0x8c: {  	s17 =	sshll.u32 s0, $0xA;
	s2 =	sadd.s32 s3, s2  }
0x8d: {  	s2 =	sadd.s32 s2, s17  }
0x8e: {  	[smem:$0x3FC0] =	sst s2  }
0x8f: {  	_ = 	snop  }
0x90: {  	s2 =	sld [smem:$0x3FD0];
	(tm) =	ssettm $0x1  }
0x91: {  	s18 =	sld [smem:$0x3FFB];
	_ =	sdelay $0x3  }
0x92: {  	_ =	strace s18  }
0x93: {  	s3 =	sld [smem:$0x3FFC];
	_ =	sdelay $0x3  }
0x94: {  	_ =	strace s3  }
0x95: {  	s3 =	sld [smem:$0x3FFD];
	_ =	sdelay $0x3  }
0x96: {  	_ =	strace s3  }
0x97: {  	_ =	strace $0x8FFFFFFF  }
0x98: {  	s19 =	sld [smem:$0x3FDB];
	_ =	sdelay $0x1  }
0x99: {  	s4 =	simm.s32 $_scs_section_size  }
0x9a: {  	s5 =	simm.s32 $_size__tile_overlayer_lowered;
	s6 =	simm.s32 $_tile_overlayer_lowered  }
0x9b: {  	s22 =	simm.s32 $0x1BFF;
	s21 =	sshll.u32 s6, $0x1;
	s3 =	sadd.s32 s4, s19  }
0x9c: {  	s7 =	simm.s32 $0x0;
	s20 =	sshll.u32 s5, $0x1;
	s5 =	sadd.s32 s21, s3  }
0x9d: {  	[timem:s7], [sflag:s22] =	dma.local [hbm:s5], s20  }
0x9e: {  	_ =	swait.ge [sflag:s22], s20  }
0x9f: {  	s4 =	ssub.s32 $0x0, s20;
	[sflag:s22] =	ssyncset.done $0x0  }
0xa0: {  	[sflag:s22] =	ssyncadd.s32 s4;
	_ =	sdelay $0x1  }
0xa1: {  	s23 =	simm.s32 $0x1B8B  }
0xa2: {  	_ =	swait.ge [sflag:s23], $0x1  }
0xa3: {  	[sflag:s23] =	ssyncset.done $0x0  }
0xa4: {  	s25 =	simm.s32 $0x1B8E;
	s24 =	sld [smem:$0x3FFE];
	[sflag:s23] =	ssyncadd.s32 $0xFFFFFFFF  }
0xa5: {  	s26 =	simm.s32 $execute0_lowered;
	[smem:$0x3FD2] =	sst s25  }
0xa6: {  	s5 =	sshll.u32 s26, $0x1;
	_ =	strace $0x80000046;
	[dreg:$0x1] =	wrdreg $0xFFFFFFFF  }
0xa7: {  	s28 =	simm.s32 $_size_execute0_lowered;
	s3 =	sadd.s32 s3, s5;
	[dreg:$0x0] =	wrdreg $0x0  }
0xa8: {  	s5 =	sshll.u32 s28, $0x1;
	[dreg:$0x2] =	wrdreg s3  }
0xa9: {  	[dreg:$0x3] =	wrdreg s5  }
0xaa: {  	[dreg:$0x4] =	wrdreg $0xC0  }
0xab: {  	_ =	task [dreg:s7], $0x5FFFF  }
0xac: {  	[dreg:$0x1] =	wrdreg $0xFFFFFFFF  }
0xad: {  	[dreg:$0x0] =	wrdreg $0x60  }
0xae: {  	[dreg:$0x2] =	wrdreg s2  }
0xaf: {  	[dreg:$0x3] =	wrdreg s24  }
0xb0: {  	[dreg:$0x4] =	wrdreg $0x34800  }
0xb1: {  	[dreg:$0x5] =	wrdreg $0x9  }
0xb2: {  	_ =	task.clear_ibuf [dreg:s7], $0x6FFFF;
	_ =	strace $0x90000046  }
0xb3: {  	s29 =	simm.s32 $0x9;
	_ =	strace $0x80000048  }
0xb4: {  	_ =	swait.ge [sflag:s29], $0x1  }
0xb5: {  	[sflag:s29] =	ssyncadd.s32 $0xFFFFFFFF  }
0xb6: {  	_ =	strace $0x90000048  }
0xb7: {  	_ =	sfence  }
0xb8: {  	s30 =	sld [smem:$0x0];
	_ =	sdelay $0x2  }
0xb9: {  	s31 =	sshll.u32 s1, $0xD;
	s1 =	sshrl.u32 s1, $0x2  }
0xba: {  	s3 =	sand.u32 $0x4000, s31;
	s1 =	sadd.s32 s1, s30  }
0xbb: {  	s0 =	sor.u32 s3, s0;
	s1 =	sshll.u32 s1, $0x11  }
0xbc: {  	s0 =	sor.u32 s1, s0  }
0xbd: {  	s0 =	sadd.s32 $0x8F2B, s0  }
0xbe: {  	[sflag:s0] =	ssyncadd.remote.s32 $0x1  }
0xbf: {  	_ =	sfence.sel $0xFFFF  }
0xc0: {  	[dreg:$0x0] =	wrdreg $0xFFFFFFFF;
	(pc) =	sbr.abs _section_cstart, $3  }
0xc1: {  	[dreg:$0x1] =	wrdreg $0xFFFFFFFF  }
0xc2: {  	_ =	task.clear_ibuf [dreg:s7], $0x2FFFF;
	_ =	strace $0x9FFFFFFF  }
0xc3: {  	(tm) =	ssettm $0x7FFFFFFF  }
tec
execute0_lowered:
.L_overlay_start_1:
0x0: {  	(tag) =	ssettag $0x1  }
0x1: {  	s6 =	rddreg [dreg:$0x0]  }
0x2: {  	s5 =	rddreg [dreg:$0x1]  }
0x3: {  	s2 =	rddreg [dreg:$0x2];
	s1 =	stileid.u32  }
0x4: {  	s0 =	rddreg [dreg:$0x3];
	s3 =	simm.s32 $0x0;
	s7 =	smul.u32 $0x2800, s1  }
0x5: {  	s4 =	srdreg.scid;
	s13 =	simm.s32 $0x60;
	s8 =	smul.u32 $0x5C, s1  }
0x6: {  	[smem:$0x7FF] =	sst s3;
	s9 =	sand.u32 $0x1, s4;
	s10 =	smul.u32 $0x7C, s1  }
0x7: {  	s4 =	sadd.s32 $0x7400, s5;
	s31 =	sshll.u32 s1, $0x6;
	_ =	strace $0x80000047  }
0x8: {  	p0 =	seq.s32 s9, $0x0;
	s11 =	smul.u32 $0x5000, s9;
	s9 =	ssub.s32 $0x2, s9  }
0x9: {  	s8 =	sadd.s32 $0x7C0, s8;
	s14 =	sshrl.u32 s7, $0x3;
	s12 =	sshrl.u32 s9, $0x1  }
0xa: {  	s30 =	sadd.s32 s7, s2;
	s8 =	smov.u32 @p0 s10;
	s29 =	sadd.s32 s14, s5  }
0xb: {  	s11 =	sadd.s32 s11, s5;
	s5 =	simm.s32 $0x7C;
	s9 =	ssub.s32 s9, s12  }
0xc: {  	s10 =	simm.s32 $0x2E80;
	s12 =	sshrl.u32 s30, $0x3;
	s8 =	smul.u32 $0xC, s8  }
0xd: {  	s5 =	simm.s32 @!p0 $0x5C;
	s7 =	sadd.s32 $0x2400, s29;
	s15 =	sadd.s32 $0x7600, s11  }
0xe: {  	s11 =	sor.u32 $0x1C01, s31;
	s14 =	sadd.s32 s14, s15;
	s15 =	simm.s32 $0x0  }
0xf: {  	s6 =	sadd.s32 s6, s8;
	s8 =	smax.u32 s9, $0x1;
	s9 =	simm.s32 $0x1  }
.LBB2_1:
0x10: {  	[tilespmem:s3], [sflag:$0x1] =	stream.linear.gather [hbm4b:s6+s3], $0x2E80, $0x38;
	[tilespmem:$0x5C80] =	vst v63  }
0x11: {  	_ =	swait.ge [sflag:s9], $0x2E80  }
0x12: {  	[sflag:s9] =	ssyncset.done $0x0  }
0x13: {  	[sflag:s9] =	ssyncadd.s32 $0xFFFFD180  }
0x14: {  	[tilespmem:s10], [sflag:$0x1] =	stream.linear.gather [hbm4b:s4+s3], $0x600, $0x38;
	[tilespmem:$0x5C80] =	vst v63  }
0x15: {  	_ =	swait.ge [sflag:s9], $0x600  }
0x16: {  	[sflag:s9] =	ssyncset.done $0x0  }
0x17: {  	[sflag:s9] =	ssyncadd.s32 $0xFFFFFA00  }
0x18: {  	[spmem:s12], [sflag:s11] =	dma.local [hbm:s7], $0x500  }
0x19: {  	_ =	swait.ge [sflag:s9], $0x500  }
0x1a: {  	p0 =	sne.s32 s5, $0x1;
	[sflag:s9] =	ssyncset.done $0x0  }
.Ltmp0:
0x1b: {  	[sflag:s9] =	ssyncadd.s32 $0xFFFFFB00;
	(pc) =	sbr.rel @!p0 .LBB2_3-.Ltmp0, $4  }
0x1c: {  	[bflag:$0x0] =	sbarrier.arrive $0xFFFF  }
0x1d: {  	[spmem:s2] =	stream.indirect.scatter.add.f32 [tilespmem:s10], [sflag:$0x1], $0x10, s3, s13, $0xb8;
	[tilespmem:$0x5C80] =	vst v63  }
0x1e: {  	_ =	swait.ge [sflag:s9], $0x600  }
0x1f: {  	s16 =	sadd.s32 $0xFFFFFFFF, s5;
	s17 =	simm.s32 $0x0;
	[sflag:s9] =	ssyncset.done $0x0  }
.LBB2_2:
0x20: {  	p0 =	sne.s32 s16, $0x1;
	[sflag:s9] =	ssyncadd.s32 $0xFFFFFA00;
	s17 =	sadd.s32 $0x60, s17  }
.Ltmp1:
0x21: {  	s16 =	sadd.s32 $0xFFFFFFFF, s16;
	(pc) =	sbr.rel @p0 .LBB2_2-.Ltmp1, $4  }
0x22: {  	_ = 	snop  }
0x23: {  	[spmem:s2] =	stream.indirect.scatter.add.f32 [tilespmem:s10], [sflag:$0x1], $0x10, s17, s13, $0xb8;
	[tilespmem:$0x5C80] =	vst v63  }
0x24: {  	_ =	swait.ge [sflag:s9], $0x600  }
0x25: {  	[sflag:s9] =	ssyncset.done $0x0  }
.LBB2_3:
0x26: {  	s15 =	sadd.s32 $0x1, s15  }
0x27: {  	[sflag:s9] =	ssyncadd.s32 $0xFFFFFA00;
	p0 =	sne.s32 s15, s8  }
.Ltmp2:
0x28: {  	[bflag:$0x0] =	sbarrier.arrive $0xFFFF;
	(pc) =	sbr.rel @p0 .LBB2_1-.Ltmp2, $4  }
0x29: {  	[hbm:s14], [sflag:s11] =	dma.local [spmem:s12], $0x500  }
0x2a: {  	_ =	swait.ge [sflag:s9], $0x500  }
0x2b: {  	[sflag:s9] =	ssyncset.done $0x0  }
0x2c: {  	[sflag:s9] =	ssyncadd.s32 $0xFFFFFB00  }
0x2d: {  	_ =	sfence.sel $0x180000  }
0x2e: {  	[bflag:$0x0] =	sbarrier.arrive $0xFFFF  }
0x2f: {  	p0 =	sne.s32 s1, $0x0;
	_ =	strace $0x90000047  }
0x30: {  	s0 =	sadd.s32 @!p0 $0x100000, s0;
	[bflag:$0x2] =	sbarrier.arrive $0xFFFF  }
0x31: {  	[sflag:s0] =	ssyncadd.tile.s32 @!p0 $0x1;
	_ =	shalt  }
.Lfunc_end2:
_tile_overlayer_lowered:
.L_overlay_start_2:
0x32: {  	(tag) =	ssettag $0x2  }
0x33: {  	s0 =	rddreg [dreg:$0x0];
	s2 =	stileid.u32  }
0x34: {  	s1 =	rddreg [dreg:$0x1];
	p0 =	sne.s32 s2, $0x0  }
0x35: {  	s3 =	rddreg [dreg:$0x2];
	[bflag:$0x3] =	sbarrier.arrive $0xFFFF;
	s2 =	simm.s32 @!p0 $0x1C01  }
0x36: {  	[timem:s3], [sflag:s2] =	dma.local @!p0 [hbm:s0], s1  }
0x37: {  	s0 =	simm.s32 @!p0 $0x1  }
0x38: {  	_ =	swait.ge @!p0 [sflag:s0], s1  }
0x39: {  	s1 =	ssub.s32 @!p0 $0x0, s1;
	[sflag:s0] =	ssyncset.done @!p0 $0x0  }
0x3a: {  	[sflag:s0] =	ssyncadd.s32 @!p0 s1  }
0x3b: {  	[bflag:$0x3] =	sbarrier.arrive $0xFFFF  }
0x3c: {  	_ =	shalt  }

// kernel: kernel.13.cloned.1.call-start
scs
__scs_entry_jumppad:
0x0: {  	(pc) =	sbr.rel $0x88, $3  }
0x1: {  	(tag) =	ssettag $0x0;
	lr =	simm.s32 $0x1  }
0x2: {  	[smem:$0x3F99] =	sst lr;
	_ =	strace $0xD0000000  }
0x3: {  	_ = 	snop  }
0x4: {  	_ = 	snop  }
0x5: {  	_ = 	snop  }
0x6: {  	_ = 	snop  }
0x7: {  	_ = 	snop  }
__scs_overlays_trampoline_lowered:
0x8: {  	[smem:$0x3FA8] =	sst s0  }
0x9: {  	[smem:$0x3FA9] =	sst s1  }
0xa: {  	[smem:$0x3FAA] =	sst s2  }
0xb: {  	[smem:$0x3FAB] =	sst s3  }
0xc: {  	[smem:$0x3FAC] =	sst s4  }
0xd: {  	[smem:$0x3FAD] =	sst s5  }
0xe: {  	[smem:$0x3FAE] =	sst s6  }
0xf: {  	[smem:$0x3FAF] =	sst s7  }
0x10: {  	[smem:$0x3FB0] =	sst s8  }
0x11: {  	[smem:$0x3FB1] =	sst s9;
	s0 =	simm.s32 @!p0 $0x0  }
0x12: {  	s1 =	sld [smem:$0x3F97];
	s0 =	simm.s32 @p0 $0x1  }
0x13: {  	[smem:$0x3FB2] =	sst s0;
	s0 =	simm.s32 @!p1 $0x0  }
0x14: {  	s2 =	sld [smem:$0x3F96];
	s0 =	simm.s32 @p1 $0x1  }
0x15: {  	[smem:$0x3FB3] =	sst s0;
	s0 =	simm.s32 @!p2 $0x0  }
0x16: {  	s3 =	sld [smem:$0x3FDB];
	s0 =	simm.s32 @p2 $0x1  }
0x17: {  	s4 =	simm.s32 $0x1BF5;
	[smem:$0x3FB5] =	sst s0  }
0x18: {  	s0 =	sld [smem:$0x3F98];
	_ =	swait.ge [sflag:s4], $0x0  }
0x19: {  	s7 =	sld [smem:$0x3F99]  }
0x1a: {  	s8 =	sadd.s32 $0xFFFFE003, lr  }
0x1b: {  	s9 =	sadd.s32 $0xFFFFFEF7, lr;
	s5 =	simm.s32 $0xFFFFFFFF;
	p2 =	slt.u32 s8, $0xFFFFF086  }
0x1c: {  	p1 =	slt.u32 s9, $0xF7A;
	s5 =	simm.s32 @!p2 $0x0  }
0x1d: {  	s5 =	simm.s32 @p1 $0x1;
	p0 =	seq.s32 s7, s2  }
0x1e: {  	s7 =	smul.u32 @!p0 $0xF7A, s2;
	p2 =	seq.s32 @!p0 s5, $0x0  }
0x1f: {  	s9 =	smul.u32 $0xF7A, s1;
	s8 =	simm.s32 @!p0 $0x1BF5;
	p2 =	por !p2, p0  }
0x20: {  	[sflag:s8] =	ssyncset.s32 @!p0 $0xFFFFF086;
	s6 =	sadd.s32 @!p0 s3, s7;
	s7 =	simm.s32 @!p0 $0x108  }
0x21: {  	s3 =	sadd.s32 s3, s9;
	s6 =	sadd.s32 @!p0 $0x88, s6;
	s7 =	simm.s32 @p2 $0x1082  }
0x22: {  	[simem:s7], [sflag:s8] =	dma.local @!p0 [hbm:s6], $0xF7A  }
0x23: {  	s9 =	sor.u32 $0xD0000000, s2;
	s6 =	simm.s32 $0x108;
	_ =	swait.ge @!p0 [sflag:s8], $0x0  }
0x24: {  	s3 =	sadd.s32 $0x88, s3;
	s6 =	simm.s32 @!p1 $0x1082;
	[sflag:s4] =	ssyncset.s32 $0xFFFFF086  }
0x25: {  	[simem:s6], [sflag:s4] =	dma.local [hbm:s3], $0xF7A  }
0x26: {  	[smem:$0x3F99] =	sst s1;
	(tag) =	ssettag s2;
	_ =	strace s9  }
0x27: {  	s1 =	sld [smem:$0x3FA9]  }
0x28: {  	s2 =	sld [smem:$0x3FAA]  }
0x29: {  	s4 =	sld [smem:$0x3FAC]  }
0x2a: {  	p0 =	seq.s32 s5, $0x0;
	s5 =	sld [smem:$0x3FAD]  }
0x2b: {  	s6 =	sld [smem:$0x3FAE]  }
0x2c: {  	s7 =	sld [smem:$0x3FAF]  }
0x2d: {  	s3 =	simm.s32 $0x108;
	s8 =	sld [smem:$0x3FB0]  }
0x2e: {  	s3 =	simm.s32 @!p0 $0x1082;
	s9 =	sld [smem:$0x3FB1]  }
0x2f: {  	lr =	sadd.s32 s0, s3;
	s0 =	sld [smem:$0x3FA8]  }
0x30: {  	s3 =	sld [smem:$0x3FAB]  }
0x31: {  	[smem:$0x3FB4] =	sst s10  }
0x32: {  	s10 =	sld [smem:$0x3FB2];
	_ =	sdelay $0x3  }
0x33: {  	p0 =	seq.s32 s10, $0x1;
	s10 =	sld [smem:$0x3FB4];
	_ =	sdelay $0x3  }
0x34: {  	[smem:$0x3FB4] =	sst s10  }
0x35: {  	s10 =	sld [smem:$0x3FB3];
	_ =	sdelay $0x3  }
0x36: {  	p1 =	seq.s32 s10, $0x1;
	s10 =	sld [smem:$0x3FB4];
	_ =	sdelay $0x3  }
0x37: {  	[smem:$0x3FB4] =	sst s10  }
0x38: {  	s10 =	sld [smem:$0x3FB5]  }
0x39: {  	_ = 	snop;
	(pc) =	sbr.ind lr, $3  }
0x3a: {  	_ = 	snop  }
0x3b: {  	_ = 	snop  }
0x3c: {  	p2 =	seq.s32 s10, $0x1;
	s10 =	sld [smem:$0x3FB4]  }
0x3d: {  	_ =	shalt  }
0x3e: {  	_ =	shalt  }
0x3f: {  	_ =	shalt  }
0x40: {  	_ =	shalt  }
0x41: {  	_ =	shalt  }
0x42: {  	_ =	shalt  }
0x43: {  	_ =	shalt  }
0x44: {  	_ =	shalt  }
0x45: {  	_ =	shalt  }
0x46: {  	_ =	shalt  }
0x47: {  	_ =	shalt  }
0x48: {  	_ =	shalt  }
0x49: {  	_ =	shalt  }
0x4a: {  	_ =	shalt  }
0x4b: {  	_ =	shalt  }
0x4c: {  	_ =	shalt  }
0x4d: {  	_ =	shalt  }
0x4e: {  	_ =	shalt  }
0x4f: {  	_ =	shalt  }
0x50: {  	_ =	shalt  }
0x51: {  	_ =	shalt  }
0x52: {  	_ =	shalt  }
0x53: {  	_ =	shalt  }
0x54: {  	_ =	shalt  }
0x55: {  	_ =	shalt  }
0x56: {  	_ =	shalt  }
0x57: {  	_ =	shalt  }
0x58: {  	_ =	shalt  }
0x59: {  	_ =	shalt  }
0x5a: {  	_ =	shalt  }
0x5b: {  	_ =	shalt  }
0x5c: {  	_ =	shalt  }
0x5d: {  	_ =	shalt  }
0x5e: {  	_ =	shalt  }
0x5f: {  	_ =	shalt  }
0x60: {  	_ =	shalt  }
0x61: {  	_ =	shalt  }
0x62: {  	_ =	shalt  }
0x63: {  	_ =	shalt  }
0x64: {  	_ =	shalt  }
0x65: {  	_ =	shalt  }
0x66: {  	_ =	shalt  }
0x67: {  	_ =	shalt  }
0x68: {  	_ =	shalt  }
0x69: {  	_ =	shalt  }
0x6a: {  	_ =	shalt  }
0x6b: {  	_ =	shalt  }
0x6c: {  	_ =	shalt  }
0x6d: {  	_ =	shalt  }
0x6e: {  	_ =	shalt  }
0x6f: {  	_ =	shalt  }
0x70: {  	_ =	shalt  }
0x71: {  	_ =	shalt  }
0x72: {  	_ =	shalt  }
0x73: {  	_ =	shalt  }
0x74: {  	_ =	shalt  }
0x75: {  	_ =	shalt  }
0x76: {  	_ =	shalt  }
0x77: {  	_ =	shalt  }
0x78: {  	_ =	shalt  }
0x79: {  	_ =	shalt  }
0x7a: {  	_ =	shalt  }
0x7b: {  	_ =	shalt  }
0x7c: {  	_ =	shalt  }
0x7d: {  	_ =	shalt  }
0x7e: {  	_ =	shalt  }
0x7f: {  	_ =	shalt  }
0x80: {  	_ =	shalt  }
0x81: {  	_ =	shalt  }
0x82: {  	_ =	shalt  }
0x83: {  	_ =	shalt  }
0x84: {  	_ =	shalt  }
0x85: {  	_ =	shalt  }
0x86: {  	_ =	shalt  }
0x87: {  	_ =	shalt  }
.Lfunc_end0:
.L_simem_size_0:
called_computation.1_lowered:
.L_overlay_start_0:
0x88: {  	s2 =	sld [smem:$0x3FD9]  }
0x89: {  	s3 =	sld [smem:$0x3FFE];
	_ =	sdelay $0x1  }
0x8a: {  	s1 =	srdreg.scid  }
0x8b: {  	s0 =	sand.u32 $0x1, s1  }
0x8c: {  	s17 =	sshll.u32 s0, $0xA;
	s2 =	sadd.s32 s3, s2  }
0x8d: {  	s2 =	sadd.s32 s2, s17  }
0x8e: {  	[smem:$0x3FC0] =	sst s2  }
0x8f: {  	_ = 	snop  }
0x90: {  	s2 =	sld [smem:$0x3FD0];
	(tm) =	ssettm $0x1  }
0x91: {  	s18 =	sld [smem:$0x3FFB];
	_ =	sdelay $0x3  }
0x92: {  	_ =	strace s18  }
0x93: {  	s3 =	sld [smem:$0x3FFC];
	_ =	sdelay $0x3  }
0x94: {  	_ =	strace s3  }
0x95: {  	s3 =	sld [smem:$0x3FFD];
	_ =	sdelay $0x3  }
0x96: {  	_ =	strace s3  }
0x97: {  	_ =	strace $0x8FFFFFFF  }
0x98: {  	s19 =	sld [smem:$0x3FDB];
	_ =	sdelay $0x1  }
0x99: {  	s4 =	simm.s32 $_scs_section_size  }
0x9a: {  	s5 =	simm.s32 $_size__tile_overlayer_lowered;
	s6 =	simm.s32 $_tile_overlayer_lowered  }
0x9b: {  	s22 =	simm.s32 $0x1BFF;
	s21 =	sshll.u32 s6, $0x1;
	s3 =	sadd.s32 s4, s19  }
0x9c: {  	s7 =	simm.s32 $0x0;
	s20 =	sshll.u32 s5, $0x1;
	s5 =	sadd.s32 s21, s3  }
0x9d: {  	[timem:s7], [sflag:s22] =	dma.local [hbm:s5], s20  }
0x9e: {  	_ =	swait.ge [sflag:s22], s20  }
0x9f: {  	s4 =	ssub.s32 $0x0, s20;
	[sflag:s22] =	ssyncset.done $0x0  }
0xa0: {  	[sflag:s22] =	ssyncadd.s32 s4;
	_ =	sdelay $0x1  }
0xa1: {  	s23 =	simm.s32 $0x1B8B  }
0xa2: {  	_ =	swait.ge [sflag:s23], $0x1  }
0xa3: {  	[sflag:s23] =	ssyncset.done $0x0  }
0xa4: {  	s25 =	simm.s32 $0x1B8E;
	s24 =	sld [smem:$0x3FFE];
	[sflag:s23] =	ssyncadd.s32 $0xFFFFFFFF  }
0xa5: {  	s26 =	simm.s32 $execute0_lowered;
	[smem:$0x3FD2] =	sst s25  }
0xa6: {  	s5 =	sshll.u32 s26, $0x1;
	_ =	strace $0x80000049;
	[dreg:$0x1] =	wrdreg $0xFFFFFFFF  }
0xa7: {  	s28 =	simm.s32 $_size_execute0_lowered;
	s3 =	sadd.s32 s3, s5;
	[dreg:$0x0] =	wrdreg $0x0  }
0xa8: {  	s5 =	sshll.u32 s28, $0x1;
	[dreg:$0x2] =	wrdreg s3  }
0xa9: {  	[dreg:$0x3] =	wrdreg s5  }
0xaa: {  	[dreg:$0x4] =	wrdreg $0xC0  }
0xab: {  	_ =	task [dreg:s7], $0x5FFFF  }
0xac: {  	[dreg:$0x1] =	wrdreg $0xFFFFFFFF  }
0xad: {  	[dreg:$0x0] =	wrdreg $0x60  }
0xae: {  	[dreg:$0x2] =	wrdreg s24  }
0xaf: {  	[dreg:$0x3] =	wrdreg s2  }
0xb0: {  	[dreg:$0x4] =	wrdreg $0xBD000  }
0xb1: {  	[dreg:$0x5] =	wrdreg $0x9  }
0xb2: {  	_ =	task.clear_ibuf [dreg:s7], $0x6FFFF;
	_ =	strace $0x90000049  }
0xb3: {  	s29 =	simm.s32 $0x9;
	_ =	strace $0x8000004B  }
0xb4: {  	_ =	swait.ge [sflag:s29], $0x1  }
0xb5: {  	[sflag:s29] =	ssyncadd.s32 $0xFFFFFFFF  }
0xb6: {  	_ =	strace $0x9000004B  }
0xb7: {  	_ =	sfence  }
0xb8: {  	s30 =	sld [smem:$0x0];
	_ =	sdelay $0x2  }
0xb9: {  	s31 =	sshll.u32 s1, $0xD;
	s1 =	sshrl.u32 s1, $0x2  }
0xba: {  	s3 =	sand.u32 $0x4000, s31;
	s1 =	sadd.s32 s1, s30  }
0xbb: {  	s0 =	sor.u32 s3, s0;
	s1 =	sshll.u32 s1, $0x11  }
0xbc: {  	s0 =	sor.u32 s1, s0  }
0xbd: {  	s0 =	sadd.s32 $0x8F2B, s0  }
0xbe: {  	[sflag:s0] =	ssyncadd.remote.s32 $0x1  }
0xbf: {  	_ =	sfence.sel $0xFFFF  }
0xc0: {  	[dreg:$0x0] =	wrdreg $0xFFFFFFFF;
	(pc) =	sbr.abs _section_cstart, $3  }
0xc1: {  	[dreg:$0x1] =	wrdreg $0xFFFFFFFF  }
0xc2: {  	_ =	task.clear_ibuf [dreg:s7], $0x2FFFF;
	_ =	strace $0x9FFFFFFF  }
0xc3: {  	(tm) =	ssettm $0x7FFFFFFF  }
tec
execute0_lowered:
.L_overlay_start_1:
0x0: {  	(tag) =	ssettag $0x1  }
0x1: {  	s0 =	stileid.u32;
	s5 =	rddreg [dreg:$0x0]  }
0x2: {  	s1 =	srdreg.scid;
	s7 =	rddreg [dreg:$0x1]  }
0x3: {  	s3 =	simm.s32 $0x0;
	s14 =	simm.s32 $0x7C;
	s16 =	simm.s32 $0x5D00  }
0x4: {  	s17 =	simm.s32 $0x1;
	s18 =	simm.s32 $0x8D00;
	s2 =	smul.u32 $0x5C, s0  }
0x5: {  	s19 =	simm.s32 $0x2;
	s6 =	sand.u32 $0x1, s1;
	s1 =	smul.u32 $0x7C, s0  }
0x6: {  	[smem:$0x7FF] =	sst s3;
	s9 =	smul.u32 $0x14000, s0;
	s31 =	sshll.u32 s0, $0x6  }
0x7: {  	p0 =	seq.s32 s6, $0x0;
	s11 =	smul.u32 $0x28000, s6;
	s6 =	ssub.s32 $0x2, s6  }
0x8: {  	s4 =	sadd.s32 $0x7C0, s2;
	s2 =	rddreg [dreg:$0x2];
	s20 =	sshrl.u32 s9, $0x3  }
0x9: {  	s13 =	sshrl.u32 s6, $0x1;
	s14 =	simm.s32 @!p0 $0x5C;
	s4 =	smov.u32 @p0 s1  }
0xa: {  	s1 =	rddreg [dreg:$0x3];
	_ =	strace $0x8000004A;
	s12 =	sadd.s32 s20, s5  }
0xb: {  	s11 =	sadd.s32 s11, s5;
	s13 =	ssub.s32 s6, s13;
	s15 =	sadd.s32 s9, s2  }
0xc: {  	s30 =	sshrl.u32 s14, $0x1;
	s8 =	smul.u32 $0xC, s4;
	s4 =	sadd.s32 $0x52400, s5  }
0xd: {  	s21 =	sadd.s32 $0xAC800, s11;
	s9 =	smax.u32 s13, $0x1;
	s11 =	simm.s32 $0x3  }
0xe: {  	s13 =	sor.u32 $0x1C03, s31;
	s20 =	sadd.s32 s20, s21;
	s21 =	simm.s32 $0x0  }
0xf: {  	s10 =	sadd.s32 s8, s5;
	s5 =	sadd.s32 s7, s8;
	s7 =	sadd.s32 $0x7A400, s12  }
0x10: {  	s8 =	sadd.s32 $0xFFFFFFFF, s14;
	s12 =	simm.s32 $0x2E80;
	s14 =	sshrl.u32 s15, $0x3  }
0x11: {  	s15 =	simm.s32 $0x60;
	s6 =	sadd.s32 $0xA2400, s10;
	s10 =	sadd.s32 $0xFFFFFFFF, s30  }
.LBB2_1:
0x12: {  	[tilespmem:s3], [sflag:$0x3] =	stream.linear.gather [hbm4b:s5+s3], $0x2E80, $0x38;
	[tilespmem:$0x1FD00] =	vst v63  }
0x13: {  	_ =	swait.ge [sflag:s11], $0x2E80  }
0x14: {  	[sflag:s11] =	ssyncset.done $0x0  }
0x15: {  	[sflag:s11] =	ssyncadd.s32 $0xFFFFD180  }
0x16: {  	[tilespmem:s12], [sflag:$0x3] =	stream.linear.gather [hbm4b:s6+s3], $0x2E80, $0x38;
	[tilespmem:$0x1FD00] =	vst v63  }
0x17: {  	_ =	swait.ge [sflag:s11], $0x2E80  }
0x18: {  	[sflag:s11] =	ssyncset.done $0x0  }
0x19: {  	p1 =	sne.s32 s10, $0x1;
	[sflag:s11] =	ssyncadd.s32 $0xFFFFD180  }
0x1a: {  	[spmem:s14], [sflag:s13] =	dma.local [hbm:s7], $0x2800  }
.Ltmp0:
0x1b: {  	_ =	swait.ge [sflag:s11], $0x2800;
	(pc) =	sbr.rel @!p1 .LBB2_2-.Ltmp0, $4  }
0x1c: {  	[sflag:s11] =	ssyncset.done $0x0  }
0x1d: {  	s22 =	simm.s32 $0x2EE0;
	s23 =	sadd.s32 $0xFFFFFFFF, s10;
	[sflag:s11] =	ssyncadd.s32 $0xFFFFD800  }
0x1e: {  	s26 =	simm.s32 $0x1;
	p0 =	por $0x0, $0x0;
	[bflag:$0x0] =	sbarrier.arrive $0xFFFF  }
0x1f: {  	[tilespmem:s16], [sflag:$0x1] =	stream.indirect.gather [hbm4b:s4+s15], $0x80, s3, s15, $0xb8;
	[tilespmem:$0x1FD00] =	vst v63  }
0x20: {  	p0 =	sgt.s32 s8, $0x1;
	s24 =	smov.u32 s8  }
0x21: {  	s24 =	smov.u32 @p0 s26  }
0x22: {  	_ =	swait.ge [sflag:s17], $0x3000;
	s24 =	smul.u32 $0x180, s24  }
0x23: {  	[sflag:s17] =	ssyncset.done $0x0  }
0x24: {  	[sflag:s17] =	ssyncadd.s32 $0xFFFFD000;
	s24 =	sshra.s32 s24, $0x2  }
0x25: {  	[tilespmem:s18], [sflag:$0x2] =	stream.indirect.gather [hbm4b:s4+s15], $0x80, s24, s15, $0xb8;
	[tilespmem:$0x1FD00] =	vst v63  }
0x26: {  	s31 =	simm.s32 $0x2E80  }
0x27: {  	[spmem:s2] =	stream.indirect.scatter.add.f32 [tilespmem:s16], [sflag:$0x3], $0x80, s31, s15, $0xb8;
	[tilespmem:$0x1FD00] =	vst v63  }
0x28: {  	_ =	swait.ge [sflag:s11], $0x3000  }
0x29: {  	p0 =	sgt.s32 s8, $0x2;
	s24 =	smov.u32 s8;
	[sflag:s11] =	ssyncset.done $0x0  }
0x2a: {  	s24 =	smov.u32 @p0 s19;
	[sflag:s11] =	ssyncadd.s32 $0xFFFFD000  }
0x2b: {  	s24 =	smul.u32 $0x180, s24;
	_ =	swait.ge [sflag:s19], $0x3000  }
0x2c: {  	[sflag:s19] =	ssyncset.done $0x0  }
0x2d: {  	p1 =	sne.s32 s23, $0x1;
	s24 =	sshra.s32 s24, $0x2;
	[sflag:s19] =	ssyncadd.s32 $0xFFFFD000  }
0x2e: {  	[tilespmem:s16], [sflag:$0x1] =	stream.indirect.gather [hbm4b:s4+s15], $0x80, s24, s15, $0xb8;
	[tilespmem:$0x1FD00] =	vst v63  }
.Ltmp1:
0x2f: {  	_ = 	snop;
	(pc) =	sbr.rel @!p1 .LBB2_4-.Ltmp1, $4  }
0x30: {  	s25 =	sadd.s32 $0xFFFFFFFF, s23  }
0x31: {  	[spmem:s2] =	stream.indirect.scatter.add.f32 [tilespmem:s18], [sflag:$0x3], $0x80, s22, s15, $0xb8;
	[tilespmem:$0x1FD00] =	vst v63  }
0x32: {  	s23 =	simm.s32 $0x4;
	s26 =	simm.s32 $0x3;
	_ =	swait.ge [sflag:s11], $0x3000  }
0x33: {  	p0 =	por $0x1, $0x1;
	s24 =	simm.s32 $0x2EE0;
	[sflag:s11] =	ssyncset.done $0x0  }
.LBB2_5:
0x34: {  	p2 =	slt.s32 s26, s8  }
0x35: {  	[sflag:s11] =	ssyncadd.s32 $0xFFFFD000;
	s24 =	sadd.s32 $0xC0, s24;
	s28 =	smov.u32 s8  }
0x36: {  	p1 =	sne.s32 s25, $0x1;
	s25 =	sadd.s32 $0xFFFFFFFF, s25;
	s28 =	smov.u32 @p2 s26  }
0x37: {  	_ =	swait.ge [sflag:s17], $0x3000;
	s26 =	smul.u32 $0x180, s28  }
0x38: {  	[sflag:s17] =	ssyncset.done $0x0  }
0x39: {  	[sflag:s17] =	ssyncadd.s32 $0xFFFFD000;
	s26 =	sshra.s32 s26, $0x2  }
0x3a: {  	[tilespmem:s18], [sflag:$0x2] =	stream.indirect.gather [hbm4b:s4+s15], $0x80, s26, s15, $0xb8;
	[tilespmem:$0x1FD00] =	vst v63  }
0x3b: {  	s26 =	sadd.s32 $0xFFFFFFA0, s24  }
0x3c: {  	[spmem:s2] =	stream.indirect.scatter.add.f32 [tilespmem:s16], [sflag:$0x3], $0x80, s26, s15, $0xb8;
	[tilespmem:$0x1FD00] =	vst v63  }
0x3d: {  	_ =	swait.ge [sflag:s11], $0x3000  }
0x3e: {  	p2 =	slt.s32 s23, s8;
	s26 =	smov.u32 s8;
	[sflag:s11] =	ssyncset.done $0x0  }
0x3f: {  	s26 =	smov.u32 @p2 s23;
	[sflag:s11] =	ssyncadd.s32 $0xFFFFD000  }
0x40: {  	s26 =	smul.u32 $0x180, s26;
	_ =	swait.ge [sflag:s19], $0x3000  }
0x41: {  	[sflag:s19] =	ssyncset.done $0x0  }
0x42: {  	s26 =	sshra.s32 s26, $0x2;
	[sflag:s19] =	ssyncadd.s32 $0xFFFFD000  }
0x43: {  	[tilespmem:s16], [sflag:$0x1] =	stream.indirect.gather [hbm4b:s4+s15], $0x80, s26, s15, $0xb8;
	[tilespmem:$0x1FD00] =	vst v63  }
.Ltmp2:
0x44: {  	_ = 	snop;
	(pc) =	sbr.rel @p1 .LBB2_5-.Ltmp2, $4  }
0x45: {  	_ = 	snop  }
0x46: {  	[spmem:s2] =	stream.indirect.scatter.add.f32 [tilespmem:s18], [sflag:$0x3], $0x80, s24, s15, $0xb8;
	[tilespmem:$0x1FD00] =	vst v63  }
0x47: {  	s23 =	sadd.s32 $0x2, s23;
	_ =	swait.ge [sflag:s11], $0x3000  }
0x48: {  	s26 =	sadd.s32 $0xFFFFFFFF, s23;
	[sflag:s11] =	ssyncset.done $0x0  }
.LBB2_6:
0x49: {  	p1 =	slt.s32 s26, s8;
	s25 =	smov.u32 s8  }
0x4a: {  	[sflag:s11] =	ssyncadd.s32 @p0 $0xFFFFD000;
	s25 =	smov.u32 @p1 s26  }
0x4b: {  	_ =	swait.ge [sflag:s17], $0x3000;
	s25 =	smul.u32 $0x180, s25  }
0x4c: {  	s24 =	sadd.s32 @p0 $0xC0, s24;
	[sflag:s17] =	ssyncset.done $0x0  }
0x4d: {  	s22 =	smov.u32 @p0 s24;
	[sflag:s17] =	ssyncadd.s32 $0xFFFFD000;
	s25 =	sshra.s32 s25, $0x2  }
0x4e: {  	[tilespmem:s18], [sflag:$0x2] =	stream.indirect.gather [hbm4b:s4+s15], $0x80, s25, s15, $0xb8;
	[tilespmem:$0x1FD00] =	vst v63  }
0x4f: {  	s24 =	sadd.s32 $0xFFFFFFA0, s22  }
0x50: {  	[spmem:s2] =	stream.indirect.scatter.add.f32 [tilespmem:s16], [sflag:$0x3], $0x80, s24, s15, $0xb8;
	[tilespmem:$0x1FD00] =	vst v63  }
0x51: {  	_ =	swait.ge [sflag:s11], $0x3000  }
0x52: {  	p0 =	slt.s32 s23, s8;
	s24 =	smov.u32 s8;
	[sflag:s11] =	ssyncset.done $0x0  }
0x53: {  	s24 =	smov.u32 @p0 s23;
	[sflag:s11] =	ssyncadd.s32 $0xFFFFD000  }
0x54: {  	s24 =	smul.u32 $0x180, s24;
	_ =	swait.ge [sflag:s19], $0x3000  }
0x55: {  	[sflag:s19] =	ssyncset.done $0x0  }
0x56: {  	s24 =	sshra.s32 s24, $0x2;
	[sflag:s19] =	ssyncadd.s32 $0xFFFFD000  }
0x57: {  	[tilespmem:s16], [sflag:$0x1] =	stream.indirect.gather [hbm4b:s4+s15], $0x80, s24, s15, $0xb8;
	[tilespmem:$0x1FD00] =	vst v63  }
0x58: {  	s23 =	sadd.s32 $0x2, s23  }
0x59: {  	[spmem:s2] =	stream.indirect.scatter.add.f32 [tilespmem:s18], [sflag:$0x3], $0x80, s22, s15, $0xb8;
	[tilespmem:$0x1FD00] =	vst v63  }
0x5a: {  	s24 =	sadd.s32 $0xFFFFFFFF, s23;
	_ =	swait.ge [sflag:s11], $0x3000  }
0x5b: {  	s25 =	smov.u32 s8;
	p0 =	slt.s32 s24, s8;
	[sflag:s11] =	ssyncset.done $0x0  }
0x5c: {  	s25 =	smov.u32 @p0 s24;
	[sflag:s11] =	ssyncadd.s32 $0xFFFFD000  }
0x5d: {  	s24 =	smul.u32 $0x180, s25;
	_ =	swait.ge [sflag:s17], $0x3000  }
0x5e: {  	[sflag:s17] =	ssyncset.done $0x0  }
0x5f: {  	s24 =	sshra.s32 s24, $0x2;
	[sflag:s17] =	ssyncadd.s32 $0xFFFFD000  }
0x60: {  	[tilespmem:s18], [sflag:$0x2] =	stream.indirect.gather [hbm4b:s4+s15], $0x80, s24, s15, $0xb8;
	[tilespmem:$0x1FD00] =	vst v63  }
0x61: {  	s31 =	sadd.s32 $0x60, s22  }
0x62: {  	[spmem:s2] =	stream.indirect.scatter.add.f32 [tilespmem:s16], [sflag:$0x3], $0x80, s31, s15, $0xb8;
	[tilespmem:$0x1FD00] =	vst v63  }
0x63: {  	_ =	swait.ge [sflag:s11], $0x3000  }
0x64: {  	p0 =	slt.s32 s23, s8;
	s24 =	smov.u32 s8;
	[sflag:s11] =	ssyncset.done $0x0  }
0x65: {  	s24 =	smov.u32 @p0 s23;
	[sflag:s11] =	ssyncadd.s32 $0xFFFFD000  }
0x66: {  	s23 =	smul.u32 $0x180, s24;
	_ =	swait.ge [sflag:s19], $0x3000  }
0x67: {  	[sflag:s19] =	ssyncset.done $0x0  }
0x68: {  	s23 =	sshra.s32 s23, $0x2;
	[sflag:s19] =	ssyncadd.s32 $0xFFFFD000  }
0x69: {  	[tilespmem:s16], [sflag:$0x1] =	stream.indirect.gather [hbm4b:s4+s15], $0x80, s23, s15, $0xb8;
	[tilespmem:$0x1FD00] =	vst v63  }
0x6a: {  	s22 =	sadd.s32 $0xC0, s22  }
0x6b: {  	[spmem:s2] =	stream.indirect.scatter.add.f32 [tilespmem:s18], [sflag:$0x3], $0x80, s22, s15, $0xb8;
	[tilespmem:$0x1FD00] =	vst v63  }
0x6c: {  	_ =	swait.ge [sflag:s11], $0x3000  }
0x6d: {  	[sflag:s11] =	ssyncset.done $0x0  }
0x6e: {  	[sflag:s11] =	ssyncadd.s32 $0xFFFFD000  }
0x6f: {  	_ =	swait.ge [sflag:s17], $0x3000  }
0x70: {  	[sflag:s17] =	ssyncset.done $0x0  }
0x71: {  	s21 =	sadd.s32 $0x1, s21;
	[sflag:s17] =	ssyncadd.s32 $0xFFFFD000  }
0x72: {  	p0 =	sne.s32 s21, s9;
	[bflag:$0x0] =	sbarrier.arrive $0xFFFF  }
0x73: {  	[hbm:s20], [sflag:s13] =	dma.local [spmem:s14], $0x2800  }
.Ltmp3:
0x74: {  	_ = 	snop;
	(pc) =	sbr.rel @p0 .LBB2_1-.Ltmp3, $4  }
.Ltmp4:
0x75: {  	_ = 	snop;
	(pc) =	sbr.rel @!p0 .LBB2_7-.Ltmp4, $4  }
0x76: {  	_ =	swait.ge [sflag:s11], $0x2800  }
0x77: {  	[sflag:s11] =	ssyncset.done $0x0  }
0x78: {  	[sflag:s11] =	ssyncadd.s32 $0xFFFFD800  }
0x79: {  	_ = 	snop  }
.LBB2_2:
.Ltmp5:
0x7a: {  	(pc) =	sbr.rel .LBB2_6-.Ltmp5, $2  }
0x7b: {  	_ =	sdelay $0x2  }
0x7c: {  	s24 =	simm.s32 $0x2EE0;
	s23 =	simm.s32 $0x2  }
.LBB2_4:
.Ltmp6:
0x7d: {  	(pc) =	sbr.rel .LBB2_6-.Ltmp6, $2  }
0x7e: {  	_ =	sdelay $0x2  }
0x7f: {  	s24 =	simm.s32 $0x2EE0  }
.LBB2_7:
0x80: {  	_ =	sfence.sel $0x180000  }
0x81: {  	[bflag:$0x0] =	sbarrier.arrive $0xFFFF  }
0x82: {  	p0 =	sne.s32 s0, $0x0;
	_ =	strace $0x9000004A  }
0x83: {  	s0 =	sadd.s32 @!p0 $0x100000, s1;
	[bflag:$0x2] =	sbarrier.arrive $0xFFFF  }
0x84: {  	[sflag:s0] =	ssyncadd.tile.s32 @!p0 $0x1;
	_ =	shalt  }
.Lfunc_end2:
_tile_overlayer_lowered:
.L_overlay_start_2:
0x85: {  	(tag) =	ssettag $0x2  }
0x86: {  	s0 =	rddreg [dreg:$0x0];
	s2 =	stileid.u32  }
0x87: {  	s1 =	rddreg [dreg:$0x1];
	p0 =	sne.s32 s2, $0x0  }
0x88: {  	s3 =	rddreg [dreg:$0x2];
	[bflag:$0x3] =	sbarrier.arrive $0xFFFF;
	s2 =	simm.s32 @!p0 $0x1C03  }
0x89: {  	[timem:s3], [sflag:s2] =	dma.local @!p0 [hbm:s0], s1  }
0x8a: {  	s0 =	simm.s32 @!p0 $0x3  }
0x8b: {  	_ =	swait.ge @!p0 [sflag:s0], s1  }
0x8c: {  	s1 =	ssub.s32 @!p0 $0x0, s1;
	[sflag:s0] =	ssyncset.done @!p0 $0x0  }
0x8d: {  	[sflag:s0] =	ssyncadd.s32 @!p0 s1  }
0x8e: {  	[bflag:$0x3] =	sbarrier.arrive $0xFFFF  }
0x8f: {  	_ =	shalt  }

// kernel: kernel.16.cloned.1.call-start
scs
__scs_entry_jumppad:
0x0: {  	(pc) =	sbr.rel $0x88, $3  }
0x1: {  	(tag) =	ssettag $0x0;
	lr =	simm.s32 $0x1  }
0x2: {  	[smem:$0x3F99] =	sst lr;
	_ =	strace $0xD0000000  }
0x3: {  	_ = 	snop  }
0x4: {  	_ = 	snop  }
0x5: {  	_ = 	snop  }
0x6: {  	_ = 	snop  }
0x7: {  	_ = 	snop  }
__scs_overlays_trampoline_lowered:
0x8: {  	[smem:$0x3FA8] =	sst s0  }
0x9: {  	[smem:$0x3FA9] =	sst s1  }
0xa: {  	[smem:$0x3FAA] =	sst s2  }
0xb: {  	[smem:$0x3FAB] =	sst s3  }
0xc: {  	[smem:$0x3FAC] =	sst s4  }
0xd: {  	[smem:$0x3FAD] =	sst s5  }
0xe: {  	[smem:$0x3FAE] =	sst s6  }
0xf: {  	[smem:$0x3FAF] =	sst s7  }
0x10: {  	[smem:$0x3FB0] =	sst s8  }
0x11: {  	[smem:$0x3FB1] =	sst s9;
	s0 =	simm.s32 @!p0 $0x0  }
0x12: {  	s1 =	sld [smem:$0x3F97];
	s0 =	simm.s32 @p0 $0x1  }
0x13: {  	[smem:$0x3FB2] =	sst s0;
	s0 =	simm.s32 @!p1 $0x0  }
0x14: {  	s2 =	sld [smem:$0x3F96];
	s0 =	simm.s32 @p1 $0x1  }
0x15: {  	[smem:$0x3FB3] =	sst s0;
	s0 =	simm.s32 @!p2 $0x0  }
0x16: {  	s3 =	sld [smem:$0x3FDB];
	s0 =	simm.s32 @p2 $0x1  }
0x17: {  	s4 =	simm.s32 $0x1BF5;
	[smem:$0x3FB5] =	sst s0  }
0x18: {  	s0 =	sld [smem:$0x3F98];
	_ =	swait.ge [sflag:s4], $0x0  }
0x19: {  	s7 =	sld [smem:$0x3F99]  }
0x1a: {  	s8 =	sadd.s32 $0xFFFFE003, lr  }
0x1b: {  	s9 =	sadd.s32 $0xFFFFFEF7, lr;
	s5 =	simm.s32 $0xFFFFFFFF;
	p2 =	slt.u32 s8, $0xFFFFF086  }
0x1c: {  	p1 =	slt.u32 s9, $0xF7A;
	s5 =	simm.s32 @!p2 $0x0  }
0x1d: {  	s5 =	simm.s32 @p1 $0x1;
	p0 =	seq.s32 s7, s2  }
0x1e: {  	s7 =	smul.u32 @!p0 $0xF7A, s2;
	p2 =	seq.s32 @!p0 s5, $0x0  }
0x1f: {  	s9 =	smul.u32 $0xF7A, s1;
	s8 =	simm.s32 @!p0 $0x1BF5;
	p2 =	por !p2, p0  }
0x20: {  	[sflag:s8] =	ssyncset.s32 @!p0 $0xFFFFF086;
	s6 =	sadd.s32 @!p0 s3, s7;
	s7 =	simm.s32 @!p0 $0x108  }
0x21: {  	s3 =	sadd.s32 s3, s9;
	s6 =	sadd.s32 @!p0 $0x88, s6;
	s7 =	simm.s32 @p2 $0x1082  }
0x22: {  	[simem:s7], [sflag:s8] =	dma.local @!p0 [hbm:s6], $0xF7A  }
0x23: {  	s9 =	sor.u32 $0xD0000000, s2;
	s6 =	simm.s32 $0x108;
	_ =	swait.ge @!p0 [sflag:s8], $0x0  }
0x24: {  	s3 =	sadd.s32 $0x88, s3;
	s6 =	simm.s32 @!p1 $0x1082;
	[sflag:s4] =	ssyncset.s32 $0xFFFFF086  }
0x25: {  	[simem:s6], [sflag:s4] =	dma.local [hbm:s3], $0xF7A  }
0x26: {  	[smem:$0x3F99] =	sst s1;
	(tag) =	ssettag s2;
	_ =	strace s9  }
0x27: {  	s1 =	sld [smem:$0x3FA9]  }
0x28: {  	s2 =	sld [smem:$0x3FAA]  }
0x29: {  	s4 =	sld [smem:$0x3FAC]  }
0x2a: {  	p0 =	seq.s32 s5, $0x0;
	s5 =	sld [smem:$0x3FAD]  }
0x2b: {  	s6 =	sld [smem:$0x3FAE]  }
0x2c: {  	s7 =	sld [smem:$0x3FAF]  }
0x2d: {  	s3 =	simm.s32 $0x108;
	s8 =	sld [smem:$0x3FB0]  }
0x2e: {  	s3 =	simm.s32 @!p0 $0x1082;
	s9 =	sld [smem:$0x3FB1]  }
0x2f: {  	lr =	sadd.s32 s0, s3;
	s0 =	sld [smem:$0x3FA8]  }
0x30: {  	s3 =	sld [smem:$0x3FAB]  }
0x31: {  	[smem:$0x3FB4] =	sst s10  }
0x32: {  	s10 =	sld [smem:$0x3FB2];
	_ =	sdelay $0x3  }
0x33: {  	p0 =	seq.s32 s10, $0x1;
	s10 =	sld [smem:$0x3FB4];
	_ =	sdelay $0x3  }
0x34: {  	[smem:$0x3FB4] =	sst s10  }
0x35: {  	s10 =	sld [smem:$0x3FB3];
	_ =	sdelay $0x3  }
0x36: {  	p1 =	seq.s32 s10, $0x1;
	s10 =	sld [smem:$0x3FB4];
	_ =	sdelay $0x3  }
0x37: {  	[smem:$0x3FB4] =	sst s10  }
0x38: {  	s10 =	sld [smem:$0x3FB5]  }
0x39: {  	_ = 	snop;
	(pc) =	sbr.ind lr, $3  }
0x3a: {  	_ = 	snop  }
0x3b: {  	_ = 	snop  }
0x3c: {  	p2 =	seq.s32 s10, $0x1;
	s10 =	sld [smem:$0x3FB4]  }
0x3d: {  	_ =	shalt  }
0x3e: {  	_ =	shalt  }
0x3f: {  	_ =	shalt  }
0x40: {  	_ =	shalt  }
0x41: {  	_ =	shalt  }
0x42: {  	_ =	shalt  }
0x43: {  	_ =	shalt  }
0x44: {  	_ =	shalt  }
0x45: {  	_ =	shalt  }
0x46: {  	_ =	shalt  }
0x47: {  	_ =	shalt  }
0x48: {  	_ =	shalt  }
0x49: {  	_ =	shalt  }
0x4a: {  	_ =	shalt  }
0x4b: {  	_ =	shalt  }
0x4c: {  	_ =	shalt  }
0x4d: {  	_ =	shalt  }
0x4e: {  	_ =	shalt  }
0x4f: {  	_ =	shalt  }
0x50: {  	_ =	shalt  }
0x51: {  	_ =	shalt  }
0x52: {  	_ =	shalt  }
0x53: {  	_ =	shalt  }
0x54: {  	_ =	shalt  }
0x55: {  	_ =	shalt  }
0x56: {  	_ =	shalt  }
0x57: {  	_ =	shalt  }
0x58: {  	_ =	shalt  }
0x59: {  	_ =	shalt  }
0x5a: {  	_ =	shalt  }
0x5b: {  	_ =	shalt  }
0x5c: {  	_ =	shalt  }
0x5d: {  	_ =	shalt  }
0x5e: {  	_ =	shalt  }
0x5f: {  	_ =	shalt  }
0x60: {  	_ =	shalt  }
0x61: {  	_ =	shalt  }
0x62: {  	_ =	shalt  }
0x63: {  	_ =	shalt  }
0x64: {  	_ =	shalt  }
0x65: {  	_ =	shalt  }
0x66: {  	_ =	shalt  }
0x67: {  	_ =	shalt  }
0x68: {  	_ =	shalt  }
0x69: {  	_ =	shalt  }
0x6a: {  	_ =	shalt  }
0x6b: {  	_ =	shalt  }
0x6c: {  	_ =	shalt  }
0x6d: {  	_ =	shalt  }
0x6e: {  	_ =	shalt  }
0x6f: {  	_ =	shalt  }
0x70: {  	_ =	shalt  }
0x71: {  	_ =	shalt  }
0x72: {  	_ =	shalt  }
0x73: {  	_ =	shalt  }
0x74: {  	_ =	shalt  }
0x75: {  	_ =	shalt  }
0x76: {  	_ =	shalt  }
0x77: {  	_ =	shalt  }
0x78: {  	_ =	shalt  }
0x79: {  	_ =	shalt  }
0x7a: {  	_ =	shalt  }
0x7b: {  	_ =	shalt  }
0x7c: {  	_ =	shalt  }
0x7d: {  	_ =	shalt  }
0x7e: {  	_ =	shalt  }
0x7f: {  	_ =	shalt  }
0x80: {  	_ =	shalt  }
0x81: {  	_ =	shalt  }
0x82: {  	_ =	shalt  }
0x83: {  	_ =	shalt  }
0x84: {  	_ =	shalt  }
0x85: {  	_ =	shalt  }
0x86: {  	_ =	shalt  }
0x87: {  	_ =	shalt  }
.Lfunc_end0:
.L_simem_size_0:
called_computation.2_lowered:
.L_overlay_start_0:
0x88: {  	s2 =	sld [smem:$0x3FD9]  }
0x89: {  	s3 =	sld [smem:$0x3FFE];
	_ =	sdelay $0x1  }
0x8a: {  	s1 =	srdreg.scid  }
0x8b: {  	s0 =	sand.u32 $0x1, s1  }
0x8c: {  	s17 =	sshll.u32 s0, $0xA;
	s2 =	sadd.s32 s3, s2  }
0x8d: {  	s2 =	sadd.s32 s2, s17  }
0x8e: {  	[smem:$0x3FC0] =	sst s2  }
0x8f: {  	_ = 	snop  }
0x90: {  	s2 =	sld [smem:$0x3FD0];
	(tm) =	ssettm $0x1  }
0x91: {  	s18 =	sld [smem:$0x3FFB];
	_ =	sdelay $0x3  }
0x92: {  	_ =	strace s18  }
0x93: {  	s3 =	sld [smem:$0x3FFC];
	_ =	sdelay $0x3  }
0x94: {  	_ =	strace s3  }
0x95: {  	s3 =	sld [smem:$0x3FFD];
	_ =	sdelay $0x3  }
0x96: {  	_ =	strace s3  }
0x97: {  	_ =	strace $0x8FFFFFFF  }
0x98: {  	s19 =	sld [smem:$0x3FDB];
	_ =	sdelay $0x1  }
0x99: {  	s4 =	simm.s32 $_scs_section_size  }
0x9a: {  	s5 =	simm.s32 $_size__tile_overlayer_lowered;
	s6 =	simm.s32 $_tile_overlayer_lowered  }
0x9b: {  	s22 =	simm.s32 $0x1BFF;
	s21 =	sshll.u32 s6, $0x1;
	s3 =	sadd.s32 s4, s19  }
0x9c: {  	s7 =	simm.s32 $0x0;
	s20 =	sshll.u32 s5, $0x1;
	s5 =	sadd.s32 s21, s3  }
0x9d: {  	[timem:s7], [sflag:s22] =	dma.local [hbm:s5], s20  }
0x9e: {  	_ =	swait.ge [sflag:s22], s20  }
0x9f: {  	s4 =	ssub.s32 $0x0, s20;
	[sflag:s22] =	ssyncset.done $0x0  }
0xa0: {  	[sflag:s22] =	ssyncadd.s32 s4;
	_ =	sdelay $0x1  }
0xa1: {  	s23 =	simm.s32 $0x1B8B  }
0xa2: {  	_ =	swait.ge [sflag:s23], $0x1  }
0xa3: {  	[sflag:s23] =	ssyncset.done $0x0  }
0xa4: {  	s25 =	simm.s32 $0x1B8E;
	s24 =	sld [smem:$0x3FFE];
	[sflag:s23] =	ssyncadd.s32 $0xFFFFFFFF  }
0xa5: {  	s26 =	simm.s32 $execute0_lowered;
	[smem:$0x3FD2] =	sst s25  }
0xa6: {  	s5 =	sshll.u32 s26, $0x1;
	_ =	strace $0x8000004C;
	[dreg:$0x1] =	wrdreg $0xFFFFFFFF  }
0xa7: {  	s28 =	simm.s32 $_size_execute0_lowered;
	s3 =	sadd.s32 s3, s5;
	[dreg:$0x0] =	wrdreg $0x0  }
0xa8: {  	s5 =	sshll.u32 s28, $0x1;
	[dreg:$0x2] =	wrdreg s3  }
0xa9: {  	[dreg:$0x3] =	wrdreg s5  }
0xaa: {  	[dreg:$0x4] =	wrdreg $0xC0  }
0xab: {  	_ =	task [dreg:s7], $0x5FFFF  }
0xac: {  	[dreg:$0x1] =	wrdreg $0xFFFFFFFF  }
0xad: {  	[dreg:$0x0] =	wrdreg $0x60  }
0xae: {  	[dreg:$0x2] =	wrdreg s24  }
0xaf: {  	[dreg:$0x3] =	wrdreg s2  }
0xb0: {  	[dreg:$0x4] =	wrdreg $0xBD000  }
0xb1: {  	[dreg:$0x5] =	wrdreg $0x9  }
0xb2: {  	_ =	task.clear_ibuf [dreg:s7], $0x6FFFF;
	_ =	strace $0x9000004C  }
0xb3: {  	s29 =	simm.s32 $0x9;
	_ =	strace $0x8000004E  }
0xb4: {  	_ =	swait.ge [sflag:s29], $0x1  }
0xb5: {  	[sflag:s29] =	ssyncadd.s32 $0xFFFFFFFF  }
0xb6: {  	_ =	strace $0x9000004E  }
0xb7: {  	_ =	sfence  }
0xb8: {  	s30 =	sld [smem:$0x0];
	_ =	sdelay $0x2  }
0xb9: {  	s31 =	sshll.u32 s1, $0xD;
	s1 =	sshrl.u32 s1, $0x2  }
0xba: {  	s3 =	sand.u32 $0x4000, s31;
	s1 =	sadd.s32 s1, s30  }
0xbb: {  	s0 =	sor.u32 s3, s0;
	s1 =	sshll.u32 s1, $0x11  }
0xbc: {  	s0 =	sor.u32 s1, s0  }
0xbd: {  	s0 =	sadd.s32 $0x8F2B, s0  }
0xbe: {  	[sflag:s0] =	ssyncadd.remote.s32 $0x1  }
0xbf: {  	_ =	sfence.sel $0xFFFF  }
0xc0: {  	[dreg:$0x0] =	wrdreg $0xFFFFFFFF;
	(pc) =	sbr.abs _section_cstart, $3  }
0xc1: {  	[dreg:$0x1] =	wrdreg $0xFFFFFFFF  }
0xc2: {  	_ =	task.clear_ibuf [dreg:s7], $0x2FFFF;
	_ =	strace $0x9FFFFFFF  }
0xc3: {  	(tm) =	ssettm $0x7FFFFFFF  }
tec
execute0_lowered:
.L_overlay_start_1:
0x0: {  	(tag) =	ssettag $0x1  }
0x1: {  	s0 =	stileid.u32;
	s5 =	rddreg [dreg:$0x0]  }
0x2: {  	s1 =	srdreg.scid;
	s7 =	rddreg [dreg:$0x1];
	s3 =	simm.s32 $0x0  }
0x3: {  	s12 =	simm.s32 $0x7C;
	s16 =	simm.s32 $0x7500;
	s17 =	simm.s32 $0xC0  }
0x4: {  	s18 =	simm.s32 $0x8D00;
	s19 =	simm.s32 $0x1;
	s20 =	simm.s32 $0xA500  }
0x5: {  	s21 =	simm.s32 $0x2;
	s22 =	simm.s32 $0x3;
	s2 =	smul.u32 $0x5C, s0  }
0x6: {  	s23 =	simm.s32 $0x4;
	s6 =	sand.u32 $0x1, s1;
	s1 =	smul.u32 $0x7C, s0  }
0x7: {  	[smem:$0x7FF] =	sst s3;
	s9 =	smul.u32 $0xA000, s0;
	s31 =	sshll.u32 s0, $0x6  }
0x8: {  	p0 =	seq.s32 s6, $0x0;
	s11 =	smul.u32 $0x14000, s6;
	s6 =	ssub.s32 $0x2, s6  }
0x9: {  	s4 =	sadd.s32 $0x7C0, s2;
	s2 =	rddreg [dreg:$0x2];
	s24 =	sshrl.u32 s9, $0x3  }
0xa: {  	s14 =	sshrl.u32 s6, $0x1;
	s12 =	simm.s32 @!p0 $0x5C;
	s4 =	smov.u32 @p0 s1  }
0xb: {  	s1 =	rddreg [dreg:$0x3];
	_ =	strace $0x8000004D;
	s13 =	sadd.s32 s24, s5  }
0xc: {  	s11 =	sadd.s32 s11, s5;
	s14 =	ssub.s32 s6, s14;
	s15 =	sshrl.u32 s12, $0x2  }
0xd: {  	s30 =	sadd.s32 s9, s2;
	s8 =	smul.u32 $0xC, s4;
	s4 =	sadd.s32 $0x52400, s5  }
0xe: {  	s29 =	smul.u32 $0x600, s15;
	s25 =	sadd.s32 $0x84800, s11;
	s9 =	smax.u32 s14, $0x1  }
0xf: {  	s11 =	simm.s32 $0x2E80;
	s14 =	simm.s32 $0x60;
	s15 =	simm.s32 $0x5D00  }
0x10: {  	s24 =	sadd.s32 s24, s25;
	s25 =	simm.s32 $0x0;
	s10 =	sadd.s32 s8, s5  }
0x11: {  	s5 =	sadd.s32 s7, s8;
	s7 =	sadd.s32 $0x66400, s13;
	s8 =	sadd.s32 $0xFFFFFFFF, s12  }
0x12: {  	s12 =	sor.u32 $0x1C05, s31;
	s6 =	sadd.s32 $0x7A400, s10;
	s10 =	sadd.s32 $0xFFFFFA00, s29  }
0x13: {  	s13 =	sshrl.u32 s30, $0x3;
	[dreg:$0x4] =	wrdreg s10;
	s10 =	simm.s32 $0x5  }
.LBB2_1:
0x14: {  	[tilespmem:s3], [sflag:$0x5] =	stream.linear.gather [hbm4b:s5+s3], $0x2E80, $0x38;
	[tilespmem:$0x15D00] =	vst v63  }
0x15: {  	_ =	swait.ge [sflag:s10], $0x2E80  }
0x16: {  	[sflag:s10] =	ssyncset.done $0x0  }
0x17: {  	[sflag:s10] =	ssyncadd.s32 $0xFFFFD180  }
0x18: {  	[tilespmem:s11], [sflag:$0x5] =	stream.linear.gather [hbm4b:s6+s3], $0x2E80, $0x38;
	[tilespmem:$0x15D00] =	vst v63  }
0x19: {  	_ =	swait.ge [sflag:s10], $0x2E80  }
0x1a: {  	[sflag:s10] =	ssyncset.done $0x0  }
0x1b: {  	[sflag:s10] =	ssyncadd.s32 $0xFFFFD180  }
0x1c: {  	[spmem:s13], [sflag:s12] =	dma.local [hbm:s7], $0x1400  }
0x1d: {  	_ =	swait.ge [sflag:s10], $0x1400  }
0x1e: {  	[sflag:s10] =	ssyncset.done $0x0  }
0x1f: {  	[sflag:s10] =	ssyncadd.s32 $0xFFFFEC00  }
0x20: {  	[bflag:$0x0] =	sbarrier.arrive $0xFFFF  }
0x21: {  	[tilespmem:s15], [sflag:$0x1] =	stream.indirect.gather [hbm4b:s4+s14], $0x40, s3, s14, $0xb8;
	[tilespmem:$0x15D00] =	vst v63  }
0x22: {  	_ = 	snop  }
0x23: {  	[tilespmem:s16], [sflag:$0x2] =	stream.indirect.gather [hbm4b:s4+s14], $0x40, s14, s14, $0xb8;
	[tilespmem:$0x15D00] =	vst v63  }
0x24: {  	s26 =	simm.s32 $0x6;
	s28 =	simm.s32 $0x0  }
0x25: {  	[tilespmem:s18], [sflag:$0x3] =	stream.indirect.gather [hbm4b:s4+s14], $0x40, s17, s14, $0xb8;
	[tilespmem:$0x15D00] =	vst v63  }
.LBB2_2:
0x26: {  	s29 =	sadd.s32 $0xFFFFFFFD, s26  }
0x27: {  	s30 =	smov.u32 s8;
	p0 =	slt.s32 s29, s8  }
0x28: {  	s30 =	smov.u32 @p0 s29  }
0x29: {  	_ =	swait.ge [sflag:s19], $0x1800;
	s29 =	smul.u32 $0x180, s30  }
0x2a: {  	[sflag:s19] =	ssyncset.done $0x0  }
0x2b: {  	[sflag:s19] =	ssyncadd.s32 $0xFFFFE800;
	s29 =	sshra.s32 s29, $0x2  }
0x2c: {  	[tilespmem:s20], [sflag:$0x4] =	stream.indirect.gather [hbm4b:s4+s14], $0x40, s29, s14, $0xb8;
	[tilespmem:$0x15D00] =	vst v63  }
0x2d: {  	s29 =	sshra.s32 s28, $0x2  }
0x2e: {  	s31 =	sadd.s32 $0x2E80, s29  }
0x2f: {  	[spmem:s2] =	stream.indirect.scatter.add.f32 [tilespmem:s15], [sflag:$0x5], $0x40, s31, s14, $0xb8;
	[tilespmem:$0x15D00] =	vst v63  }
0x30: {  	s30 =	sadd.s32 $0xFFFFFFFE, s26;
	_ =	swait.ge [sflag:s10], $0x1800  }
0x31: {  	p0 =	slt.s32 s30, s8;
	s31 =	smov.u32 s8;
	[sflag:s10] =	ssyncset.done $0x0  }
0x32: {  	s31 =	smov.u32 @p0 s30;
	[sflag:s10] =	ssyncadd.s32 $0xFFFFE800  }
0x33: {  	s30 =	smul.u32 $0x180, s31;
	_ =	swait.ge [sflag:s21], $0x1800  }
0x34: {  	[sflag:s21] =	ssyncset.done $0x0  }
0x35: {  	s30 =	sshra.s32 s30, $0x2;
	[sflag:s21] =	ssyncadd.s32 $0xFFFFE800  }
0x36: {  	[tilespmem:s15], [sflag:$0x1] =	stream.indirect.gather [hbm4b:s4+s14], $0x40, s30, s14, $0xb8;
	[tilespmem:$0x15D00] =	vst v63  }
0x37: {  	s31 =	sadd.s32 $0x2EE0, s29  }
0x38: {  	[spmem:s2] =	stream.indirect.scatter.add.f32 [tilespmem:s16], [sflag:$0x5], $0x40, s31, s14, $0xb8;
	[tilespmem:$0x15D00] =	vst v63  }
0x39: {  	s30 =	sadd.s32 $0xFFFFFFFF, s26;
	_ =	swait.ge [sflag:s10], $0x1800  }
0x3a: {  	p0 =	slt.s32 s30, s8;
	s31 =	smov.u32 s8;
	[sflag:s10] =	ssyncset.done $0x0  }
0x3b: {  	s31 =	smov.u32 @p0 s30;
	[sflag:s10] =	ssyncadd.s32 $0xFFFFE800  }
0x3c: {  	s30 =	smul.u32 $0x180, s31;
	_ =	swait.ge [sflag:s22], $0x1800  }
0x3d: {  	[sflag:s22] =	ssyncset.done $0x0  }
0x3e: {  	s30 =	sshra.s32 s30, $0x2;
	[sflag:s22] =	ssyncadd.s32 $0xFFFFE800  }
0x3f: {  	[tilespmem:s16], [sflag:$0x2] =	stream.indirect.gather [hbm4b:s4+s14], $0x40, s30, s14, $0xb8;
	[tilespmem:$0x15D00] =	vst v63  }
0x40: {  	s31 =	sadd.s32 $0x2F40, s29  }
0x41: {  	[spmem:s2] =	stream.indirect.scatter.add.f32 [tilespmem:s18], [sflag:$0x5], $0x40, s31, s14, $0xb8;
	[tilespmem:$0x15D00] =	vst v63  }
0x42: {  	_ =	swait.ge [sflag:s10], $0x1800  }
0x43: {  	p0 =	slt.s32 s26, s8;
	s30 =	smov.u32 s8;
	[sflag:s10] =	ssyncset.done $0x0  }
0x44: {  	s30 =	smov.u32 @p0 s26;
	[sflag:s10] =	ssyncadd.s32 $0xFFFFE800  }
0x45: {  	s30 =	smul.u32 $0x180, s30;
	_ =	swait.ge [sflag:s23], $0x1800  }
0x46: {  	[sflag:s23] =	ssyncset.done $0x0  }
0x47: {  	s30 =	sshra.s32 s30, $0x2;
	[sflag:s23] =	ssyncadd.s32 $0xFFFFE800  }
0x48: {  	[tilespmem:s18], [sflag:$0x3] =	stream.indirect.gather [hbm4b:s4+s14], $0x40, s30, s14, $0xb8;
	[tilespmem:$0x15D00] =	vst v63  }
0x49: {  	s29 =	sadd.s32 $0x2FA0, s29  }
0x4a: {  	[spmem:s2] =	stream.indirect.scatter.add.f32 [tilespmem:s20], [sflag:$0x5], $0x40, s29, s14, $0xb8;
	[tilespmem:$0x15D00] =	vst v63  }
0x4b: {  	_ =	swait.ge [sflag:s10], $0x1800  }
0x4c: {  	s28 =	sadd.s32 $0x600, s28;
	s31 =	rddreg [dreg:$0x4]  }
0x4d: {  	p0 =	sne.s32 s31, s28  }
.Ltmp0:
0x4e: {  	_ = 	snop;
	(pc) =	sbr.rel @p0 .LBB2_2-.Ltmp0, $3  }
0x4f: {  	_ =	sdelay $0x1  }
0x50: {  	[sflag:s10] =	ssyncset.done $0x0  }
0x51: {  	s26 =	sadd.s32 $0x4, s26;
	[sflag:s10] =	ssyncadd.s32 $0xFFFFE800  }
0x52: {  	s29 =	sadd.s32 $0xFFFFFFFD, s26  }
0x53: {  	s30 =	smov.u32 s8;
	p0 =	slt.s32 s29, s8  }
0x54: {  	s30 =	smov.u32 @p0 s29  }
0x55: {  	_ =	swait.ge [sflag:s19], $0x1800;
	s29 =	smul.u32 $0x180, s30  }
0x56: {  	[sflag:s19] =	ssyncset.done $0x0  }
0x57: {  	s28 =	sshra.s32 s28, $0x2;
	[sflag:s19] =	ssyncadd.s32 $0xFFFFE800;
	s29 =	sshra.s32 s29, $0x2  }
0x58: {  	[tilespmem:s20], [sflag:$0x4] =	stream.indirect.gather [hbm4b:s4+s14], $0x40, s29, s14, $0xb8;
	[tilespmem:$0x15D00] =	vst v63  }
0x59: {  	s30 =	sadd.s32 $0x2E80, s28  }
0x5a: {  	[spmem:s2] =	stream.indirect.scatter.add.f32 [tilespmem:s15], [sflag:$0x5], $0x40, s30, s14, $0xb8;
	[tilespmem:$0x15D00] =	vst v63  }
0x5b: {  	s29 =	sadd.s32 $0xFFFFFFFE, s26;
	_ =	swait.ge [sflag:s10], $0x1800  }
0x5c: {  	p0 =	slt.s32 s29, s8;
	s30 =	smov.u32 s8;
	[sflag:s10] =	ssyncset.done $0x0  }
0x5d: {  	s30 =	smov.u32 @p0 s29;
	[sflag:s10] =	ssyncadd.s32 $0xFFFFE800  }
0x5e: {  	s29 =	smul.u32 $0x180, s30;
	_ =	swait.ge [sflag:s21], $0x1800  }
0x5f: {  	[sflag:s21] =	ssyncset.done $0x0  }
0x60: {  	s29 =	sshra.s32 s29, $0x2;
	[sflag:s21] =	ssyncadd.s32 $0xFFFFE800  }
0x61: {  	[tilespmem:s15], [sflag:$0x1] =	stream.indirect.gather [hbm4b:s4+s14], $0x40, s29, s14, $0xb8;
	[tilespmem:$0x15D00] =	vst v63  }
0x62: {  	s31 =	sadd.s32 $0x2EE0, s28  }
0x63: {  	[spmem:s2] =	stream.indirect.scatter.add.f32 [tilespmem:s16], [sflag:$0x5], $0x40, s31, s14, $0xb8;
	[tilespmem:$0x15D00] =	vst v63  }
0x64: {  	s29 =	sadd.s32 $0xFFFFFFFF, s26;
	_ =	swait.ge [sflag:s10], $0x1800  }
0x65: {  	s30 =	smov.u32 s8;
	p0 =	slt.s32 s29, s8;
	[sflag:s10] =	ssyncset.done $0x0  }
0x66: {  	s30 =	smov.u32 @p0 s29;
	[sflag:s10] =	ssyncadd.s32 $0xFFFFE800  }
0x67: {  	s29 =	smul.u32 $0x180, s30;
	_ =	swait.ge [sflag:s22], $0x1800  }
0x68: {  	[sflag:s22] =	ssyncset.done $0x0  }
0x69: {  	s29 =	sshra.s32 s29, $0x2;
	[sflag:s22] =	ssyncadd.s32 $0xFFFFE800  }
0x6a: {  	[tilespmem:s16], [sflag:$0x2] =	stream.indirect.gather [hbm4b:s4+s14], $0x40, s29, s14, $0xb8;
	[tilespmem:$0x15D00] =	vst v63  }
0x6b: {  	s30 =	sadd.s32 $0x2F40, s28  }
0x6c: {  	[spmem:s2] =	stream.indirect.scatter.add.f32 [tilespmem:s18], [sflag:$0x5], $0x40, s30, s14, $0xb8;
	[tilespmem:$0x15D00] =	vst v63  }
0x6d: {  	_ =	swait.ge [sflag:s10], $0x1800  }
0x6e: {  	p0 =	slt.s32 s26, s8;
	s29 =	smov.u32 s8;
	[sflag:s10] =	ssyncset.done $0x0  }
0x6f: {  	s29 =	smov.u32 @p0 s26;
	[sflag:s10] =	ssyncadd.s32 $0xFFFFE800  }
0x70: {  	s26 =	smul.u32 $0x180, s29;
	_ =	swait.ge [sflag:s23], $0x1800  }
0x71: {  	[sflag:s23] =	ssyncset.done $0x0  }
0x72: {  	s26 =	sshra.s32 s26, $0x2;
	[sflag:s23] =	ssyncadd.s32 $0xFFFFE800  }
0x73: {  	[tilespmem:s18], [sflag:$0x3] =	stream.indirect.gather [hbm4b:s4+s14], $0x40, s26, s14, $0xb8;
	[tilespmem:$0x15D00] =	vst v63  }
0x74: {  	s31 =	sadd.s32 $0x2FA0, s28  }
0x75: {  	[spmem:s2] =	stream.indirect.scatter.add.f32 [tilespmem:s20], [sflag:$0x5], $0x40, s31, s14, $0xb8;
	[tilespmem:$0x15D00] =	vst v63  }
0x76: {  	_ =	swait.ge [sflag:s10], $0x1800  }
0x77: {  	[sflag:s10] =	ssyncset.done $0x0  }
0x78: {  	[sflag:s10] =	ssyncadd.s32 $0xFFFFE800  }
0x79: {  	_ =	swait.ge [sflag:s19], $0x1800  }
0x7a: {  	[sflag:s19] =	ssyncset.done $0x0  }
0x7b: {  	[sflag:s19] =	ssyncadd.s32 $0xFFFFE800  }
0x7c: {  	_ =	swait.ge [sflag:s21], $0x1800  }
0x7d: {  	[sflag:s21] =	ssyncset.done $0x0  }
0x7e: {  	[sflag:s21] =	ssyncadd.s32 $0xFFFFE800  }
0x7f: {  	_ =	swait.ge [sflag:s22], $0x1800  }
0x80: {  	s25 =	sadd.s32 $0x1, s25;
	[sflag:s22] =	ssyncset.done $0x0  }
0x81: {  	p0 =	sne.s32 s25, s9;
	[sflag:s22] =	ssyncadd.s32 $0xFFFFE800  }
.Ltmp1:
0x82: {  	[bflag:$0x0] =	sbarrier.arrive $0xFFFF;
	(pc) =	sbr.rel @p0 .LBB2_1-.Ltmp1, $4  }
0x83: {  	[hbm:s24], [sflag:s12] =	dma.local [spmem:s13], $0x1400  }
0x84: {  	_ =	swait.ge [sflag:s10], $0x1400  }
0x85: {  	[sflag:s10] =	ssyncset.done $0x0  }
0x86: {  	[sflag:s10] =	ssyncadd.s32 $0xFFFFEC00  }
0x87: {  	_ =	sfence.sel $0x180000  }
0x88: {  	[bflag:$0x0] =	sbarrier.arrive $0xFFFF  }
0x89: {  	p0 =	sne.s32 s0, $0x0;
	_ =	strace $0x9000004D  }
0x8a: {  	s0 =	sadd.s32 @!p0 $0x100000, s1;
	[bflag:$0x2] =	sbarrier.arrive $0xFFFF  }
0x8b: {  	[sflag:s0] =	ssyncadd.tile.s32 @!p0 $0x1;
	_ =	shalt  }
.Lfunc_end2:
_tile_overlayer_lowered:
.L_overlay_start_2:
0x8c: {  	(tag) =	ssettag $0x2  }
0x8d: {  	s0 =	rddreg [dreg:$0x0];
	s2 =	stileid.u32  }
0x8e: {  	s1 =	rddreg [dreg:$0x1];
	p0 =	sne.s32 s2, $0x0  }
0x8f: {  	s3 =	rddreg [dreg:$0x2];
	[bflag:$0x3] =	sbarrier.arrive $0xFFFF;
	s2 =	simm.s32 @!p0 $0x1C05  }
0x90: {  	[timem:s3], [sflag:s2] =	dma.local @!p0 [hbm:s0], s1  }
0x91: {  	s0 =	simm.s32 @!p0 $0x5  }
0x92: {  	_ =	swait.ge @!p0 [sflag:s0], s1  }
0x93: {  	s1 =	ssub.s32 @!p0 $0x0, s1;
	[sflag:s0] =	ssyncset.done @!p0 $0x0  }
0x94: {  	[sflag:s0] =	ssyncadd.s32 @!p0 s1  }
0x95: {  	[bflag:$0x3] =	sbarrier.arrive $0xFFFF  }
0x96: {  	_ =	shalt  }

// kernel: kernel.19.cloned.1.call-start
scs
__scs_entry_jumppad:
0x0: {  	(pc) =	sbr.rel $0x88, $3  }
0x1: {  	(tag) =	ssettag $0x0;
	lr =	simm.s32 $0x1  }
0x2: {  	[smem:$0x3F99] =	sst lr;
	_ =	strace $0xD0000000  }
0x3: {  	_ = 	snop  }
0x4: {  	_ = 	snop  }
0x5: {  	_ = 	snop  }
0x6: {  	_ = 	snop  }
0x7: {  	_ = 	snop  }
__scs_overlays_trampoline_lowered:
0x8: {  	[smem:$0x3FA8] =	sst s0  }
0x9: {  	[smem:$0x3FA9] =	sst s1  }
0xa: {  	[smem:$0x3FAA] =	sst s2  }
0xb: {  	[smem:$0x3FAB] =	sst s3  }
0xc: {  	[smem:$0x3FAC] =	sst s4  }
0xd: {  	[smem:$0x3FAD] =	sst s5  }
0xe: {  	[smem:$0x3FAE] =	sst s6  }
0xf: {  	[smem:$0x3FAF] =	sst s7  }
0x10: {  	[smem:$0x3FB0] =	sst s8  }
0x11: {  	[smem:$0x3FB1] =	sst s9;
	s0 =	simm.s32 @!p0 $0x0  }
0x12: {  	s1 =	sld [smem:$0x3F97];
	s0 =	simm.s32 @p0 $0x1  }
0x13: {  	[smem:$0x3FB2] =	sst s0;
	s0 =	simm.s32 @!p1 $0x0  }
0x14: {  	s2 =	sld [smem:$0x3F96];
	s0 =	simm.s32 @p1 $0x1  }
0x15: {  	[smem:$0x3FB3] =	sst s0;
	s0 =	simm.s32 @!p2 $0x0  }
0x16: {  	s3 =	sld [smem:$0x3FDB];
	s0 =	simm.s32 @p2 $0x1  }
0x17: {  	s4 =	simm.s32 $0x1BF5;
	[smem:$0x3FB5] =	sst s0  }
0x18: {  	s0 =	sld [smem:$0x3F98];
	_ =	swait.ge [sflag:s4], $0x0  }
0x19: {  	s7 =	sld [smem:$0x3F99]  }
0x1a: {  	s8 =	sadd.s32 $0xFFFFE003, lr  }
0x1b: {  	s9 =	sadd.s32 $0xFFFFFEF7, lr;
	s5 =	simm.s32 $0xFFFFFFFF;
	p2 =	slt.u32 s8, $0xFFFFF086  }
0x1c: {  	p1 =	slt.u32 s9, $0xF7A;
	s5 =	simm.s32 @!p2 $0x0  }
0x1d: {  	s5 =	simm.s32 @p1 $0x1;
	p0 =	seq.s32 s7, s2  }
0x1e: {  	s7 =	smul.u32 @!p0 $0xF7A, s2;
	p2 =	seq.s32 @!p0 s5, $0x0  }
0x1f: {  	s9 =	smul.u32 $0xF7A, s1;
	s8 =	simm.s32 @!p0 $0x1BF5;
	p2 =	por !p2, p0  }
0x20: {  	[sflag:s8] =	ssyncset.s32 @!p0 $0xFFFFF086;
	s6 =	sadd.s32 @!p0 s3, s7;
	s7 =	simm.s32 @!p0 $0x108  }
0x21: {  	s3 =	sadd.s32 s3, s9;
	s6 =	sadd.s32 @!p0 $0x88, s6;
	s7 =	simm.s32 @p2 $0x1082  }
0x22: {  	[simem:s7], [sflag:s8] =	dma.local @!p0 [hbm:s6], $0xF7A  }
0x23: {  	s9 =	sor.u32 $0xD0000000, s2;
	s6 =	simm.s32 $0x108;
	_ =	swait.ge @!p0 [sflag:s8], $0x0  }
0x24: {  	s3 =	sadd.s32 $0x88, s3;
	s6 =	simm.s32 @!p1 $0x1082;
	[sflag:s4] =	ssyncset.s32 $0xFFFFF086  }
0x25: {  	[simem:s6], [sflag:s4] =	dma.local [hbm:s3], $0xF7A  }
0x26: {  	[smem:$0x3F99] =	sst s1;
	(tag) =	ssettag s2;
	_ =	strace s9  }
0x27: {  	s1 =	sld [smem:$0x3FA9]  }
0x28: {  	s2 =	sld [smem:$0x3FAA]  }
0x29: {  	s4 =	sld [smem:$0x3FAC]  }
0x2a: {  	p0 =	seq.s32 s5, $0x0;
	s5 =	sld [smem:$0x3FAD]  }
0x2b: {  	s6 =	sld [smem:$0x3FAE]  }
0x2c: {  	s7 =	sld [smem:$0x3FAF]  }
0x2d: {  	s3 =	simm.s32 $0x108;
	s8 =	sld [smem:$0x3FB0]  }
0x2e: {  	s3 =	simm.s32 @!p0 $0x1082;
	s9 =	sld [smem:$0x3FB1]  }
0x2f: {  	lr =	sadd.s32 s0, s3;
	s0 =	sld [smem:$0x3FA8]  }
0x30: {  	s3 =	sld [smem:$0x3FAB]  }
0x31: {  	[smem:$0x3FB4] =	sst s10  }
0x32: {  	s10 =	sld [smem:$0x3FB2];
	_ =	sdelay $0x3  }
0x33: {  	p0 =	seq.s32 s10, $0x1;
	s10 =	sld [smem:$0x3FB4];
	_ =	sdelay $0x3  }
0x34: {  	[smem:$0x3FB4] =	sst s10  }
0x35: {  	s10 =	sld [smem:$0x3FB3];
	_ =	sdelay $0x3  }
0x36: {  	p1 =	seq.s32 s10, $0x1;
	s10 =	sld [smem:$0x3FB4];
	_ =	sdelay $0x3  }
0x37: {  	[smem:$0x3FB4] =	sst s10  }
0x38: {  	s10 =	sld [smem:$0x3FB5]  }
0x39: {  	_ = 	snop;
	(pc) =	sbr.ind lr, $3  }
0x3a: {  	_ = 	snop  }
0x3b: {  	_ = 	snop  }
0x3c: {  	p2 =	seq.s32 s10, $0x1;
	s10 =	sld [smem:$0x3FB4]  }
0x3d: {  	_ =	shalt  }
0x3e: {  	_ =	shalt  }
0x3f: {  	_ =	shalt  }
0x40: {  	_ =	shalt  }
0x41: {  	_ =	shalt  }
0x42: {  	_ =	shalt  }
0x43: {  	_ =	shalt  }
0x44: {  	_ =	shalt  }
0x45: {  	_ =	shalt  }
0x46: {  	_ =	shalt  }
0x47: {  	_ =	shalt  }
0x48: {  	_ =	shalt  }
0x49: {  	_ =	shalt  }
0x4a: {  	_ =	shalt  }
0x4b: {  	_ =	shalt  }
0x4c: {  	_ =	shalt  }
0x4d: {  	_ =	shalt  }
0x4e: {  	_ =	shalt  }
0x4f: {  	_ =	shalt  }
0x50: {  	_ =	shalt  }
0x51: {  	_ =	shalt  }
0x52: {  	_ =	shalt  }
0x53: {  	_ =	shalt  }
0x54: {  	_ =	shalt  }
0x55: {  	_ =	shalt  }
0x56: {  	_ =	shalt  }
0x57: {  	_ =	shalt  }
0x58: {  	_ =	shalt  }
0x59: {  	_ =	shalt  }
0x5a: {  	_ =	shalt  }
0x5b: {  	_ =	shalt  }
0x5c: {  	_ =	shalt  }
0x5d: {  	_ =	shalt  }
0x5e: {  	_ =	shalt  }
0x5f: {  	_ =	shalt  }
0x60: {  	_ =	shalt  }
0x61: {  	_ =	shalt  }
0x62: {  	_ =	shalt  }
0x63: {  	_ =	shalt  }
0x64: {  	_ =	shalt  }
0x65: {  	_ =	shalt  }
0x66: {  	_ =	shalt  }
0x67: {  	_ =	shalt  }
0x68: {  	_ =	shalt  }
0x69: {  	_ =	shalt  }
0x6a: {  	_ =	shalt  }
0x6b: {  	_ =	shalt  }
0x6c: {  	_ =	shalt  }
0x6d: {  	_ =	shalt  }
0x6e: {  	_ =	shalt  }
0x6f: {  	_ =	shalt  }
0x70: {  	_ =	shalt  }
0x71: {  	_ =	shalt  }
0x72: {  	_ =	shalt  }
0x73: {  	_ =	shalt  }
0x74: {  	_ =	shalt  }
0x75: {  	_ =	shalt  }
0x76: {  	_ =	shalt  }
0x77: {  	_ =	shalt  }
0x78: {  	_ =	shalt  }
0x79: {  	_ =	shalt  }
0x7a: {  	_ =	shalt  }
0x7b: {  	_ =	shalt  }
0x7c: {  	_ =	shalt  }
0x7d: {  	_ =	shalt  }
0x7e: {  	_ =	shalt  }
0x7f: {  	_ =	shalt  }
0x80: {  	_ =	shalt  }
0x81: {  	_ =	shalt  }
0x82: {  	_ =	shalt  }
0x83: {  	_ =	shalt  }
0x84: {  	_ =	shalt  }
0x85: {  	_ =	shalt  }
0x86: {  	_ =	shalt  }
0x87: {  	_ =	shalt  }
.Lfunc_end0:
.L_simem_size_0:
called_computation.3_lowered:
.L_overlay_start_0:
0x88: {  	s2 =	sld [smem:$0x3FD9]  }
0x89: {  	s3 =	sld [smem:$0x3FFE];
	_ =	sdelay $0x1  }
0x8a: {  	s1 =	srdreg.scid  }
0x8b: {  	s0 =	sand.u32 $0x1, s1  }
0x8c: {  	s17 =	sshll.u32 s0, $0xA;
	s2 =	sadd.s32 s3, s2  }
0x8d: {  	s2 =	sadd.s32 s2, s17  }
0x8e: {  	[smem:$0x3FC0] =	sst s2  }
0x8f: {  	_ = 	snop  }
0x90: {  	s2 =	sld [smem:$0x3FD0];
	(tm) =	ssettm $0x1  }
0x91: {  	s18 =	sld [smem:$0x3FFB];
	_ =	sdelay $0x3  }
0x92: {  	_ =	strace s18  }
0x93: {  	s3 =	sld [smem:$0x3FFC];
	_ =	sdelay $0x3  }
0x94: {  	_ =	strace s3  }
0x95: {  	s3 =	sld [smem:$0x3FFD];
	_ =	sdelay $0x3  }
0x96: {  	_ =	strace s3  }
0x97: {  	_ =	strace $0x8FFFFFFF  }
0x98: {  	s19 =	sld [smem:$0x3FDB];
	_ =	sdelay $0x1  }
0x99: {  	s4 =	simm.s32 $_scs_section_size  }
0x9a: {  	s5 =	simm.s32 $_size__tile_overlayer_lowered;
	s6 =	simm.s32 $_tile_overlayer_lowered  }
0x9b: {  	s22 =	simm.s32 $0x1BFF;
	s21 =	sshll.u32 s6, $0x1;
	s3 =	sadd.s32 s4, s19  }
0x9c: {  	s7 =	simm.s32 $0x0;
	s20 =	sshll.u32 s5, $0x1;
	s5 =	sadd.s32 s21, s3  }
0x9d: {  	[timem:s7], [sflag:s22] =	dma.local [hbm:s5], s20  }
0x9e: {  	_ =	swait.ge [sflag:s22], s20  }
0x9f: {  	s4 =	ssub.s32 $0x0, s20;
	[sflag:s22] =	ssyncset.done $0x0  }
0xa0: {  	[sflag:s22] =	ssyncadd.s32 s4;
	_ =	sdelay $0x1  }
0xa1: {  	s23 =	simm.s32 $0x1B8B  }
0xa2: {  	_ =	swait.ge [sflag:s23], $0x1  }
0xa3: {  	[sflag:s23] =	ssyncset.done $0x0  }
0xa4: {  	s25 =	simm.s32 $0x1B8E;
	s24 =	sld [smem:$0x3FFE];
	[sflag:s23] =	ssyncadd.s32 $0xFFFFFFFF  }
0xa5: {  	s26 =	simm.s32 $execute0_lowered;
	[smem:$0x3FD2] =	sst s25  }
0xa6: {  	s5 =	sshll.u32 s26, $0x1;
	_ =	strace $0x8000004F;
	[dreg:$0x1] =	wrdreg $0xFFFFFFFF  }
0xa7: {  	s28 =	simm.s32 $_size_execute0_lowered;
	s3 =	sadd.s32 s3, s5;
	[dreg:$0x0] =	wrdreg $0x0  }
0xa8: {  	s5 =	sshll.u32 s28, $0x1;
	[dreg:$0x2] =	wrdreg s3  }
0xa9: {  	[dreg:$0x3] =	wrdreg s5  }
0xaa: {  	[dreg:$0x4] =	wrdreg $0xC0  }
0xab: {  	_ =	task [dreg:s7], $0x5FFFF  }
0xac: {  	[dreg:$0x1] =	wrdreg $0xFFFFFFFF  }
0xad: {  	[dreg:$0x0] =	wrdreg $0x60  }
0xae: {  	[dreg:$0x2] =	wrdreg s24  }
0xaf: {  	[dreg:$0x3] =	wrdreg s2  }
0xb0: {  	[dreg:$0x4] =	wrdreg $0xA5000  }
0xb1: {  	[dreg:$0x5] =	wrdreg $0x9  }
0xb2: {  	_ =	task.clear_ibuf [dreg:s7], $0x6FFFF;
	_ =	strace $0x9000004F  }
0xb3: {  	s29 =	simm.s32 $0x9;
	_ =	strace $0x80000051  }
0xb4: {  	_ =	swait.ge [sflag:s29], $0x1  }
0xb5: {  	[sflag:s29] =	ssyncadd.s32 $0xFFFFFFFF  }
0xb6: {  	_ =	strace $0x90000051  }
0xb7: {  	_ =	sfence  }
0xb8: {  	s30 =	sld [smem:$0x0];
	_ =	sdelay $0x2  }
0xb9: {  	s31 =	sshll.u32 s1, $0xD;
	s1 =	sshrl.u32 s1, $0x2  }
0xba: {  	s3 =	sand.u32 $0x4000, s31;
	s1 =	sadd.s32 s1, s30  }
0xbb: {  	s0 =	sor.u32 s3, s0;
	s1 =	sshll.u32 s1, $0x11  }
0xbc: {  	s0 =	sor.u32 s1, s0  }
0xbd: {  	s0 =	sadd.s32 $0x8F2B, s0  }
0xbe: {  	[sflag:s0] =	ssyncadd.remote.s32 $0x1  }
0xbf: {  	_ =	sfence.sel $0xFFFF  }
0xc0: {  	[dreg:$0x0] =	wrdreg $0xFFFFFFFF;
	(pc) =	sbr.abs _section_cstart, $3  }
0xc1: {  	[dreg:$0x1] =	wrdreg $0xFFFFFFFF  }
0xc2: {  	_ =	task.clear_ibuf [dreg:s7], $0x2FFFF;
	_ =	strace $0x9FFFFFFF  }
0xc3: {  	(tm) =	ssettm $0x7FFFFFFF  }
tec
execute0_lowered:
.L_overlay_start_1:
0x0: {  	(tag) =	ssettag $0x1  }
0x1: {  	s0 =	stileid.u32;
	s5 =	rddreg [dreg:$0x0]  }
0x2: {  	s1 =	srdreg.scid;
	s7 =	rddreg [dreg:$0x1];
	s3 =	simm.s32 $0x0  }
0x3: {  	s12 =	simm.s32 $0x7C;
	s16 =	simm.s32 $0x6F00;
	s17 =	simm.s32 $0xC0  }
0x4: {  	s18 =	simm.s32 $0x8100;
	s19 =	simm.s32 $0x1;
	s20 =	simm.s32 $0x9300  }
0x5: {  	s21 =	simm.s32 $0x2;
	s22 =	simm.s32 $0x3;
	s2 =	smul.u32 $0x5C, s0  }
0x6: {  	s23 =	simm.s32 $0x4;
	s6 =	sand.u32 $0x1, s1;
	s1 =	smul.u32 $0x7C, s0  }
0x7: {  	[smem:$0x7FF] =	sst s3;
	s9 =	smul.u32 $0x7800, s0;
	s31 =	sshll.u32 s0, $0x6  }
0x8: {  	p0 =	seq.s32 s6, $0x0;
	s11 =	smul.u32 $0xF000, s6;
	s6 =	ssub.s32 $0x2, s6  }
0x9: {  	s4 =	sadd.s32 $0x7C0, s2;
	s2 =	rddreg [dreg:$0x2];
	s24 =	sshrl.u32 s9, $0x3  }
0xa: {  	s14 =	sshrl.u32 s6, $0x1;
	s12 =	simm.s32 @!p0 $0x5C;
	s4 =	smov.u32 @p0 s1  }
0xb: {  	s1 =	rddreg [dreg:$0x3];
	_ =	strace $0x80000050;
	s13 =	sadd.s32 s24, s5  }
0xc: {  	s11 =	sadd.s32 s11, s5;
	s14 =	ssub.s32 s6, s14;
	s15 =	sshrl.u32 s12, $0x2  }
0xd: {  	s30 =	sadd.s32 s9, s2;
	s8 =	smul.u32 $0xC, s4;
	s4 =	sadd.s32 $0x61400, s5  }
0xe: {  	s29 =	smul.u32 $0x600, s15;
	s25 =	sadd.s32 $0x7A800, s11;
	s9 =	smax.u32 s14, $0x1  }
0xf: {  	s11 =	simm.s32 $0x2E80;
	s14 =	simm.s32 $0x60;
	s15 =	simm.s32 $0x5D00  }
0x10: {  	s24 =	sadd.s32 s24, s25;
	s25 =	simm.s32 $0x0;
	s10 =	sadd.s32 s8, s5  }
0x11: {  	s5 =	sadd.s32 s7, s8;
	s7 =	sadd.s32 $0x52400, s13;
	s8 =	sadd.s32 $0xFFFFFFFF, s12  }
0x12: {  	s12 =	sor.u32 $0x1C05, s31;
	s6 =	sadd.s32 $0x70400, s10;
	s10 =	sadd.s32 $0xFFFFFA00, s29  }
0x13: {  	s13 =	sshrl.u32 s30, $0x3;
	[dreg:$0x4] =	wrdreg s10;
	s10 =	simm.s32 $0x5  }
.LBB2_1:
0x14: {  	[tilespmem:s3], [sflag:$0x5] =	stream.linear.gather [hbm4b:s5+s3], $0x2E80, $0x38;
	[tilespmem:$0x11D00] =	vst v63  }
0x15: {  	_ =	swait.ge [sflag:s10], $0x2E80  }
0x16: {  	[sflag:s10] =	ssyncset.done $0x0  }
0x17: {  	[sflag:s10] =	ssyncadd.s32 $0xFFFFD180  }
0x18: {  	[tilespmem:s11], [sflag:$0x5] =	stream.linear.gather [hbm4b:s6+s3], $0x2E80, $0x38;
	[tilespmem:$0x11D00] =	vst v63  }
0x19: {  	_ =	swait.ge [sflag:s10], $0x2E80  }
0x1a: {  	[sflag:s10] =	ssyncset.done $0x0  }
0x1b: {  	[sflag:s10] =	ssyncadd.s32 $0xFFFFD180  }
0x1c: {  	[spmem:s13], [sflag:s12] =	dma.local [hbm:s7], $0xF00  }
0x1d: {  	_ =	swait.ge [sflag:s10], $0xF00  }
0x1e: {  	[sflag:s10] =	ssyncset.done $0x0  }
0x1f: {  	[sflag:s10] =	ssyncadd.s32 $0xFFFFF100  }
0x20: {  	[bflag:$0x0] =	sbarrier.arrive $0xFFFF  }
0x21: {  	[tilespmem:s15], [sflag:$0x1] =	stream.indirect.gather [hbm4b:s4+s14], $0x30, s3, s14, $0xb8;
	[tilespmem:$0x11D00] =	vst v63  }
0x22: {  	_ = 	snop  }
0x23: {  	[tilespmem:s16], [sflag:$0x2] =	stream.indirect.gather [hbm4b:s4+s14], $0x30, s14, s14, $0xb8;
	[tilespmem:$0x11D00] =	vst v63  }
0x24: {  	s26 =	simm.s32 $0x6;
	s28 =	simm.s32 $0x0  }
0x25: {  	[tilespmem:s18], [sflag:$0x3] =	stream.indirect.gather [hbm4b:s4+s14], $0x30, s17, s14, $0xb8;
	[tilespmem:$0x11D00] =	vst v63  }
.LBB2_2:
0x26: {  	s29 =	sadd.s32 $0xFFFFFFFD, s26  }
0x27: {  	s30 =	smov.u32 s8;
	p0 =	slt.s32 s29, s8  }
0x28: {  	s30 =	smov.u32 @p0 s29  }
0x29: {  	_ =	swait.ge [sflag:s19], $0x1200;
	s29 =	smul.u32 $0x180, s30  }
0x2a: {  	[sflag:s19] =	ssyncset.done $0x0  }
0x2b: {  	[sflag:s19] =	ssyncadd.s32 $0xFFFFEE00;
	s29 =	sshra.s32 s29, $0x2  }
0x2c: {  	[tilespmem:s20], [sflag:$0x4] =	stream.indirect.gather [hbm4b:s4+s14], $0x30, s29, s14, $0xb8;
	[tilespmem:$0x11D00] =	vst v63  }
0x2d: {  	s29 =	sshra.s32 s28, $0x2  }
0x2e: {  	s31 =	sadd.s32 $0x2E80, s29  }
0x2f: {  	[spmem:s2] =	stream.indirect.scatter.add.f32 [tilespmem:s15], [sflag:$0x5], $0x30, s31, s14, $0xb8;
	[tilespmem:$0x11D00] =	vst v63  }
0x30: {  	s30 =	sadd.s32 $0xFFFFFFFE, s26;
	_ =	swait.ge [sflag:s10], $0x1200  }
0x31: {  	p0 =	slt.s32 s30, s8;
	s31 =	smov.u32 s8;
	[sflag:s10] =	ssyncset.done $0x0  }
0x32: {  	s31 =	smov.u32 @p0 s30;
	[sflag:s10] =	ssyncadd.s32 $0xFFFFEE00  }
0x33: {  	s30 =	smul.u32 $0x180, s31;
	_ =	swait.ge [sflag:s21], $0x1200  }
0x34: {  	[sflag:s21] =	ssyncset.done $0x0  }
0x35: {  	s30 =	sshra.s32 s30, $0x2;
	[sflag:s21] =	ssyncadd.s32 $0xFFFFEE00  }
0x36: {  	[tilespmem:s15], [sflag:$0x1] =	stream.indirect.gather [hbm4b:s4+s14], $0x30, s30, s14, $0xb8;
	[tilespmem:$0x11D00] =	vst v63  }
0x37: {  	s31 =	sadd.s32 $0x2EE0, s29  }
0x38: {  	[spmem:s2] =	stream.indirect.scatter.add.f32 [tilespmem:s16], [sflag:$0x5], $0x30, s31, s14, $0xb8;
	[tilespmem:$0x11D00] =	vst v63  }
0x39: {  	s30 =	sadd.s32 $0xFFFFFFFF, s26;
	_ =	swait.ge [sflag:s10], $0x1200  }
0x3a: {  	p0 =	slt.s32 s30, s8;
	s31 =	smov.u32 s8;
	[sflag:s10] =	ssyncset.done $0x0  }
0x3b: {  	s31 =	smov.u32 @p0 s30;
	[sflag:s10] =	ssyncadd.s32 $0xFFFFEE00  }
0x3c: {  	s30 =	smul.u32 $0x180, s31;
	_ =	swait.ge [sflag:s22], $0x1200  }
0x3d: {  	[sflag:s22] =	ssyncset.done $0x0  }
0x3e: {  	s30 =	sshra.s32 s30, $0x2;
	[sflag:s22] =	ssyncadd.s32 $0xFFFFEE00  }
0x3f: {  	[tilespmem:s16], [sflag:$0x2] =	stream.indirect.gather [hbm4b:s4+s14], $0x30, s30, s14, $0xb8;
	[tilespmem:$0x11D00] =	vst v63  }
0x40: {  	s31 =	sadd.s32 $0x2F40, s29  }
0x41: {  	[spmem:s2] =	stream.indirect.scatter.add.f32 [tilespmem:s18], [sflag:$0x5], $0x30, s31, s14, $0xb8;
	[tilespmem:$0x11D00] =	vst v63  }
0x42: {  	_ =	swait.ge [sflag:s10], $0x1200  }
0x43: {  	p0 =	slt.s32 s26, s8;
	s30 =	smov.u32 s8;
	[sflag:s10] =	ssyncset.done $0x0  }
0x44: {  	s30 =	smov.u32 @p0 s26;
	[sflag:s10] =	ssyncadd.s32 $0xFFFFEE00  }
0x45: {  	s30 =	smul.u32 $0x180, s30;
	_ =	swait.ge [sflag:s23], $0x1200  }
0x46: {  	[sflag:s23] =	ssyncset.done $0x0  }
0x47: {  	s30 =	sshra.s32 s30, $0x2;
	[sflag:s23] =	ssyncadd.s32 $0xFFFFEE00  }
0x48: {  	[tilespmem:s18], [sflag:$0x3] =	stream.indirect.gather [hbm4b:s4+s14], $0x30, s30, s14, $0xb8;
	[tilespmem:$0x11D00] =	vst v63  }
0x49: {  	s29 =	sadd.s32 $0x2FA0, s29  }
0x4a: {  	[spmem:s2] =	stream.indirect.scatter.add.f32 [tilespmem:s20], [sflag:$0x5], $0x30, s29, s14, $0xb8;
	[tilespmem:$0x11D00] =	vst v63  }
0x4b: {  	_ =	swait.ge [sflag:s10], $0x1200  }
0x4c: {  	s28 =	sadd.s32 $0x600, s28;
	s31 =	rddreg [dreg:$0x4]  }
0x4d: {  	p0 =	sne.s32 s31, s28  }
.Ltmp0:
0x4e: {  	_ = 	snop;
	(pc) =	sbr.rel @p0 .LBB2_2-.Ltmp0, $3  }
0x4f: {  	_ =	sdelay $0x1  }
0x50: {  	[sflag:s10] =	ssyncset.done $0x0  }
0x51: {  	s26 =	sadd.s32 $0x4, s26;
	[sflag:s10] =	ssyncadd.s32 $0xFFFFEE00  }
0x52: {  	s29 =	sadd.s32 $0xFFFFFFFD, s26  }
0x53: {  	s30 =	smov.u32 s8;
	p0 =	slt.s32 s29, s8  }
0x54: {  	s30 =	smov.u32 @p0 s29  }
0x55: {  	_ =	swait.ge [sflag:s19], $0x1200;
	s29 =	smul.u32 $0x180, s30  }
0x56: {  	[sflag:s19] =	ssyncset.done $0x0  }
0x57: {  	s28 =	sshra.s32 s28, $0x2;
	[sflag:s19] =	ssyncadd.s32 $0xFFFFEE00;
	s29 =	sshra.s32 s29, $0x2  }
0x58: {  	[tilespmem:s20], [sflag:$0x4] =	stream.indirect.gather [hbm4b:s4+s14], $0x30, s29, s14, $0xb8;
	[tilespmem:$0x11D00] =	vst v63  }
0x59: {  	s30 =	sadd.s32 $0x2E80, s28  }
0x5a: {  	[spmem:s2] =	stream.indirect.scatter.add.f32 [tilespmem:s15], [sflag:$0x5], $0x30, s30, s14, $0xb8;
	[tilespmem:$0x11D00] =	vst v63  }
0x5b: {  	s29 =	sadd.s32 $0xFFFFFFFE, s26;
	_ =	swait.ge [sflag:s10], $0x1200  }
0x5c: {  	p0 =	slt.s32 s29, s8;
	s30 =	smov.u32 s8;
	[sflag:s10] =	ssyncset.done $0x0  }
0x5d: {  	s30 =	smov.u32 @p0 s29;
	[sflag:s10] =	ssyncadd.s32 $0xFFFFEE00  }
0x5e: {  	s29 =	smul.u32 $0x180, s30;
	_ =	swait.ge [sflag:s21], $0x1200  }
0x5f: {  	[sflag:s21] =	ssyncset.done $0x0  }
0x60: {  	s29 =	sshra.s32 s29, $0x2;
	[sflag:s21] =	ssyncadd.s32 $0xFFFFEE00  }
0x61: {  	[tilespmem:s15], [sflag:$0x1] =	stream.indirect.gather [hbm4b:s4+s14], $0x30, s29, s14, $0xb8;
	[tilespmem:$0x11D00] =	vst v63  }
0x62: {  	s31 =	sadd.s32 $0x2EE0, s28  }
0x63: {  	[spmem:s2] =	stream.indirect.scatter.add.f32 [tilespmem:s16], [sflag:$0x5], $0x30, s31, s14, $0xb8;
	[tilespmem:$0x11D00] =	vst v63  }
0x64: {  	s29 =	sadd.s32 $0xFFFFFFFF, s26;
	_ =	swait.ge [sflag:s10], $0x1200  }
0x65: {  	s30 =	smov.u32 s8;
	p0 =	slt.s32 s29, s8;
	[sflag:s10] =	ssyncset.done $0x0  }
0x66: {  	s30 =	smov.u32 @p0 s29;
	[sflag:s10] =	ssyncadd.s32 $0xFFFFEE00  }
0x67: {  	s29 =	smul.u32 $0x180, s30;
	_ =	swait.ge [sflag:s22], $0x1200  }
0x68: {  	[sflag:s22] =	ssyncset.done $0x0  }
0x69: {  	s29 =	sshra.s32 s29, $0x2;
	[sflag:s22] =	ssyncadd.s32 $0xFFFFEE00  }
0x6a: {  	[tilespmem:s16], [sflag:$0x2] =	stream.indirect.gather [hbm4b:s4+s14], $0x30, s29, s14, $0xb8;
	[tilespmem:$0x11D00] =	vst v63  }
0x6b: {  	s30 =	sadd.s32 $0x2F40, s28  }
0x6c: {  	[spmem:s2] =	stream.indirect.scatter.add.f32 [tilespmem:s18], [sflag:$0x5], $0x30, s30, s14, $0xb8;
	[tilespmem:$0x11D00] =	vst v63  }
0x6d: {  	_ =	swait.ge [sflag:s10], $0x1200  }
0x6e: {  	p0 =	slt.s32 s26, s8;
	s29 =	smov.u32 s8;
	[sflag:s10] =	ssyncset.done $0x0  }
0x6f: {  	s29 =	smov.u32 @p0 s26;
	[sflag:s10] =	ssyncadd.s32 $0xFFFFEE00  }
0x70: {  	s26 =	smul.u32 $0x180, s29;
	_ =	swait.ge [sflag:s23], $0x1200  }
0x71: {  	[sflag:s23] =	ssyncset.done $0x0  }
0x72: {  	s26 =	sshra.s32 s26, $0x2;
	[sflag:s23] =	ssyncadd.s32 $0xFFFFEE00  }
0x73: {  	[tilespmem:s18], [sflag:$0x3] =	stream.indirect.gather [hbm4b:s4+s14], $0x30, s26, s14, $0xb8;
	[tilespmem:$0x11D00] =	vst v63  }
0x74: {  	s31 =	sadd.s32 $0x2FA0, s28  }
0x75: {  	[spmem:s2] =	stream.indirect.scatter.add.f32 [tilespmem:s20], [sflag:$0x5], $0x30, s31, s14, $0xb8;
	[tilespmem:$0x11D00] =	vst v63  }
0x76: {  	_ =	swait.ge [sflag:s10], $0x1200  }
0x77: {  	[sflag:s10] =	ssyncset.done $0x0  }
0x78: {  	[sflag:s10] =	ssyncadd.s32 $0xFFFFEE00  }
0x79: {  	_ =	swait.ge [sflag:s19], $0x1200  }
0x7a: {  	[sflag:s19] =	ssyncset.done $0x0  }
0x7b: {  	[sflag:s19] =	ssyncadd.s32 $0xFFFFEE00  }
0x7c: {  	_ =	swait.ge [sflag:s21], $0x1200  }
0x7d: {  	[sflag:s21] =	ssyncset.done $0x0  }
0x7e: {  	[sflag:s21] =	ssyncadd.s32 $0xFFFFEE00  }
0x7f: {  	_ =	swait.ge [sflag:s22], $0x1200  }
0x80: {  	s25 =	sadd.s32 $0x1, s25;
	[sflag:s22] =	ssyncset.done $0x0  }
0x81: {  	p0 =	sne.s32 s25, s9;
	[sflag:s22] =	ssyncadd.s32 $0xFFFFEE00  }
.Ltmp1:
0x82: {  	[bflag:$0x0] =	sbarrier.arrive $0xFFFF;
	(pc) =	sbr.rel @p0 .LBB2_1-.Ltmp1, $4  }
0x83: {  	[hbm:s24], [sflag:s12] =	dma.local [spmem:s13], $0xF00  }
0x84: {  	_ =	swait.ge [sflag:s10], $0xF00  }
0x85: {  	[sflag:s10] =	ssyncset.done $0x0  }
0x86: {  	[sflag:s10] =	ssyncadd.s32 $0xFFFFF100  }
0x87: {  	_ =	sfence.sel $0x180000  }
0x88: {  	[bflag:$0x0] =	sbarrier.arrive $0xFFFF  }
0x89: {  	p0 =	sne.s32 s0, $0x0;
	_ =	strace $0x90000050  }
0x8a: {  	s0 =	sadd.s32 @!p0 $0x100000, s1;
	[bflag:$0x2] =	sbarrier.arrive $0xFFFF  }
0x8b: {  	[sflag:s0] =	ssyncadd.tile.s32 @!p0 $0x1;
	_ =	shalt  }
.Lfunc_end2:
_tile_overlayer_lowered:
.L_overlay_start_2:
0x8c: {  	(tag) =	ssettag $0x2  }
0x8d: {  	s0 =	rddreg [dreg:$0x0];
	s2 =	stileid.u32  }
0x8e: {  	s1 =	rddreg [dreg:$0x1];
	p0 =	sne.s32 s2, $0x0  }
0x8f: {  	s3 =	rddreg [dreg:$0x2];
	[bflag:$0x3] =	sbarrier.arrive $0xFFFF;
	s2 =	simm.s32 @!p0 $0x1C05  }
0x90: {  	[timem:s3], [sflag:s2] =	dma.local @!p0 [hbm:s0], s1  }
0x91: {  	s0 =	simm.s32 @!p0 $0x5  }
0x92: {  	_ =	swait.ge @!p0 [sflag:s0], s1  }
0x93: {  	s1 =	ssub.s32 @!p0 $0x0, s1;
	[sflag:s0] =	ssyncset.done @!p0 $0x0  }
0x94: {  	[sflag:s0] =	ssyncadd.s32 @!p0 s1  }
0x95: {  	[bflag:$0x3] =	sbarrier.arrive $0xFFFF  }
0x96: {  	_ =	shalt  }

</sc_bundles>
